<compile_context>
chip_gen: v7x
topology: tpu7x:2x2x1
jax: 0.10.2.dev20260603
libtpu: 0.0.44.dev20260713+nightly
codegen_flags: <defaults>
</compile_context>

<pallas_src>
import functools

import jax
import jax.numpy as jnp
from jax import lax
from jax.experimental import pallas as pl
from jax.experimental.pallas import tpu as pltpu
from jax.experimental.pallas import tpu_sc as plsc

_NUM_CORES = 2
_NUM_SUBCORES = 16
_LANES = 16
_TILE_W = 128
_BATCH = 8
_DEPTH = 3


def _gather_sc(idx, table_t, b, d):
    nw = _NUM_CORES * _NUM_SUBCORES
    b_per_w = b // nw
    n_batches = b_per_w // _BATCH

    @functools.partial(
        pl.kernel,
        mesh=plsc.VectorSubcoreMesh(core_axis_name="c", subcore_axis_name="s"),
        out_type=jax.ShapeDtypeStruct((d * b,), jnp.float32),
        scratch_types=[
            pltpu.VMEM((b_per_w + _BATCH,), jnp.int32),
            pltpu.VMEM((_DEPTH * _BATCH * d, _TILE_W), jnp.float32),
            pltpu.VMEM((d * b_per_w,), jnp.float32),
            pltpu.SemaphoreType.DMA,
        ],
        compiler_params=pltpu.CompilerParams(
            use_tc_tiling_on_sc=True, needs_layout_passes=False
        ),
    )
    def gather_kernel(idx_hbm, table_hbm, out_hbm, idx_v, buf_v, vals_v, sem):
        wid = lax.axis_index("s") * _NUM_CORES + lax.axis_index("c")
        base = wid * b_per_w
        pltpu.sync_copy(idx_hbm.at[pl.ds(base, b_per_w)],
                        idx_v.at[pl.ds(0, b_per_w)])

        lanes = lax.iota(jnp.int32, _LANES)

        def splat(x):
            return jnp.full((_LANES,), x, jnp.int32)

        def batch_vec(g):
            return idx_v[pl.ds(g * _BATCH, 2 * _BATCH)]

        def fire(g):
            vec = batch_vec(g)
            sl = lax.rem(g, _DEPTH) * _BATCH
            for k in range(_BATCH):
                col = (vec[k] >> 7) * _TILE_W
                col = pl.multiple_of(col, _TILE_W)
                pltpu.async_copy(
                    table_hbm.at[:, pl.ds(col, _TILE_W)],
                    buf_v.at[pl.ds((sl + k) * d, d)],
                    sem,
                )

        def drain_extract(g):
            sl = lax.rem(g, _DEPTH) * _BATCH
            for k in range(_BATCH):
                pltpu.make_async_copy(
                    table_hbm.at[:, pl.ds(0, _TILE_W)],
                    buf_v.at[pl.ds((sl + k) * d, d)],
                    sem,
                ).wait()
            vec = batch_vec(g)
            for k in range(_BATCH):
                li = g * _BATCH + k
                lane = splat(vec[k] & (_TILE_W - 1))
                row0 = splat((sl + k) * d)
                for h in range(d // _LANES):
                    evec = lanes + h * _LANES
                    v = plsc.load_gather(buf_v, [row0 + evec, lane])
                    plsc.store_scatter(vals_v, [evec * b_per_w + li], v)

        fire(jnp.int32(0))
        fire(jnp.int32(1))

        def body(g, carry):
            drain_extract(g)
            fire(g + 2)
            return carry

        lax.fori_loop(0, n_batches - 2, body, jnp.int32(0))
        drain_extract(jnp.int32(n_batches - 2))
        drain_extract(jnp.int32(n_batches - 1))

        for e in range(d):
            pltpu.sync_copy(
                vals_v.at[pl.ds(e * b_per_w, b_per_w)],
                out_hbm.at[pl.ds(e * b + base, b_per_w)],
            )

    return gather_kernel(idx, table_t)


def kernel(index, table):
    b = index.shape[0]
    d = table.shape[1]
    idx = index.astype(jnp.int32)
    out_flat = _gather_sc(idx, table.T, b, d)
    return out_flat.reshape(d, b).T.reshape(b, d, 1, 1)

# --- scband reference (transcript-rebuilt; emitter-appended) ---
"""Pipeline reference for scband-embedding-57836029608487 (READ-ONLY COPY).

The authoritative reference and input builder live on the scoring server;
editing this copy changes nothing except your own understanding.
"""

import jax, jax.numpy as jnp
import numpy as np

NUM_CLASSES = 1000000
EMBED_OUT = 32
BATCH = 16384


def setup_inputs(seed: int = 0) -> dict:
    key = jax.random.key(seed)
    k_idx, k_tab = jax.random.split(key)
    index = jax.random.randint(k_idx, (BATCH,), 0, NUM_CLASSES, dtype=jnp.int64 if jax.config.jax_enable_x64 else jnp.int32)
    table = jax.random.normal(k_tab, (NUM_CLASSES, EMBED_OUT), dtype=jnp.float32)
    return {"index": index, "table": table}


def reference(index, table):
    # nn.Embedding lookup followed by unsqueeze(2).unsqueeze(3)
    emb = jnp.take(table, index, axis=0)           # [B, embed_out]
    out = emb[:, :, None, None]                    # [B, embed_out, 1, 1]
    return out

if __name__ == "__main__":
    import jax
    _d = setup_inputs()
    print(jax.jit(kernel)(*tuple(_d.values())))

</pallas_src>

<mosaic_0001>
#map = affine_map<(d0, d1) -> (0)>
#map1 = affine_map<(d0, d1) -> (0, 0)>
module attributes {stable_mosaic.version = 14 : i64} {
  func.func @gather_kernel(%arg0: i32, %arg1: i32, %arg2: memref<16384xi32, #tpu.memory_space<hbm>>, %arg3: memref<32x1000000xf32, #tpu.memory_space<hbm>>, %arg4: memref<524288xf32, #tpu.memory_space<hbm>>, %arg5: memref<520xi32, #tpu.memory_space<vmem>>, %arg6: memref<768x128xf32, #tpu.memory_space<vmem>>, %arg7: memref<16384xf32, #tpu.memory_space<vmem>>, %arg8: memref<!tpu.dma_semaphore, #tpu.memory_space<semaphore_mem>>) attributes {dimension_semantics = [#tpu.dimension_semantics<core_parallel>, #tpu.dimension_semantics<subcore_parallel>], iteration_bounds = array<i64: 2, 16>, scalar_prefetch = 0 : i64, scratch_operands = 4 : i64, tpu.core_type = #tpu.core_type<sc_vector_subcore>, window_params = [{transform_indices = #map}, {transform_indices = #map1}, {transform_indices = #map}]} {
    %mul3A = arith.constant 2 : i32
    %mul3A_0 = arith.muli %arg1, %mul3A : i32
    %add3A = arith.addi %mul3A_0, %arg0 : i32
    %mul3A_1 = arith.constant 512 : i32
    %mul3A_2 = arith.muli %add3A, %mul3A_1 : i32
    "tpu.region"() ({
      %run_scoped3A = tpu.sem_alloc : memref<!tpu.dma_semaphore, #tpu.memory_space<semaphore_mem>>
      %dma_start3A_1189 = arith.constant 0 : i32
      %dma_start3A_1190 = tpu.memref_slice %arg5[%dma_start3A_1189] : memref<520xi32, #tpu.memory_space<vmem>> -> memref<512xi32, #tpu.memory_space<vmem>>
      %dma_start3A_1191 = tpu.memref_slice %arg2[%mul3A_2] : memref<16384xi32, #tpu.memory_space<hbm>> -> memref<512xi32, #tpu.memory_space<hbm>>
      %dma_start3A_1192 = arith.constant 0 : i32
      %dma_start3A_1193 = tpu.memref_slice %arg5[%dma_start3A_1192] : memref<520xi32, #tpu.memory_space<vmem>> -> memref<512xi32, #tpu.memory_space<vmem>>
      %dma_start3A_1194 = tpu.memref_slice %arg2[%mul3A_2] : memref<16384xi32, #tpu.memory_space<hbm>> -> memref<512xi32, #tpu.memory_space<hbm>>
      tpu.enqueue_dma source(%dma_start3A_1194 : memref<512xi32, #tpu.memory_space<hbm>>) target(%dma_start3A_1193 : memref<512xi32, #tpu.memory_space<vmem>>) target_semaphore(%run_scoped3A : memref<!tpu.dma_semaphore, #tpu.memory_space<semaphore_mem>>)
      %dma_wait3A_1195 = arith.constant 0 : i32
      %dma_wait3A_1196 = tpu.memref_slice %arg5[%dma_wait3A_1195] : memref<520xi32, #tpu.memory_space<vmem>> -> memref<512xi32, #tpu.memory_space<vmem>>
      %dma_wait3A_1197 = tpu.memref_slice %arg2[%mul3A_2] : memref<16384xi32, #tpu.memory_space<hbm>> -> memref<512xi32, #tpu.memory_space<hbm>>
      %dma_wait3A_1198 = arith.constant 0 : i32
      %dma_wait3A_1199 = tpu.memref_slice %arg5[%dma_wait3A_1198] : memref<520xi32, #tpu.memory_space<vmem>> -> memref<512xi32, #tpu.memory_space<vmem>>
      %dma_wait3A_1200 = tpu.memref_slice %arg2[%mul3A_2] : memref<16384xi32, #tpu.memory_space<hbm>> -> memref<512xi32, #tpu.memory_space<hbm>>
      tpu.wait_dma2 semaphore(%run_scoped3A : memref<!tpu.dma_semaphore, #tpu.memory_space<semaphore_mem>>) src(%dma_wait3A_1200 : memref<512xi32, #tpu.memory_space<hbm>>) dst(%dma_wait3A_1199 : memref<512xi32, #tpu.memory_space<vmem>>)
      tpu.yield
    }) : () -> ()
    %iota3A = tpu.iota {dimensions = array<i32: 0>} : vector<16xi32>
    %mul3A_3 = arith.constant 0 : i32
    %mul3A_4 = arith.constant 8 : i32
    %mul3A_5 = arith.muli %mul3A_3, %mul3A_4 : i32
    %get3A = arith.index_cast %mul3A_5 : i32 to index
    %get3A_6 = tpu.vector_load %arg5[%get3A] {strides = array<i32>} : memref<520xi32, #tpu.memory_space<vmem>>, vector<16xi32>,
    %rem3A = arith.constant 0 : i32
    %rem3A_7 = arith.constant 3 : i32
    %rem3A_8 = arith.remsi %rem3A, %rem3A_7 : i32
    %mul3A_9 = arith.constant 8 : i32
    %mul3A_10 = arith.muli %rem3A_8, %mul3A_9 : i32
    %slice3A = vector.extract_strided_slice %get3A_6 {offsets = [0], sizes = [1], strides = [1]} : vector<16xi32> to vector<1xi32>
    %squeeze3A = vector.extract %slice3A[0] : i32 from vector<1xi32>
    %shift_right_arithmetic3A = arith.constant 7 : i32
    %shift_right_arithmetic3A_11 = arith.shrsi %squeeze3A, %shift_right_arithmetic3A : i32
    %mul3A_12 = arith.constant 128 : i32
    %mul3A_13 = arith.muli %shift_right_arithmetic3A_11, %mul3A_12 : i32
    %multiple_of3A = tpu.assume_multiple %mul3A_13, 128 : i32
    %add3A_14 = arith.constant 0 : i32
    %add3A_15 = arith.addi %mul3A_10, %add3A_14 : i32
    %mul3A_16 = arith.constant 32 : i32
    %mul3A_17 = arith.muli %add3A_15, %mul3A_16 : i32
    %dma_start3A = arith.constant 0 : i32
    %dma_start3A_18 = tpu.memref_slice %arg6[%mul3A_17, %dma_start3A] : memref<768x128xf32, #tpu.memory_space<vmem>> -> memref<32x128xf32, #tpu.memory_space<vmem>>
    %dma_start3A_19 = arith.constant 0 : i32
    %dma_start3A_20 = tpu.memref_slice %arg3[%dma_start3A_19, %multiple_of3A] : memref<32x1000000xf32, #tpu.memory_space<hbm>> -> memref<32x128xf32, #tpu.memory_space<hbm>>
    %dma_start3A_21 = arith.constant 0 : i32
    %dma_start3A_22 = tpu.memref_slice %arg6[%mul3A_17, %dma_start3A_21] : memref<768x128xf32, #tpu.memory_space<vmem>> -> memref<32x128xf32, #tpu.memory_space<vmem>>
    %dma_start3A_23 = arith.constant 0 : i32
    %dma_start3A_24 = tpu.memref_slice %arg3[%dma_start3A_23, %multiple_of3A] : memref<32x1000000xf32, #tpu.memory_space<hbm>> -> memref<32x128xf32, #tpu.memory_space<hbm>>
    tpu.enqueue_dma source(%dma_start3A_24 : memref<32x128xf32, #tpu.memory_space<hbm>>) target(%dma_start3A_22 : memref<32x128xf32, #tpu.memory_space<vmem>>) target_semaphore(%arg8 : memref<!tpu.dma_semaphore, #tpu.memory_space<semaphore_mem>>)
    %slice3A_25 = vector.extract_strided_slice %get3A_6 {offsets = [1], sizes = [1], strides = [1]} : vector<16xi32> to vector<1xi32>
    %squeeze3A_26 = vector.extract %slice3A_25[0] : i32 from vector<1xi32>
    %shift_right_arithmetic3A_27 = arith.constant 7 : i32
    %shift_right_arithmetic3A_28 = arith.shrsi %squeeze3A_26, %shift_right_arithmetic3A_27 : i32
    %mul3A_29 = arith.constant 128 : i32
    %mul3A_30 = arith.muli %shift_right_arithmetic3A_28, %mul3A_29 : i32
    %multiple_of3A_31 = tpu.assume_multiple %mul3A_30, 128 : i32
    %add3A_32 = arith.constant 1 : i32
    %add3A_33 = arith.addi %mul3A_10, %add3A_32 : i32
    %mul3A_34 = arith.constant 32 : i32
    %mul3A_35 = arith.muli %add3A_33, %mul3A_34 : i32
    %dma_start3A_36 = arith.constant 0 : i32
    %dma_start3A_37 = tpu.memref_slice %arg6[%mul3A_35, %dma_start3A_36] : memref<768x128xf32, #tpu.memory_space<vmem>> -> memref<32x128xf32, #tpu.memory_space<vmem>>
    %dma_start3A_38 = arith.constant 0 : i32
    %dma_start3A_39 = tpu.memref_slice %arg3[%dma_start3A_38, %multiple_of3A_31] : memref<32x1000000xf32, #tpu.memory_space<hbm>> -> memref<32x128xf32, #tpu.memory_space<hbm>>
    %dma_start3A_40 = arith.constant 0 : i32
    %dma_start3A_41 = tpu.memref_slice %arg6[%mul3A_35, %dma_start3A_40] : memref<768x128xf32, #tpu.memory_space<vmem>> -> memref<32x128xf32, #tpu.memory_space<vmem>>
    %dma_start3A_42 = arith.constant 0 : i32
    %dma_start3A_43 = tpu.memref_slice %arg3[%dma_start3A_42, %multiple_of3A_31] : memref<32x1000000xf32, #tpu.memory_space<hbm>> -> memref<32x128xf32, #tpu.memory_space<hbm>>
    tpu.enqueue_dma source(%dma_start3A_43 : memref<32x128xf32, #tpu.memory_space<hbm>>) target(%dma_start3A_41 : memref<32x128xf32, #tpu.memory_space<vmem>>) target_semaphore(%arg8 : memref<!tpu.dma_semaphore, #tpu.memory_space<semaphore_mem>>)
    %slice3A_44 = vector.extract_strided_slice %get3A_6 {offsets = [2], sizes = [1], strides = [1]} : vector<16xi32> to vector<1xi32>
    %squeeze3A_45 = vector.extract %slice3A_44[0] : i32 from vector<1xi32>
    %shift_right_arithmetic3A_46 = arith.constant 7 : i32
    %shift_right_arithmetic3A_47 = arith.shrsi %squeeze3A_45, %shift_right_arithmetic3A_46 : i32
    %mul3A_48 = arith.constant 128 : i32
    %mul3A_49 = arith.muli %shift_right_arithmetic3A_47, %mul3A_48 : i32
    %multiple_of3A_50 = tpu.assume_multiple %mul3A_49, 128 : i32
    %add3A_51 = arith.constant 2 : i32
    %add3A_52 = arith.addi %mul3A_10, %add3A_51 : i32
    %mul3A_53 = arith.constant 32 : i32
    %mul3A_54 = arith.muli %add3A_52, %mul3A_53 : i32
    %dma_start3A_55 = arith.constant 0 : i32
    %dma_start3A_56 = tpu.memref_slice %arg6[%mul3A_54, %dma_start3A_55] : memref<768x128xf32, #tpu.memory_space<vmem>> -> memref<32x128xf32, #tpu.memory_space<vmem>>
    %dma_start3A_57 = arith.constant 0 : i32
    %dma_start3A_58 = tpu.memref_slice %arg3[%dma_start3A_57, %multiple_of3A_50] : memref<32x1000000xf32, #tpu.memory_space<hbm>> -> memref<32x128xf32, #tpu.memory_space<hbm>>
    %dma_start3A_59 = arith.constant 0 : i32
    %dma_start3A_60 = tpu.memref_slice %arg6[%mul3A_54, %dma_start3A_59] : memref<768x128xf32, #tpu.memory_space<vmem>> -> memref<32x128xf32, #tpu.memory_space<vmem>>
    %dma_start3A_61 = arith.constant 0 : i32
    %dma_start3A_62 = tpu.memref_slice %arg3[%dma_start3A_61, %multiple_of3A_50] : memref<32x1000000xf32, #tpu.memory_space<hbm>> -> memref<32x128xf32, #tpu.memory_space<hbm>>
    tpu.enqueue_dma source(%dma_start3A_62 : memref<32x128xf32, #tpu.memory_space<hbm>>) target(%dma_start3A_60 : memref<32x128xf32, #tpu.memory_space<vmem>>) target_semaphore(%arg8 : memref<!tpu.dma_semaphore, #tpu.memory_space<semaphore_mem>>)
    %slice3A_63 = vector.extract_strided_slice %get3A_6 {offsets = [3], sizes = [1], strides = [1]} : vector<16xi32> to vector<1xi32>
    %squeeze3A_64 = vector.extract %slice3A_63[0] : i32 from vector<1xi32>
    %shift_right_arithmetic3A_65 = arith.constant 7 : i32
    %shift_right_arithmetic3A_66 = arith.shrsi %squeeze3A_64, %shift_right_arithmetic3A_65 : i32
    %mul3A_67 = arith.constant 128 : i32
    %mul3A_68 = arith.muli %shift_right_arithmetic3A_66, %mul3A_67 : i32
    %multiple_of3A_69 = tpu.assume_multiple %mul3A_68, 128 : i32
    %add3A_70 = arith.constant 3 : i32
    %add3A_71 = arith.addi %mul3A_10, %add3A_70 : i32
    %mul3A_72 = arith.constant 32 : i32
    %mul3A_73 = arith.muli %add3A_71, %mul3A_72 : i32
    %dma_start3A_74 = arith.constant 0 : i32
    %dma_start3A_75 = tpu.memref_slice %arg6[%mul3A_73, %dma_start3A_74] : memref<768x128xf32, #tpu.memory_space<vmem>> -> memref<32x128xf32, #tpu.memory_space<vmem>>
    %dma_start3A_76 = arith.constant 0 : i32
    %dma_start3A_77 = tpu.memref_slice %arg3[%dma_start3A_76, %multiple_of3A_69] : memref<32x1000000xf32, #tpu.memory_space<hbm>> -> memref<32x128xf32, #tpu.memory_space<hbm>>
    %dma_start3A_78 = arith.constant 0 : i32
    %dma_start3A_79 = tpu.memref_slice %arg6[%mul3A_73, %dma_start3A_78] : memref<768x128xf32, #tpu.memory_space<vmem>> -> memref<32x128xf32, #tpu.memory_space<vmem>>
    %dma_start3A_80 = arith.constant 0 : i32
    %dma_start3A_81 = tpu.memref_slice %arg3[%dma_start3A_80, %multiple_of3A_69] : memref<32x1000000xf32, #tpu.memory_space<hbm>> -> memref<32x128xf32, #tpu.memory_space<hbm>>
    tpu.enqueue_dma source(%dma_start3A_81 : memref<32x128xf32, #tpu.memory_space<hbm>>) target(%dma_start3A_79 : memref<32x128xf32, #tpu.memory_space<vmem>>) target_semaphore(%arg8 : memref<!tpu.dma_semaphore, #tpu.memory_space<semaphore_mem>>)
    %slice3A_82 = vector.extract_strided_slice %get3A_6 {offsets = [4], sizes = [1], strides = [1]} : vector<16xi32> to vector<1xi32>
    %squeeze3A_83 = vector.extract %slice3A_82[0] : i32 from vector<1xi32>
    %shift_right_arithmetic3A_84 = arith.constant 7 : i32
    %shift_right_arithmetic3A_85 = arith.shrsi %squeeze3A_83, %shift_right_arithmetic3A_84 : i32
    %mul3A_86 = arith.constant 128 : i32
    %mul3A_87 = arith.muli %shift_right_arithmetic3A_85, %mul3A_86 : i32
    %multiple_of3A_88 = tpu.assume_multiple %mul3A_87, 128 : i32
    %add3A_89 = arith.constant 4 : i32
    %add3A_90 = arith.addi %mul3A_10, %add3A_89 : i32
    %mul3A_91 = arith.constant 32 : i32
    %mul3A_92 = arith.muli %add3A_90, %mul3A_91 : i32
    %dma_start3A_93 = arith.constant 0 : i32
    %dma_start3A_94 = tpu.memref_slice %arg6[%mul3A_92, %dma_start3A_93] : memref<768x128xf32, #tpu.memory_space<vmem>> -> memref<32x128xf32, #tpu.memory_space<vmem>>
    %dma_start3A_95 = arith.constant 0 : i32
    %dma_start3A_96 = tpu.memref_slice %arg3[%dma_start3A_95, %multiple_of3A_88] : memref<32x1000000xf32, #tpu.memory_space<hbm>> -> memref<32x128xf32, #tpu.memory_space<hbm>>
    %dma_start3A_97 = arith.constant 0 : i32
    %dma_start3A_98 = tpu.memref_slice %arg6[%mul3A_92, %dma_start3A_97] : memref<768x128xf32, #tpu.memory_space<vmem>> -> memref<32x128xf32, #tpu.memory_space<vmem>>
    %dma_start3A_99 = arith.constant 0 : i32
    %dma_start3A_100 = tpu.memref_slice %arg3[%dma_start3A_99, %multiple_of3A_88] : memref<32x1000000xf32, #tpu.memory_space<hbm>> -> memref<32x128xf32, #tpu.memory_space<hbm>>
    tpu.enqueue_dma source(%dma_start3A_100 : memref<32x128xf32, #tpu.memory_space<hbm>>) target(%dma_start3A_98 : memref<32x128xf32, #tpu.memory_space<vmem>>) target_semaphore(%arg8 : memref<!tpu.dma_semaphore, #tpu.memory_space<semaphore_mem>>)
    %slice3A_101 = vector.extract_strided_slice %get3A_6 {offsets = [5], sizes = [1], strides = [1]} : vector<16xi32> to vector<1xi32>
    %squeeze3A_102 = vector.extract %slice3A_101[0] : i32 from vector<1xi32>
    %shift_right_arithmetic3A_103 = arith.constant 7 : i32
    %shift_right_arithmetic3A_104 = arith.shrsi %squeeze3A_102, %shift_right_arithmetic3A_103 : i32
    %mul3A_105 = arith.constant 128 : i32
    %mul3A_106 = arith.muli %shift_right_arithmetic3A_104, %mul3A_105 : i32
    %multiple_of3A_107 = tpu.assume_multiple %mul3A_106, 128 : i32
    %add3A_108 = arith.constant 5 : i32
    %add3A_109 = arith.addi %mul3A_10, %add3A_108 : i32
    %mul3A_110 = arith.constant 32 : i32
    %mul3A_111 = arith.muli %add3A_109, %mul3A_110 : i32
    %dma_start3A_112 = arith.constant 0 : i32
    %dma_start3A_113 = tpu.memref_slice %arg6[%mul3A_111, %dma_start3A_112] : memref<768x128xf32, #tpu.memory_space<vmem>> -> memref<32x128xf32, #tpu.memory_space<vmem>>
    %dma_start3A_114 = arith.constant 0 : i32
    %dma_start3A_115 = tpu.memref_slice %arg3[%dma_start3A_114, %multiple_of3A_107] : memref<32x1000000xf32, #tpu.memory_space<hbm>> -> memref<32x128xf32, #tpu.memory_space<hbm>>
    %dma_start3A_116 = arith.constant 0 : i32
    %dma_start3A_117 = tpu.memref_slice %arg6[%mul3A_111, %dma_start3A_116] : memref<768x128xf32, #tpu.memory_space<vmem>> -> memref<32x128xf32, #tpu.memory_space<vmem>>
    %dma_start3A_118 = arith.constant 0 : i32
    %dma_start3A_119 = tpu.memref_slice %arg3[%dma_start3A_118, %multiple_of3A_107] : memref<32x1000000xf32, #tpu.memory_space<hbm>> -> memref<32x128xf32, #tpu.memory_space<hbm>>
    tpu.enqueue_dma source(%dma_start3A_119 : memref<32x128xf32, #tpu.memory_space<hbm>>) target(%dma_start3A_117 : memref<32x128xf32, #tpu.memory_space<vmem>>) target_semaphore(%arg8 : memref<!tpu.dma_semaphore, #tpu.memory_space<semaphore_mem>>)
    %slice3A_120 = vector.extract_strided_slice %get3A_6 {offsets = [6], sizes = [1], strides = [1]} : vector<16xi32> to vector<1xi32>
    %squeeze3A_121 = vector.extract %slice3A_120[0] : i32 from vector<1xi32>
    %shift_right_arithmetic3A_122 = arith.constant 7 : i32
    %shift_right_arithmetic3A_123 = arith.shrsi %squeeze3A_121, %shift_right_arithmetic3A_122 : i32
    %mul3A_124 = arith.constant 128 : i32
    %mul3A_125 = arith.muli %shift_right_arithmetic3A_123, %mul3A_124 : i32
    %multiple_of3A_126 = tpu.assume_multiple %mul3A_125, 128 : i32
    %add3A_127 = arith.constant 6 : i32
    %add3A_128 = arith.addi %mul3A_10, %add3A_127 : i32
    %mul3A_129 = arith.constant 32 : i32
    %mul3A_130 = arith.muli %add3A_128, %mul3A_129 : i32
    %dma_start3A_131 = arith.constant 0 : i32
    %dma_start3A_132 = tpu.memref_slice %arg6[%mul3A_130, %dma_start3A_131] : memref<768x128xf32, #tpu.memory_space<vmem>> -> memref<32x128xf32, #tpu.memory_space<vmem>>
    %dma_start3A_133 = arith.constant 0 : i32
    %dma_start3A_134 = tpu.memref_slice %arg3[%dma_start3A_133, %multiple_of3A_126] : memref<32x1000000xf32, #tpu.memory_space<hbm>> -> memref<32x128xf32, #tpu.memory_space<hbm>>
    %dma_start3A_135 = arith.constant 0 : i32
    %dma_start3A_136 = tpu.memref_slice %arg6[%mul3A_130, %dma_start3A_135] : memref<768x128xf32, #tpu.memory_space<vmem>> -> memref<32x128xf32, #tpu.memory_space<vmem>>
    %dma_start3A_137 = arith.constant 0 : i32
    %dma_start3A_138 = tpu.memref_slice %arg3[%dma_start3A_137, %multiple_of3A_126] : memref<32x1000000xf32, #tpu.memory_space<hbm>> -> memref<32x128xf32, #tpu.memory_space<hbm>>
    tpu.enqueue_dma source(%dma_start3A_138 : memref<32x128xf32, #tpu.memory_space<hbm>>) target(%dma_start3A_136 : memref<32x128xf32, #tpu.memory_space<vmem>>) target_semaphore(%arg8 : memref<!tpu.dma_semaphore, #tpu.memory_space<semaphore_mem>>)
    %slice3A_139 = vector.extract_strided_slice %get3A_6 {offsets = [7], sizes = [1], strides = [1]} : vector<16xi32> to vector<1xi32>
    %squeeze3A_140 = vector.extract %slice3A_139[0] : i32 from vector<1xi32>
    %shift_right_arithmetic3A_141 = arith.constant 7 : i32
    %shift_right_arithmetic3A_142 = arith.shrsi %squeeze3A_140, %shift_right_arithmetic3A_141 : i32
    %mul3A_143 = arith.constant 128 : i32
    %mul3A_144 = arith.muli %shift_right_arithmetic3A_142, %mul3A_143 : i32
    %multiple_of3A_145 = tpu.assume_multiple %mul3A_144, 128 : i32
    %add3A_146 = arith.constant 7 : i32
    %add3A_147 = arith.addi %mul3A_10, %add3A_146 : i32
    %mul3A_148 = arith.constant 32 : i32
    %mul3A_149 = arith.muli %add3A_147, %mul3A_148 : i32
    %dma_start3A_150 = arith.constant 0 : i32
    %dma_start3A_151 = tpu.memref_slice %arg6[%mul3A_149, %dma_start3A_150] : memref<768x128xf32, #tpu.memory_space<vmem>> -> memref<32x128xf32, #tpu.memory_space<vmem>>
    %dma_start3A_152 = arith.constant 0 : i32
    %dma_start3A_153 = tpu.memref_slice %arg3[%dma_start3A_152, %multiple_of3A_145] : memref<32x1000000xf32, #tpu.memory_space<hbm>> -> memref<32x128xf32, #tpu.memory_space<hbm>>
    %dma_start3A_154 = arith.constant 0 : i32
    %dma_start3A_155 = tpu.memref_slice %arg6[%mul3A_149, %dma_start3A_154] : memref<768x128xf32, #tpu.memory_space<vmem>> -> memref<32x128xf32, #tpu.memory_space<vmem>>
    %dma_start3A_156 = arith.constant 0 : i32
    %dma_start3A_157 = tpu.memref_slice %arg3[%dma_start3A_156, %multiple_of3A_145] : memref<32x1000000xf32, #tpu.memory_space<hbm>> -> memref<32x128xf32, #tpu.memory_space<hbm>>
    tpu.enqueue_dma source(%dma_start3A_157 : memref<32x128xf32, #tpu.memory_space<hbm>>) target(%dma_start3A_155 : memref<32x128xf32, #tpu.memory_space<vmem>>) target_semaphore(%arg8 : memref<!tpu.dma_semaphore, #tpu.memory_space<semaphore_mem>>)
    %mul3A_158 = arith.constant 1 : i32
    %mul3A_159 = arith.constant 8 : i32
    %mul3A_160 = arith.muli %mul3A_158, %mul3A_159 : i32
    %get3A_161 = arith.index_cast %mul3A_160 : i32 to index
    %get3A_162 = tpu.vector_load %arg5[%get3A_161] {strides = array<i32>} : memref<520xi32, #tpu.memory_space<vmem>>, vector<16xi32>,
    %rem3A_163 = arith.constant 1 : i32
    %rem3A_164 = arith.constant 3 : i32
    %rem3A_165 = arith.remsi %rem3A_163, %rem3A_164 : i32
    %mul3A_166 = arith.constant 8 : i32
    %mul3A_167 = arith.muli %rem3A_165, %mul3A_166 : i32
    %slice3A_168 = vector.extract_strided_slice %get3A_162 {offsets = [0], sizes = [1], strides = [1]} : vector<16xi32> to vector<1xi32>
    %squeeze3A_169 = vector.extract %slice3A_168[0] : i32 from vector<1xi32>
    %shift_right_arithmetic3A_170 = arith.constant 7 : i32
    %shift_right_arithmetic3A_171 = arith.shrsi %squeeze3A_169, %shift_right_arithmetic3A_170 : i32
    %mul3A_172 = arith.constant 128 : i32
    %mul3A_173 = arith.muli %shift_right_arithmetic3A_171, %mul3A_172 : i32
    %multiple_of3A_174 = tpu.assume_multiple %mul3A_173, 128 : i32
    %add3A_175 = arith.constant 0 : i32
    %add3A_176 = arith.addi %mul3A_167, %add3A_175 : i32
    %mul3A_177 = arith.constant 32 : i32
    %mul3A_178 = arith.muli %add3A_176, %mul3A_177 : i32
    %dma_start3A_179 = arith.constant 0 : i32
    %dma_start3A_180 = tpu.memref_slice %arg6[%mul3A_178, %dma_start3A_179] : memref<768x128xf32, #tpu.memory_space<vmem>> -> memref<32x128xf32, #tpu.memory_space<vmem>>
    %dma_start3A_181 = arith.constant 0 : i32
    %dma_start3A_182 = tpu.memref_slice %arg3[%dma_start3A_181, %multiple_of3A_174] : memref<32x1000000xf32, #tpu.memory_space<hbm>> -> memref<32x128xf32, #tpu.memory_space<hbm>>
    %dma_start3A_183 = arith.constant 0 : i32
    %dma_start3A_184 = tpu.memref_slice %arg6[%mul3A_178, %dma_start3A_183] : memref<768x128xf32, #tpu.memory_space<vmem>> -> memref<32x128xf32, #tpu.memory_space<vmem>>
    %dma_start3A_185 = arith.constant 0 : i32
    %dma_start3A_186 = tpu.memref_slice %arg3[%dma_start3A_185, %multiple_of3A_174] : memref<32x1000000xf32, #tpu.memory_space<hbm>> -> memref<32x128xf32, #tpu.memory_space<hbm>>
    tpu.enqueue_dma source(%dma_start3A_186 : memref<32x128xf32, #tpu.memory_space<hbm>>) target(%dma_start3A_184 : memref<32x128xf32, #tpu.memory_space<vmem>>) target_semaphore(%arg8 : memref<!tpu.dma_semaphore, #tpu.memory_space<semaphore_mem>>)
    %slice3A_187 = vector.extract_strided_slice %get3A_162 {offsets = [1], sizes = [1], strides = [1]} : vector<16xi32> to vector<1xi32>
    %squeeze3A_188 = vector.extract %slice3A_187[0] : i32 from vector<1xi32>
    %shift_right_arithmetic3A_189 = arith.constant 7 : i32
    %shift_right_arithmetic3A_190 = arith.shrsi %squeeze3A_188, %shift_right_arithmetic3A_189 : i32
    %mul3A_191 = arith.constant 128 : i32
    %mul3A_192 = arith.muli %shift_right_arithmetic3A_190, %mul3A_191 : i32
    %multiple_of3A_193 = tpu.assume_multiple %mul3A_192, 128 : i32
    %add3A_194 = arith.constant 1 : i32
    %add3A_195 = arith.addi %mul3A_167, %add3A_194 : i32
    %mul3A_196 = arith.constant 32 : i32
    %mul3A_197 = arith.muli %add3A_195, %mul3A_196 : i32
    %dma_start3A_198 = arith.constant 0 : i32
    %dma_start3A_199 = tpu.memref_slice %arg6[%mul3A_197, %dma_start3A_198] : memref<768x128xf32, #tpu.memory_space<vmem>> -> memref<32x128xf32, #tpu.memory_space<vmem>>
    %dma_start3A_200 = arith.constant 0 : i32
    %dma_start3A_201 = tpu.memref_slice %arg3[%dma_start3A_200, %multiple_of3A_193] : memref<32x1000000xf32, #tpu.memory_space<hbm>> -> memref<32x128xf32, #tpu.memory_space<hbm>>
    %dma_start3A_202 = arith.constant 0 : i32
    %dma_start3A_203 = tpu.memref_slice %arg6[%mul3A_197, %dma_start3A_202] : memref<768x128xf32, #tpu.memory_space<vmem>> -> memref<32x128xf32, #tpu.memory_space<vmem>>
    %dma_start3A_204 = arith.constant 0 : i32
    %dma_start3A_205 = tpu.memref_slice %arg3[%dma_start3A_204, %multiple_of3A_193] : memref<32x1000000xf32, #tpu.memory_space<hbm>> -> memref<32x128xf32, #tpu.memory_space<hbm>>
    tpu.enqueue_dma source(%dma_start3A_205 : memref<32x128xf32, #tpu.memory_space<hbm>>) target(%dma_start3A_203 : memref<32x128xf32, #tpu.memory_space<vmem>>) target_semaphore(%arg8 : memref<!tpu.dma_semaphore, #tpu.memory_space<semaphore_mem>>)
    %slice3A_206 = vector.extract_strided_slice %get3A_162 {offsets = [2], sizes = [1], strides = [1]} : vector<16xi32> to vector<1xi32>
    %squeeze3A_207 = vector.extract %slice3A_206[0] : i32 from vector<1xi32>
    %shift_right_arithmetic3A_208 = arith.constant 7 : i32
    %shift_right_arithmetic3A_209 = arith.shrsi %squeeze3A_207, %shift_right_arithmetic3A_208 : i32
    %mul3A_210 = arith.constant 128 : i32
    %mul3A_211 = arith.muli %shift_right_arithmetic3A_209, %mul3A_210 : i32
    %multiple_of3A_212 = tpu.assume_multiple %mul3A_211, 128 : i32
    %add3A_213 = arith.constant 2 : i32
    %add3A_214 = arith.addi %mul3A_167, %add3A_213 : i32
    %mul3A_215 = arith.constant 32 : i32
    %mul3A_216 = arith.muli %add3A_214, %mul3A_215 : i32
    %dma_start3A_217 = arith.constant 0 : i32
    %dma_start3A_218 = tpu.memref_slice %arg6[%mul3A_216, %dma_start3A_217] : memref<768x128xf32, #tpu.memory_space<vmem>> -> memref<32x128xf32, #tpu.memory_space<vmem>>
    %dma_start3A_219 = arith.constant 0 : i32
    %dma_start3A_220 = tpu.memref_slice %arg3[%dma_start3A_219, %multiple_of3A_212] : memref<32x1000000xf32, #tpu.memory_space<hbm>> -> memref<32x128xf32, #tpu.memory_space<hbm>>
    %dma_start3A_221 = arith.constant 0 : i32
    %dma_start3A_222 = tpu.memref_slice %arg6[%mul3A_216, %dma_start3A_221] : memref<768x128xf32, #tpu.memory_space<vmem>> -> memref<32x128xf32, #tpu.memory_space<vmem>>
    %dma_start3A_223 = arith.constant 0 : i32
    %dma_start3A_224 = tpu.memref_slice %arg3[%dma_start3A_223, %multiple_of3A_212] : memref<32x1000000xf32, #tpu.memory_space<hbm>> -> memref<32x128xf32, #tpu.memory_space<hbm>>
    tpu.enqueue_dma source(%dma_start3A_224 : memref<32x128xf32, #tpu.memory_space<hbm>>) target(%dma_start3A_222 : memref<32x128xf32, #tpu.memory_space<vmem>>) target_semaphore(%arg8 : memref<!tpu.dma_semaphore, #tpu.memory_space<semaphore_mem>>)
    %slice3A_225 = vector.extract_strided_slice %get3A_162 {offsets = [3], sizes = [1], strides = [1]} : vector<16xi32> to vector<1xi32>
    %squeeze3A_226 = vector.extract %slice3A_225[0] : i32 from vector<1xi32>
    %shift_right_arithmetic3A_227 = arith.constant 7 : i32
    %shift_right_arithmetic3A_228 = arith.shrsi %squeeze3A_226, %shift_right_arithmetic3A_227 : i32
    %mul3A_229 = arith.constant 128 : i32
    %mul3A_230 = arith.muli %shift_right_arithmetic3A_228, %mul3A_229 : i32
    %multiple_of3A_231 = tpu.assume_multiple %mul3A_230, 128 : i32
    %add3A_232 = arith.constant 3 : i32
    %add3A_233 = arith.addi %mul3A_167, %add3A_232 : i32
    %mul3A_234 = arith.constant 32 : i32
    %mul3A_235 = arith.muli %add3A_233, %mul3A_234 : i32
    %dma_start3A_236 = arith.constant 0 : i32
    %dma_start3A_237 = tpu.memref_slice %arg6[%mul3A_235, %dma_start3A_236] : memref<768x128xf32, #tpu.memory_space<vmem>> -> memref<32x128xf32, #tpu.memory_space<vmem>>
    %dma_start3A_238 = arith.constant 0 : i32
    %dma_start3A_239 = tpu.memref_slice %arg3[%dma_start3A_238, %multiple_of3A_231] : memref<32x1000000xf32, #tpu.memory_space<hbm>> -> memref<32x128xf32, #tpu.memory_space<hbm>>
    %dma_start3A_240 = arith.constant 0 : i32
    %dma_start3A_241 = tpu.memref_slice %arg6[%mul3A_235, %dma_start3A_240] : memref<768x128xf32, #tpu.memory_space<vmem>> -> memref<32x128xf32, #tpu.memory_space<vmem>>
    %dma_start3A_242 = arith.constant 0 : i32
    %dma_start3A_243 = tpu.memref_slice %arg3[%dma_start3A_242, %multiple_of3A_231] : memref<32x1000000xf32, #tpu.memory_space<hbm>> -> memref<32x128xf32, #tpu.memory_space<hbm>>
    tpu.enqueue_dma source(%dma_start3A_243 : memref<32x128xf32, #tpu.memory_space<hbm>>) target(%dma_start3A_241 : memref<32x128xf32, #tpu.memory_space<vmem>>) target_semaphore(%arg8 : memref<!tpu.dma_semaphore, #tpu.memory_space<semaphore_mem>>)
    %slice3A_244 = vector.extract_strided_slice %get3A_162 {offsets = [4], sizes = [1], strides = [1]} : vector<16xi32> to vector<1xi32>
    %squeeze3A_245 = vector.extract %slice3A_244[0] : i32 from vector<1xi32>
    %shift_right_arithmetic3A_246 = arith.constant 7 : i32
    %shift_right_arithmetic3A_247 = arith.shrsi %squeeze3A_245, %shift_right_arithmetic3A_246 : i32
    %mul3A_248 = arith.constant 128 : i32
    %mul3A_249 = arith.muli %shift_right_arithmetic3A_247, %mul3A_248 : i32
    %multiple_of3A_250 = tpu.assume_multiple %mul3A_249, 128 : i32
    %add3A_251 = arith.constant 4 : i32
    %add3A_252 = arith.addi %mul3A_167, %add3A_251 : i32
    %mul3A_253 = arith.constant 32 : i32
    %mul3A_254 = arith.muli %add3A_252, %mul3A_253 : i32
    %dma_start3A_255 = arith.constant 0 : i32
    %dma_start3A_256 = tpu.memref_slice %arg6[%mul3A_254, %dma_start3A_255] : memref<768x128xf32, #tpu.memory_space<vmem>> -> memref<32x128xf32, #tpu.memory_space<vmem>>
    %dma_start3A_257 = arith.constant 0 : i32
    %dma_start3A_258 = tpu.memref_slice %arg3[%dma_start3A_257, %multiple_of3A_250] : memref<32x1000000xf32, #tpu.memory_space<hbm>> -> memref<32x128xf32, #tpu.memory_space<hbm>>
    %dma_start3A_259 = arith.constant 0 : i32
    %dma_start3A_260 = tpu.memref_slice %arg6[%mul3A_254, %dma_start3A_259] : memref<768x128xf32, #tpu.memory_space<vmem>> -> memref<32x128xf32, #tpu.memory_space<vmem>>
    %dma_start3A_261 = arith.constant 0 : i32
    %dma_start3A_262 = tpu.memref_slice %arg3[%dma_start3A_261, %multiple_of3A_250] : memref<32x1000000xf32, #tpu.memory_space<hbm>> -> memref<32x128xf32, #tpu.memory_space<hbm>>
    tpu.enqueue_dma source(%dma_start3A_262 : memref<32x128xf32, #tpu.memory_space<hbm>>) target(%dma_start3A_260 : memref<32x128xf32, #tpu.memory_space<vmem>>) target_semaphore(%arg8 : memref<!tpu.dma_semaphore, #tpu.memory_space<semaphore_mem>>)
    %slice3A_263 = vector.extract_strided_slice %get3A_162 {offsets = [5], sizes = [1], strides = [1]} : vector<16xi32> to vector<1xi32>
    %squeeze3A_264 = vector.extract %slice3A_263[0] : i32 from vector<1xi32>
    %shift_right_arithmetic3A_265 = arith.constant 7 : i32
    %shift_right_arithmetic3A_266 = arith.shrsi %squeeze3A_264, %shift_right_arithmetic3A_265 : i32
    %mul3A_267 = arith.constant 128 : i32
    %mul3A_268 = arith.muli %shift_right_arithmetic3A_266, %mul3A_267 : i32
    %multiple_of3A_269 = tpu.assume_multiple %mul3A_268, 128 : i32
    %add3A_270 = arith.constant 5 : i32
    %add3A_271 = arith.addi %mul3A_167, %add3A_270 : i32
    %mul3A_272 = arith.constant 32 : i32
    %mul3A_273 = arith.muli %add3A_271, %mul3A_272 : i32
    %dma_start3A_274 = arith.constant 0 : i32
    %dma_start3A_275 = tpu.memref_slice %arg6[%mul3A_273, %dma_start3A_274] : memref<768x128xf32, #tpu.memory_space<vmem>> -> memref<32x128xf32, #tpu.memory_space<vmem>>
    %dma_start3A_276 = arith.constant 0 : i32
    %dma_start3A_277 = tpu.memref_slice %arg3[%dma_start3A_276, %multiple_of3A_269] : memref<32x1000000xf32, #tpu.memory_space<hbm>> -> memref<32x128xf32, #tpu.memory_space<hbm>>
    %dma_start3A_278 = arith.constant 0 : i32
    %dma_start3A_279 = tpu.memref_slice %arg6[%mul3A_273, %dma_start3A_278] : memref<768x128xf32, #tpu.memory_space<vmem>> -> memref<32x128xf32, #tpu.memory_space<vmem>>
    %dma_start3A_280 = arith.constant 0 : i32
    %dma_start3A_281 = tpu.memref_slice %arg3[%dma_start3A_280, %multiple_of3A_269] : memref<32x1000000xf32, #tpu.memory_space<hbm>> -> memref<32x128xf32, #tpu.memory_space<hbm>>
    tpu.enqueue_dma source(%dma_start3A_281 : memref<32x128xf32, #tpu.memory_space<hbm>>) target(%dma_start3A_279 : memref<32x128xf32, #tpu.memory_space<vmem>>) target_semaphore(%arg8 : memref<!tpu.dma_semaphore, #tpu.memory_space<semaphore_mem>>)
    %slice3A_282 = vector.extract_strided_slice %get3A_162 {offsets = [6], sizes = [1], strides = [1]} : vector<16xi32> to vector<1xi32>
    %squeeze3A_283 = vector.extract %slice3A_282[0] : i32 from vector<1xi32>
    %shift_right_arithmetic3A_284 = arith.constant 7 : i32
    %shift_right_arithmetic3A_285 = arith.shrsi %squeeze3A_283, %shift_right_arithmetic3A_284 : i32
    %mul3A_286 = arith.constant 128 : i32
    %mul3A_287 = arith.muli %shift_right_arithmetic3A_285, %mul3A_286 : i32
    %multiple_of3A_288 = tpu.assume_multiple %mul3A_287, 128 : i32
    %add3A_289 = arith.constant 6 : i32
    %add3A_290 = arith.addi %mul3A_167, %add3A_289 : i32
    %mul3A_291 = arith.constant 32 : i32
    %mul3A_292 = arith.muli %add3A_290, %mul3A_291 : i32
    %dma_start3A_293 = arith.constant 0 : i32
    %dma_start3A_294 = tpu.memref_slice %arg6[%mul3A_292, %dma_start3A_293] : memref<768x128xf32, #tpu.memory_space<vmem>> -> memref<32x128xf32, #tpu.memory_space<vmem>>
    %dma_start3A_295 = arith.constant 0 : i32
    %dma_start3A_296 = tpu.memref_slice %arg3[%dma_start3A_295, %multiple_of3A_288] : memref<32x1000000xf32, #tpu.memory_space<hbm>> -> memref<32x128xf32, #tpu.memory_space<hbm>>
    %dma_start3A_297 = arith.constant 0 : i32
    %dma_start3A_298 = tpu.memref_slice %arg6[%mul3A_292, %dma_start3A_297] : memref<768x128xf32, #tpu.memory_space<vmem>> -> memref<32x128xf32, #tpu.memory_space<vmem>>
    %dma_start3A_299 = arith.constant 0 : i32
    %dma_start3A_300 = tpu.memref_slice %arg3[%dma_start3A_299, %multiple_of3A_288] : memref<32x1000000xf32, #tpu.memory_space<hbm>> -> memref<32x128xf32, #tpu.memory_space<hbm>>
    tpu.enqueue_dma source(%dma_start3A_300 : memref<32x128xf32, #tpu.memory_space<hbm>>) target(%dma_start3A_298 : memref<32x128xf32, #tpu.memory_space<vmem>>) target_semaphore(%arg8 : memref<!tpu.dma_semaphore, #tpu.memory_space<semaphore_mem>>)
    %slice3A_301 = vector.extract_strided_slice %get3A_162 {offsets = [7], sizes = [1], strides = [1]} : vector<16xi32> to vector<1xi32>
    %squeeze3A_302 = vector.extract %slice3A_301[0] : i32 from vector<1xi32>
    %shift_right_arithmetic3A_303 = arith.constant 7 : i32
    %shift_right_arithmetic3A_304 = arith.shrsi %squeeze3A_302, %shift_right_arithmetic3A_303 : i32
    %mul3A_305 = arith.constant 128 : i32
    %mul3A_306 = arith.muli %shift_right_arithmetic3A_304, %mul3A_305 : i32
    %multiple_of3A_307 = tpu.assume_multiple %mul3A_306, 128 : i32
    %add3A_308 = arith.constant 7 : i32
    %add3A_309 = arith.addi %mul3A_167, %add3A_308 : i32
    %mul3A_310 = arith.constant 32 : i32
    %mul3A_311 = arith.muli %add3A_309, %mul3A_310 : i32
    %dma_start3A_312 = arith.constant 0 : i32
    %dma_start3A_313 = tpu.memref_slice %arg6[%mul3A_311, %dma_start3A_312] : memref<768x128xf32, #tpu.memory_space<vmem>> -> memref<32x128xf32, #tpu.memory_space<vmem>>
    %dma_start3A_314 = arith.constant 0 : i32
    %dma_start3A_315 = tpu.memref_slice %arg3[%dma_start3A_314, %multiple_of3A_307] : memref<32x1000000xf32, #tpu.memory_space<hbm>> -> memref<32x128xf32, #tpu.memory_space<hbm>>
    %dma_start3A_316 = arith.constant 0 : i32
    %dma_start3A_317 = tpu.memref_slice %arg6[%mul3A_311, %dma_start3A_316] : memref<768x128xf32, #tpu.memory_space<vmem>> -> memref<32x128xf32, #tpu.memory_space<vmem>>
    %dma_start3A_318 = arith.constant 0 : i32
    %dma_start3A_319 = tpu.memref_slice %arg3[%dma_start3A_318, %multiple_of3A_307] : memref<32x1000000xf32, #tpu.memory_space<hbm>> -> memref<32x128xf32, #tpu.memory_space<hbm>>
    tpu.enqueue_dma source(%dma_start3A_319 : memref<32x128xf32, #tpu.memory_space<hbm>>) target(%dma_start3A_317 : memref<32x128xf32, #tpu.memory_space<vmem>>) target_semaphore(%arg8 : memref<!tpu.dma_semaphore, #tpu.memory_space<semaphore_mem>>)
    %scan3A = arith.constant 0 : i32
    %scan3A_320 = arith.constant 0 : i32
    %scan3A_321 = arith.constant 62 : i32
    %scan3A_322 = arith.addi %scan3A_320, %scan3A_321 : i32
    %scan3A_323 = arith.constant 1 : i32
    scf.for %scan3A_1189 = %scan3A_320 to %scan3A_322 step %scan3A_323  : i32 {
      %rem3A_1190 = arith.constant 3 : i32
      %rem3A_1191 = arith.remsi %scan3A_1189, %rem3A_1190 : i32
      %mul3A_1192 = arith.constant 8 : i32
      %mul3A_1193 = arith.muli %rem3A_1191, %mul3A_1192 : i32
      %add3A_1194 = arith.constant 0 : i32
      %add3A_1195 = arith.addi %mul3A_1193, %add3A_1194 : i32
      %mul3A_1196 = arith.constant 32 : i32
      %mul3A_1197 = arith.muli %add3A_1195, %mul3A_1196 : i32
      %dma_wait3A_1198 = arith.constant 0 : i32
      %dma_wait3A_1199 = tpu.memref_slice %arg6[%mul3A_1197, %dma_wait3A_1198] : memref<768x128xf32, #tpu.memory_space<vmem>> -> memref<32x128xf32, #tpu.memory_space<vmem>>
      %dma_wait3A_1200 = arith.constant 0 : i32
      %dma_wait3A_1201 = arith.constant 0 : i32
      %dma_wait3A_1202 = tpu.memref_slice %arg3[%dma_wait3A_1200, %dma_wait3A_1201] : memref<32x1000000xf32, #tpu.memory_space<hbm>> -> memref<32x128xf32, #tpu.memory_space<hbm>>
      %dma_wait3A_1203 = arith.constant 0 : i32
      %dma_wait3A_1204 = tpu.memref_slice %arg6[%mul3A_1197, %dma_wait3A_1203] : memref<768x128xf32, #tpu.memory_space<vmem>> -> memref<32x128xf32, #tpu.memory_space<vmem>>
      %dma_wait3A_1205 = arith.constant 0 : i32
      %dma_wait3A_1206 = arith.constant 0 : i32
      %dma_wait3A_1207 = tpu.memref_slice %arg3[%dma_wait3A_1205, %dma_wait3A_1206] : memref<32x1000000xf32, #tpu.memory_space<hbm>> -> memref<32x128xf32, #tpu.memory_space<hbm>>
      tpu.wait_dma2 semaphore(%arg8 : memref<!tpu.dma_semaphore, #tpu.memory_space<semaphore_mem>>) src(%dma_wait3A_1207 : memref<32x128xf32, #tpu.memory_space<hbm>>) dst(%dma_wait3A_1204 : memref<32x128xf32, #tpu.memory_space<vmem>>)
      %add3A_1208 = arith.constant 1 : i32
      %add3A_1209 = arith.addi %mul3A_1193, %add3A_1208 : i32
      %mul3A_1210 = arith.constant 32 : i32
      %mul3A_1211 = arith.muli %add3A_1209, %mul3A_1210 : i32
      %dma_wait3A_1212 = arith.constant 0 : i32
      %dma_wait3A_1213 = tpu.memref_slice %arg6[%mul3A_1211, %dma_wait3A_1212] : memref<768x128xf32, #tpu.memory_space<vmem>> -> memref<32x128xf32, #tpu.memory_space<vmem>>
      %dma_wait3A_1214 = arith.constant 0 : i32
      %dma_wait3A_1215 = arith.constant 0 : i32
      %dma_wait3A_1216 = tpu.memref_slice %arg3[%dma_wait3A_1214, %dma_wait3A_1215] : memref<32x1000000xf32, #tpu.memory_space<hbm>> -> memref<32x128xf32, #tpu.memory_space<hbm>>
      %dma_wait3A_1217 = arith.constant 0 : i32
      %dma_wait3A_1218 = tpu.memref_slice %arg6[%mul3A_1211, %dma_wait3A_1217] : memref<768x128xf32, #tpu.memory_space<vmem>> -> memref<32x128xf32, #tpu.memory_space<vmem>>
      %dma_wait3A_1219 = arith.constant 0 : i32
      %dma_wait3A_1220 = arith.constant 0 : i32
      %dma_wait3A_1221 = tpu.memref_slice %arg3[%dma_wait3A_1219, %dma_wait3A_1220] : memref<32x1000000xf32, #tpu.memory_space<hbm>> -> memref<32x128xf32, #tpu.memory_space<hbm>>
      tpu.wait_dma2 semaphore(%arg8 : memref<!tpu.dma_semaphore, #tpu.memory_space<semaphore_mem>>) src(%dma_wait3A_1221 : memref<32x128xf32, #tpu.memory_space<hbm>>) dst(%dma_wait3A_1218 : memref<32x128xf32, #tpu.memory_space<vmem>>)
      %add3A_1222 = arith.constant 2 : i32
      %add3A_1223 = arith.addi %mul3A_1193, %add3A_1222 : i32
      %mul3A_1224 = arith.constant 32 : i32
      %mul3A_1225 = arith.muli %add3A_1223, %mul3A_1224 : i32
      %dma_wait3A_1226 = arith.constant 0 : i32
      %dma_wait3A_1227 = tpu.memref_slice %arg6[%mul3A_1225, %dma_wait3A_1226] : memref<768x128xf32, #tpu.memory_space<vmem>> -> memref<32x128xf32, #tpu.memory_space<vmem>>
      %dma_wait3A_1228 = arith.constant 0 : i32
      %dma_wait3A_1229 = arith.constant 0 : i32
      %dma_wait3A_1230 = tpu.memref_slice %arg3[%dma_wait3A_1228, %dma_wait3A_1229] : memref<32x1000000xf32, #tpu.memory_space<hbm>> -> memref<32x128xf32, #tpu.memory_space<hbm>>
      %dma_wait3A_1231 = arith.constant 0 : i32
      %dma_wait3A_1232 = tpu.memref_slice %arg6[%mul3A_1225, %dma_wait3A_1231] : memref<768x128xf32, #tpu.memory_space<vmem>> -> memref<32x128xf32, #tpu.memory_space<vmem>>
      %dma_wait3A_1233 = arith.constant 0 : i32
      %dma_wait3A_1234 = arith.constant 0 : i32
      %dma_wait3A_1235 = tpu.memref_slice %arg3[%dma_wait3A_1233, %dma_wait3A_1234] : memref<32x1000000xf32, #tpu.memory_space<hbm>> -> memref<32x128xf32, #tpu.memory_space<hbm>>
      tpu.wait_dma2 semaphore(%arg8 : memref<!tpu.dma_semaphore, #tpu.memory_space<semaphore_mem>>) src(%dma_wait3A_1235 : memref<32x128xf32, #tpu.memory_space<hbm>>) dst(%dma_wait3A_1232 : memref<32x128xf32, #tpu.memory_space<vmem>>)
      %add3A_1236 = arith.constant 3 : i32
      %add3A_1237 = arith.addi %mul3A_1193, %add3A_1236 : i32
      %mul3A_1238 = arith.constant 32 : i32
      %mul3A_1239 = arith.muli %add3A_1237, %mul3A_1238 : i32
      %dma_wait3A_1240 = arith.constant 0 : i32
      %dma_wait3A_1241 = tpu.memref_slice %arg6[%mul3A_1239, %dma_wait3A_1240] : memref<768x128xf32, #tpu.memory_space<vmem>> -> memref<32x128xf32, #tpu.memory_space<vmem>>
      %dma_wait3A_1242 = arith.constant 0 : i32
      %dma_wait3A_1243 = arith.constant 0 : i32
      %dma_wait3A_1244 = tpu.memref_slice %arg3[%dma_wait3A_1242, %dma_wait3A_1243] : memref<32x1000000xf32, #tpu.memory_space<hbm>> -> memref<32x128xf32, #tpu.memory_space<hbm>>
      %dma_wait3A_1245 = arith.constant 0 : i32
      %dma_wait3A_1246 = tpu.memref_slice %arg6[%mul3A_1239, %dma_wait3A_1245] : memref<768x128xf32, #tpu.memory_space<vmem>> -> memref<32x128xf32, #tpu.memory_space<vmem>>
      %dma_wait3A_1247 = arith.constant 0 : i32
      %dma_wait3A_1248 = arith.constant 0 : i32
      %dma_wait3A_1249 = tpu.memref_slice %arg3[%dma_wait3A_1247, %dma_wait3A_1248] : memref<32x1000000xf32, #tpu.memory_space<hbm>> -> memref<32x128xf32, #tpu.memory_space<hbm>>
      tpu.wait_dma2 semaphore(%arg8 : memref<!tpu.dma_semaphore, #tpu.memory_space<semaphore_mem>>) src(%dma_wait3A_1249 : memref<32x128xf32, #tpu.memory_space<hbm>>) dst(%dma_wait3A_1246 : memref<32x128xf32, #tpu.memory_space<vmem>>)
      %add3A_1250 = arith.constant 4 : i32
      %add3A_1251 = arith.addi %mul3A_1193, %add3A_1250 : i32
      %mul3A_1252 = arith.constant 32 : i32
      %mul3A_1253 = arith.muli %add3A_1251, %mul3A_1252 : i32
      %dma_wait3A_1254 = arith.constant 0 : i32
      %dma_wait3A_1255 = tpu.memref_slice %arg6[%mul3A_1253, %dma_wait3A_1254] : memref<768x128xf32, #tpu.memory_space<vmem>> -> memref<32x128xf32, #tpu.memory_space<vmem>>
      %dma_wait3A_1256 = arith.constant 0 : i32
      %dma_wait3A_1257 = arith.constant 0 : i32
      %dma_wait3A_1258 = tpu.memref_slice %arg3[%dma_wait3A_1256, %dma_wait3A_1257] : memref<32x1000000xf32, #tpu.memory_space<hbm>> -> memref<32x128xf32, #tpu.memory_space<hbm>>
      %dma_wait3A_1259 = arith.constant 0 : i32
      %dma_wait3A_1260 = tpu.memref_slice %arg6[%mul3A_1253, %dma_wait3A_1259] : memref<768x128xf32, #tpu.memory_space<vmem>> -> memref<32x128xf32, #tpu.memory_space<vmem>>
      %dma_wait3A_1261 = arith.constant 0 : i32
      %dma_wait3A_1262 = arith.constant 0 : i32
      %dma_wait3A_1263 = tpu.memref_slice %arg3[%dma_wait3A_1261, %dma_wait3A_1262] : memref<32x1000000xf32, #tpu.memory_space<hbm>> -> memref<32x128xf32, #tpu.memory_space<hbm>>
      tpu.wait_dma2 semaphore(%arg8 : memref<!tpu.dma_semaphore, #tpu.memory_space<semaphore_mem>>) src(%dma_wait3A_1263 : memref<32x128xf32, #tpu.memory_space<hbm>>) dst(%dma_wait3A_1260 : memref<32x128xf32, #tpu.memory_space<vmem>>)
      %add3A_1264 = arith.constant 5 : i32
      %add3A_1265 = arith.addi %mul3A_1193, %add3A_1264 : i32
      %mul3A_1266 = arith.constant 32 : i32
      %mul3A_1267 = arith.muli %add3A_1265, %mul3A_1266 : i32
      %dma_wait3A_1268 = arith.constant 0 : i32
      %dma_wait3A_1269 = tpu.memref_slice %arg6[%mul3A_1267, %dma_wait3A_1268] : memref<768x128xf32, #tpu.memory_space<vmem>> -> memref<32x128xf32, #tpu.memory_space<vmem>>
      %dma_wait3A_1270 = arith.constant 0 : i32
      %dma_wait3A_1271 = arith.constant 0 : i32
      %dma_wait3A_1272 = tpu.memref_slice %arg3[%dma_wait3A_1270, %dma_wait3A_1271] : memref<32x1000000xf32, #tpu.memory_space<hbm>> -> memref<32x128xf32, #tpu.memory_space<hbm>>
      %dma_wait3A_1273 = arith.constant 0 : i32
      %dma_wait3A_1274 = tpu.memref_slice %arg6[%mul3A_1267, %dma_wait3A_1273] : memref<768x128xf32, #tpu.memory_space<vmem>> -> memref<32x128xf32, #tpu.memory_space<vmem>>
      %dma_wait3A_1275 = arith.constant 0 : i32
      %dma_wait3A_1276 = arith.constant 0 : i32
      %dma_wait3A_1277 = tpu.memref_slice %arg3[%dma_wait3A_1275, %dma_wait3A_1276] : memref<32x1000000xf32, #tpu.memory_space<hbm>> -> memref<32x128xf32, #tpu.memory_space<hbm>>
      tpu.wait_dma2 semaphore(%arg8 : memref<!tpu.dma_semaphore, #tpu.memory_space<semaphore_mem>>) src(%dma_wait3A_1277 : memref<32x128xf32, #tpu.memory_space<hbm>>) dst(%dma_wait3A_1274 : memref<32x128xf32, #tpu.memory_space<vmem>>)
      %add3A_1278 = arith.constant 6 : i32
      %add3A_1279 = arith.addi %mul3A_1193, %add3A_1278 : i32
      %mul3A_1280 = arith.constant 32 : i32
      %mul3A_1281 = arith.muli %add3A_1279, %mul3A_1280 : i32
      %dma_wait3A_1282 = arith.constant 0 : i32
      %dma_wait3A_1283 = tpu.memref_slice %arg6[%mul3A_1281, %dma_wait3A_1282] : memref<768x128xf32, #tpu.memory_space<vmem>> -> memref<32x128xf32, #tpu.memory_space<vmem>>
      %dma_wait3A_1284 = arith.constant 0 : i32
      %dma_wait3A_1285 = arith.constant 0 : i32
      %dma_wait3A_1286 = tpu.memref_slice %arg3[%dma_wait3A_1284, %dma_wait3A_1285] : memref<32x1000000xf32, #tpu.memory_space<hbm>> -> memref<32x128xf32, #tpu.memory_space<hbm>>
      %dma_wait3A_1287 = arith.constant 0 : i32
      %dma_wait3A_1288 = tpu.memref_slice %arg6[%mul3A_1281, %dma_wait3A_1287] : memref<768x128xf32, #tpu.memory_space<vmem>> -> memref<32x128xf32, #tpu.memory_space<vmem>>
      %dma_wait3A_1289 = arith.constant 0 : i32
      %dma_wait3A_1290 = arith.constant 0 : i32
      %dma_wait3A_1291 = tpu.memref_slice %arg3[%dma_wait3A_1289, %dma_wait3A_1290] : memref<32x1000000xf32, #tpu.memory_space<hbm>> -> memref<32x128xf32, #tpu.memory_space<hbm>>
      tpu.wait_dma2 semaphore(%arg8 : memref<!tpu.dma_semaphore, #tpu.memory_space<semaphore_mem>>) src(%dma_wait3A_1291 : memref<32x128xf32, #tpu.memory_space<hbm>>) dst(%dma_wait3A_1288 : memref<32x128xf32, #tpu.memory_space<vmem>>)
      %add3A_1292 = arith.constant 7 : i32
      %add3A_1293 = arith.addi %mul3A_1193, %add3A_1292 : i32
      %mul3A_1294 = arith.constant 32 : i32
      %mul3A_1295 = arith.muli %add3A_1293, %mul3A_1294 : i32
      %dma_wait3A_1296 = arith.constant 0 : i32
      %dma_wait3A_1297 = tpu.memref_slice %arg6[%mul3A_1295, %dma_wait3A_1296] : memref<768x128xf32, #tpu.memory_space<vmem>> -> memref<32x128xf32, #tpu.memory_space<vmem>>
      %dma_wait3A_1298 = arith.constant 0 : i32
      %dma_wait3A_1299 = arith.constant 0 : i32
      %dma_wait3A_1300 = tpu.memref_slice %arg3[%dma_wait3A_1298, %dma_wait3A_1299] : memref<32x1000000xf32, #tpu.memory_space<hbm>> -> memref<32x128xf32, #tpu.memory_space<hbm>>
      %dma_wait3A_1301 = arith.constant 0 : i32
      %dma_wait3A_1302 = tpu.memref_slice %arg6[%mul3A_1295, %dma_wait3A_1301] : memref<768x128xf32, #tpu.memory_space<vmem>> -> memref<32x128xf32, #tpu.memory_space<vmem>>
      %dma_wait3A_1303 = arith.constant 0 : i32
      %dma_wait3A_1304 = arith.constant 0 : i32
      %dma_wait3A_1305 = tpu.memref_slice %arg3[%dma_wait3A_1303, %dma_wait3A_1304] : memref<32x1000000xf32, #tpu.memory_space<hbm>> -> memref<32x128xf32, #tpu.memory_space<hbm>>
      tpu.wait_dma2 semaphore(%arg8 : memref<!tpu.dma_semaphore, #tpu.memory_space<semaphore_mem>>) src(%dma_wait3A_1305 : memref<32x128xf32, #tpu.memory_space<hbm>>) dst(%dma_wait3A_1302 : memref<32x128xf32, #tpu.memory_space<vmem>>)
      %mul3A_1306 = arith.constant 8 : i32
      %mul3A_1307 = arith.muli %scan3A_1189, %mul3A_1306 : i32
      %get3A_1308 = arith.index_cast %mul3A_1307 : i32 to index
      %get3A_1309 = tpu.vector_load %arg5[%get3A_1308] {strides = array<i32>} : memref<520xi32, #tpu.memory_space<vmem>>, vector<16xi32>,
      %mul3A_1310 = arith.constant 8 : i32
      %mul3A_1311 = arith.muli %scan3A_1189, %mul3A_1310 : i32
      %add3A_1312 = arith.constant 0 : i32
      %add3A_1313 = arith.addi %mul3A_1311, %add3A_1312 : i32
      %slice3A_1314 = vector.extract_strided_slice %get3A_1309 {offsets = [0], sizes = [1], strides = [1]} : vector<16xi32> to vector<1xi32>
      %squeeze3A_1315 = vector.extract %slice3A_1314[0] : i32 from vector<1xi32>
      %and3A_1316 = arith.constant 127 : i32
      %and3A_1317 = arith.andi %squeeze3A_1315, %and3A_1316 : i32
      %broadcast_in_dim3A_1318 = vector.broadcast %and3A_1317 : i32 to vector<16xi32>
      %add3A_1319 = arith.constant 0 : i32
      %add3A_1320 = arith.addi %mul3A_1193, %add3A_1319 : i32
      %mul3A_1321 = arith.constant 32 : i32
      %mul3A_1322 = arith.muli %add3A_1320, %mul3A_1321 : i32
      %broadcast_in_dim3A_1323 = vector.broadcast %mul3A_1322 : i32 to vector<16xi32>
      %add3A_1324 = arith.constant 0 : i32
      %add3A_1325 = vector.broadcast %add3A_1324 : i32 to vector<16xi32>
      %add3A_1326 = arith.addi %iota3A, %add3A_1325 : vector<16xi32>
      %add3A_1327 = arith.addi %broadcast_in_dim3A_1323, %add3A_1326 : vector<16xi32>
      %gather3A_1328 = tpu.vector_load_idx %arg6[%add3A_1327, %broadcast_in_dim3A_1318] : memref<768x128xf32, #tpu.memory_space<vmem>>[vector<16xi32>, vector<16xi32>], vector<16xf32>,
      %mul3A_1329 = arith.constant 512 : i32
      %mul3A_1330 = vector.broadcast %mul3A_1329 : i32 to vector<16xi32>
      %mul3A_1331 = arith.muli %add3A_1326, %mul3A_1330 : vector<16xi32>
      %add3A_1332 = vector.broadcast %add3A_1313 : i32 to vector<16xi32>
      %add3A_1333 = arith.addi %mul3A_1331, %add3A_1332 : vector<16xi32>
      tpu.vector_store_idx %arg7[%add3A_1333], %gather3A_1328 : memref<16384xf32, #tpu.memory_space<vmem>>[vector<16xi32>], vector<16xf32>,
      %add3A_1334 = arith.constant 16 : i32
      %add3A_1335 = vector.broadcast %add3A_1334 : i32 to vector<16xi32>
      %add3A_1336 = arith.addi %iota3A, %add3A_1335 : vector<16xi32>
      %add3A_1337 = arith.addi %broadcast_in_dim3A_1323, %add3A_1336 : vector<16xi32>
      %gather3A_1338 = tpu.vector_load_idx %arg6[%add3A_1337, %broadcast_in_dim3A_1318] : memref<768x128xf32, #tpu.memory_space<vmem>>[vector<16xi32>, vector<16xi32>], vector<16xf32>,
      %mul3A_1339 = arith.constant 512 : i32
      %mul3A_1340 = vector.broadcast %mul3A_1339 : i32 to vector<16xi32>
      %mul3A_1341 = arith.muli %add3A_1336, %mul3A_1340 : vector<16xi32>
      %add3A_1342 = vector.broadcast %add3A_1313 : i32 to vector<16xi32>
      %add3A_1343 = arith.addi %mul3A_1341, %add3A_1342 : vector<16xi32>
      tpu.vector_store_idx %arg7[%add3A_1343], %gather3A_1338 : memref<16384xf32, #tpu.memory_space<vmem>>[vector<16xi32>], vector<16xf32>,
      %mul3A_1344 = arith.constant 8 : i32
      %mul3A_1345 = arith.muli %scan3A_1189, %mul3A_1344 : i32
      %add3A_1346 = arith.constant 1 : i32
      %add3A_1347 = arith.addi %mul3A_1345, %add3A_1346 : i32
      %slice3A_1348 = vector.extract_strided_slice %get3A_1309 {offsets = [1], sizes = [1], strides = [1]} : vector<16xi32> to vector<1xi32>
      %squeeze3A_1349 = vector.extract %slice3A_1348[0] : i32 from vector<1xi32>
      %and3A_1350 = arith.constant 127 : i32
      %and3A_1351 = arith.andi %squeeze3A_1349, %and3A_1350 : i32
      %broadcast_in_dim3A_1352 = vector.broadcast %and3A_1351 : i32 to vector<16xi32>
      %add3A_1353 = arith.constant 1 : i32
      %add3A_1354 = arith.addi %mul3A_1193, %add3A_1353 : i32
      %mul3A_1355 = arith.constant 32 : i32
      %mul3A_1356 = arith.muli %add3A_1354, %mul3A_1355 : i32
      %broadcast_in_dim3A_1357 = vector.broadcast %mul3A_1356 : i32 to vector<16xi32>
      %add3A_1358 = arith.constant 0 : i32
      %add3A_1359 = vector.broadcast %add3A_1358 : i32 to vector<16xi32>
      %add3A_1360 = arith.addi %iota3A, %add3A_1359 : vector<16xi32>
      %add3A_1361 = arith.addi %broadcast_in_dim3A_1357, %add3A_1360 : vector<16xi32>
      %gather3A_1362 = tpu.vector_load_idx %arg6[%add3A_1361, %broadcast_in_dim3A_1352] : memref<768x128xf32, #tpu.memory_space<vmem>>[vector<16xi32>, vector<16xi32>], vector<16xf32>,
      %mul3A_1363 = arith.constant 512 : i32
      %mul3A_1364 = vector.broadcast %mul3A_1363 : i32 to vector<16xi32>
      %mul3A_1365 = arith.muli %add3A_1360, %mul3A_1364 : vector<16xi32>
      %add3A_1366 = vector.broadcast %add3A_1347 : i32 to vector<16xi32>
      %add3A_1367 = arith.addi %mul3A_1365, %add3A_1366 : vector<16xi32>
      tpu.vector_store_idx %arg7[%add3A_1367], %gather3A_1362 : memref<16384xf32, #tpu.memory_space<vmem>>[vector<16xi32>], vector<16xf32>,
      %add3A_1368 = arith.constant 16 : i32
      %add3A_1369 = vector.broadcast %add3A_1368 : i32 to vector<16xi32>
      %add3A_1370 = arith.addi %iota3A, %add3A_1369 : vector<16xi32>
      %add3A_1371 = arith.addi %broadcast_in_dim3A_1357, %add3A_1370 : vector<16xi32>
      %gather3A_1372 = tpu.vector_load_idx %arg6[%add3A_1371, %broadcast_in_dim3A_1352] : memref<768x128xf32, #tpu.memory_space<vmem>>[vector<16xi32>, vector<16xi32>], vector<16xf32>,
      %mul3A_1373 = arith.constant 512 : i32
      %mul3A_1374 = vector.broadcast %mul3A_1373 : i32 to vector<16xi32>
      %mul3A_1375 = arith.muli %add3A_1370, %mul3A_1374 : vector<16xi32>
      %add3A_1376 = vector.broadcast %add3A_1347 : i32 to vector<16xi32>
      %add3A_1377 = arith.addi %mul3A_1375, %add3A_1376 : vector<16xi32>
      tpu.vector_store_idx %arg7[%add3A_1377], %gather3A_1372 : memref<16384xf32, #tpu.memory_space<vmem>>[vector<16xi32>], vector<16xf32>,
      %mul3A_1378 = arith.constant 8 : i32
      %mul3A_1379 = arith.muli %scan3A_1189, %mul3A_1378 : i32
      %add3A_1380 = arith.constant 2 : i32
      %add3A_1381 = arith.addi %mul3A_1379, %add3A_1380 : i32
      %slice3A_1382 = vector.extract_strided_slice %get3A_1309 {offsets = [2], sizes = [1], strides = [1]} : vector<16xi32> to vector<1xi32>
      %squeeze3A_1383 = vector.extract %slice3A_1382[0] : i32 from vector<1xi32>
      %and3A_1384 = arith.constant 127 : i32
      %and3A_1385 = arith.andi %squeeze3A_1383, %and3A_1384 : i32
      %broadcast_in_dim3A_1386 = vector.broadcast %and3A_1385 : i32 to vector<16xi32>
      %add3A_1387 = arith.constant 2 : i32
      %add3A_1388 = arith.addi %mul3A_1193, %add3A_1387 : i32
      %mul3A_1389 = arith.constant 32 : i32
      %mul3A_1390 = arith.muli %add3A_1388, %mul3A_1389 : i32
      %broadcast_in_dim3A_1391 = vector.broadcast %mul3A_1390 : i32 to vector<16xi32>
      %add3A_1392 = arith.constant 0 : i32
      %add3A_1393 = vector.broadcast %add3A_1392 : i32 to vector<16xi32>
      %add3A_1394 = arith.addi %iota3A, %add3A_1393 : vector<16xi32>
      %add3A_1395 = arith.addi %broadcast_in_dim3A_1391, %add3A_1394 : vector<16xi32>
      %gather3A_1396 = tpu.vector_load_idx %arg6[%add3A_1395, %broadcast_in_dim3A_1386] : memref<768x128xf32, #tpu.memory_space<vmem>>[vector<16xi32>, vector<16xi32>], vector<16xf32>,
      %mul3A_1397 = arith.constant 512 : i32
      %mul3A_1398 = vector.broadcast %mul3A_1397 : i32 to vector<16xi32>
      %mul3A_1399 = arith.muli %add3A_1394, %mul3A_1398 : vector<16xi32>
      %add3A_1400 = vector.broadcast %add3A_1381 : i32 to vector<16xi32>
      %add3A_1401 = arith.addi %mul3A_1399, %add3A_1400 : vector<16xi32>
      tpu.vector_store_idx %arg7[%add3A_1401], %gather3A_1396 : memref<16384xf32, #tpu.memory_space<vmem>>[vector<16xi32>], vector<16xf32>,
      %add3A_1402 = arith.constant 16 : i32
      %add3A_1403 = vector.broadcast %add3A_1402 : i32 to vector<16xi32>
      %add3A_1404 = arith.addi %iota3A, %add3A_1403 : vector<16xi32>
      %add3A_1405 = arith.addi %broadcast_in_dim3A_1391, %add3A_1404 : vector<16xi32>
      %gather3A_1406 = tpu.vector_load_idx %arg6[%add3A_1405, %broadcast_in_dim3A_1386] : memref<768x128xf32, #tpu.memory_space<vmem>>[vector<16xi32>, vector<16xi32>], vector<16xf32>,
      %mul3A_1407 = arith.constant 512 : i32
      %mul3A_1408 = vector.broadcast %mul3A_1407 : i32 to vector<16xi32>
      %mul3A_1409 = arith.muli %add3A_1404, %mul3A_1408 : vector<16xi32>
      %add3A_1410 = vector.broadcast %add3A_1381 : i32 to vector<16xi32>
      %add3A_1411 = arith.addi %mul3A_1409, %add3A_1410 : vector<16xi32>
      tpu.vector_store_idx %arg7[%add3A_1411], %gather3A_1406 : memref<16384xf32, #tpu.memory_space<vmem>>[vector<16xi32>], vector<16xf32>,
      %mul3A_1412 = arith.constant 8 : i32
      %mul3A_1413 = arith.muli %scan3A_1189, %mul3A_1412 : i32
      %add3A_1414 = arith.constant 3 : i32
      %add3A_1415 = arith.addi %mul3A_1413, %add3A_1414 : i32
      %slice3A_1416 = vector.extract_strided_slice %get3A_1309 {offsets = [3], sizes = [1], strides = [1]} : vector<16xi32> to vector<1xi32>
      %squeeze3A_1417 = vector.extract %slice3A_1416[0] : i32 from vector<1xi32>
      %and3A_1418 = arith.constant 127 : i32
      %and3A_1419 = arith.andi %squeeze3A_1417, %and3A_1418 : i32
      %broadcast_in_dim3A_1420 = vector.broadcast %and3A_1419 : i32 to vector<16xi32>
      %add3A_1421 = arith.constant 3 : i32
      %add3A_1422 = arith.addi %mul3A_1193, %add3A_1421 : i32
      %mul3A_1423 = arith.constant 32 : i32
      %mul3A_1424 = arith.muli %add3A_1422, %mul3A_1423 : i32
      %broadcast_in_dim3A_1425 = vector.broadcast %mul3A_1424 : i32 to vector<16xi32>
      %add3A_1426 = arith.constant 0 : i32
      %add3A_1427 = vector.broadcast %add3A_1426 : i32 to vector<16xi32>
      %add3A_1428 = arith.addi %iota3A, %add3A_1427 : vector<16xi32>
      %add3A_1429 = arith.addi %broadcast_in_dim3A_1425, %add3A_1428 : vector<16xi32>
      %gather3A_1430 = tpu.vector_load_idx %arg6[%add3A_1429, %broadcast_in_dim3A_1420] : memref<768x128xf32, #tpu.memory_space<vmem>>[vector<16xi32>, vector<16xi32>], vector<16xf32>,
      %mul3A_1431 = arith.constant 512 : i32
      %mul3A_1432 = vector.broadcast %mul3A_1431 : i32 to vector<16xi32>
      %mul3A_1433 = arith.muli %add3A_1428, %mul3A_1432 : vector<16xi32>
      %add3A_1434 = vector.broadcast %add3A_1415 : i32 to vector<16xi32>
      %add3A_1435 = arith.addi %mul3A_1433, %add3A_1434 : vector<16xi32>
      tpu.vector_store_idx %arg7[%add3A_1435], %gather3A_1430 : memref<16384xf32, #tpu.memory_space<vmem>>[vector<16xi32>], vector<16xf32>,
      %add3A_1436 = arith.constant 16 : i32
      %add3A_1437 = vector.broadcast %add3A_1436 : i32 to vector<16xi32>
      %add3A_1438 = arith.addi %iota3A, %add3A_1437 : vector<16xi32>
      %add3A_1439 = arith.addi %broadcast_in_dim3A_1425, %add3A_1438 : vector<16xi32>
      %gather3A_1440 = tpu.vector_load_idx %arg6[%add3A_1439, %broadcast_in_dim3A_1420] : memref<768x128xf32, #tpu.memory_space<vmem>>[vector<16xi32>, vector<16xi32>], vector<16xf32>,
      %mul3A_1441 = arith.constant 512 : i32
      %mul3A_1442 = vector.broadcast %mul3A_1441 : i32 to vector<16xi32>
      %mul3A_1443 = arith.muli %add3A_1438, %mul3A_1442 : vector<16xi32>
      %add3A_1444 = vector.broadcast %add3A_1415 : i32 to vector<16xi32>
      %add3A_1445 = arith.addi %mul3A_1443, %add3A_1444 : vector<16xi32>
      tpu.vector_store_idx %arg7[%add3A_1445], %gather3A_1440 : memref<16384xf32, #tpu.memory_space<vmem>>[vector<16xi32>], vector<16xf32>,
      %mul3A_1446 = arith.constant 8 : i32
      %mul3A_1447 = arith.muli %scan3A_1189, %mul3A_1446 : i32
      %add3A_1448 = arith.constant 4 : i32
      %add3A_1449 = arith.addi %mul3A_1447, %add3A_1448 : i32
      %slice3A_1450 = vector.extract_strided_slice %get3A_1309 {offsets = [4], sizes = [1], strides = [1]} : vector<16xi32> to vector<1xi32>
      %squeeze3A_1451 = vector.extract %slice3A_1450[0] : i32 from vector<1xi32>
      %and3A_1452 = arith.constant 127 : i32
      %and3A_1453 = arith.andi %squeeze3A_1451, %and3A_1452 : i32
      %broadcast_in_dim3A_1454 = vector.broadcast %and3A_1453 : i32 to vector<16xi32>
      %add3A_1455 = arith.constant 4 : i32
      %add3A_1456 = arith.addi %mul3A_1193, %add3A_1455 : i32
      %mul3A_1457 = arith.constant 32 : i32
      %mul3A_1458 = arith.muli %add3A_1456, %mul3A_1457 : i32
      %broadcast_in_dim3A_1459 = vector.broadcast %mul3A_1458 : i32 to vector<16xi32>
      %add3A_1460 = arith.constant 0 : i32
      %add3A_1461 = vector.broadcast %add3A_1460 : i32 to vector<16xi32>
      %add3A_1462 = arith.addi %iota3A, %add3A_1461 : vector<16xi32>
      %add3A_1463 = arith.addi %broadcast_in_dim3A_1459, %add3A_1462 : vector<16xi32>
      %gather3A_1464 = tpu.vector_load_idx %arg6[%add3A_1463, %broadcast_in_dim3A_1454] : memref<768x128xf32, #tpu.memory_space<vmem>>[vector<16xi32>, vector<16xi32>], vector<16xf32>,
      %mul3A_1465 = arith.constant 512 : i32
      %mul3A_1466 = vector.broadcast %mul3A_1465 : i32 to vector<16xi32>
      %mul3A_1467 = arith.muli %add3A_1462, %mul3A_1466 : vector<16xi32>
      %add3A_1468 = vector.broadcast %add3A_1449 : i32 to vector<16xi32>
      %add3A_1469 = arith.addi %mul3A_1467, %add3A_1468 : vector<16xi32>
      tpu.vector_store_idx %arg7[%add3A_1469], %gather3A_1464 : memref<16384xf32, #tpu.memory_space<vmem>>[vector<16xi32>], vector<16xf32>,
      %add3A_1470 = arith.constant 16 : i32
      %add3A_1471 = vector.broadcast %add3A_1470 : i32 to vector<16xi32>
      %add3A_1472 = arith.addi %iota3A, %add3A_1471 : vector<16xi32>
      %add3A_1473 = arith.addi %broadcast_in_dim3A_1459, %add3A_1472 : vector<16xi32>
      %gather3A_1474 = tpu.vector_load_idx %arg6[%add3A_1473, %broadcast_in_dim3A_1454] : memref<768x128xf32, #tpu.memory_space<vmem>>[vector<16xi32>, vector<16xi32>], vector<16xf32>,
      %mul3A_1475 = arith.constant 512 : i32
      %mul3A_1476 = vector.broadcast %mul3A_1475 : i32 to vector<16xi32>
      %mul3A_1477 = arith.muli %add3A_1472, %mul3A_1476 : vector<16xi32>
      %add3A_1478 = vector.broadcast %add3A_1449 : i32 to vector<16xi32>
      %add3A_1479 = arith.addi %mul3A_1477, %add3A_1478 : vector<16xi32>
      tpu.vector_store_idx %arg7[%add3A_1479], %gather3A_1474 : memref<16384xf32, #tpu.memory_space<vmem>>[vector<16xi32>], vector<16xf32>,
      %mul3A_1480 = arith.constant 8 : i32
      %mul3A_1481 = arith.muli %scan3A_1189, %mul3A_1480 : i32
      %add3A_1482 = arith.constant 5 : i32
      %add3A_1483 = arith.addi %mul3A_1481, %add3A_1482 : i32
      %slice3A_1484 = vector.extract_strided_slice %get3A_1309 {offsets = [5], sizes = [1], strides = [1]} : vector<16xi32> to vector<1xi32>
      %squeeze3A_1485 = vector.extract %slice3A_1484[0] : i32 from vector<1xi32>
      %and3A_1486 = arith.constant 127 : i32
      %and3A_1487 = arith.andi %squeeze3A_1485, %and3A_1486 : i32
      %broadcast_in_dim3A_1488 = vector.broadcast %and3A_1487 : i32 to vector<16xi32>
      %add3A_1489 = arith.constant 5 : i32
      %add3A_1490 = arith.addi %mul3A_1193, %add3A_1489 : i32
      %mul3A_1491 = arith.constant 32 : i32
      %mul3A_1492 = arith.muli %add3A_1490, %mul3A_1491 : i32
      %broadcast_in_dim3A_1493 = vector.broadcast %mul3A_1492 : i32 to vector<16xi32>
      %add3A_1494 = arith.constant 0 : i32
      %add3A_1495 = vector.broadcast %add3A_1494 : i32 to vector<16xi32>
      %add3A_1496 = arith.addi %iota3A, %add3A_1495 : vector<16xi32>
      %add3A_1497 = arith.addi %broadcast_in_dim3A_1493, %add3A_1496 : vector<16xi32>
      %gather3A_1498 = tpu.vector_load_idx %arg6[%add3A_1497, %broadcast_in_dim3A_1488] : memref<768x128xf32, #tpu.memory_space<vmem>>[vector<16xi32>, vector<16xi32>], vector<16xf32>,
      %mul3A_1499 = arith.constant 512 : i32
      %mul3A_1500 = vector.broadcast %mul3A_1499 : i32 to vector<16xi32>
      %mul3A_1501 = arith.muli %add3A_1496, %mul3A_1500 : vector<16xi32>
      %add3A_1502 = vector.broadcast %add3A_1483 : i32 to vector<16xi32>
      %add3A_1503 = arith.addi %mul3A_1501, %add3A_1502 : vector<16xi32>
      tpu.vector_store_idx %arg7[%add3A_1503], %gather3A_1498 : memref<16384xf32, #tpu.memory_space<vmem>>[vector<16xi32>], vector<16xf32>,
      %add3A_1504 = arith.constant 16 : i32
      %add3A_1505 = vector.broadcast %add3A_1504 : i32 to vector<16xi32>
      %add3A_1506 = arith.addi %iota3A, %add3A_1505 : vector<16xi32>
      %add3A_1507 = arith.addi %broadcast_in_dim3A_1493, %add3A_1506 : vector<16xi32>
      %gather3A_1508 = tpu.vector_load_idx %arg6[%add3A_1507, %broadcast_in_dim3A_1488] : memref<768x128xf32, #tpu.memory_space<vmem>>[vector<16xi32>, vector<16xi32>], vector<16xf32>,
      %mul3A_1509 = arith.constant 512 : i32
      %mul3A_1510 = vector.broadcast %mul3A_1509 : i32 to vector<16xi32>
      %mul3A_1511 = arith.muli %add3A_1506, %mul3A_1510 : vector<16xi32>
      %add3A_1512 = vector.broadcast %add3A_1483 : i32 to vector<16xi32>
      %add3A_1513 = arith.addi %mul3A_1511, %add3A_1512 : vector<16xi32>
      tpu.vector_store_idx %arg7[%add3A_1513], %gather3A_1508 : memref<16384xf32, #tpu.memory_space<vmem>>[vector<16xi32>], vector<16xf32>,
      %mul3A_1514 = arith.constant 8 : i32
      %mul3A_1515 = arith.muli %scan3A_1189, %mul3A_1514 : i32
      %add3A_1516 = arith.constant 6 : i32
      %add3A_1517 = arith.addi %mul3A_1515, %add3A_1516 : i32
      %slice3A_1518 = vector.extract_strided_slice %get3A_1309 {offsets = [6], sizes = [1], strides = [1]} : vector<16xi32> to vector<1xi32>
      %squeeze3A_1519 = vector.extract %slice3A_1518[0] : i32 from vector<1xi32>
      %and3A_1520 = arith.constant 127 : i32
      %and3A_1521 = arith.andi %squeeze3A_1519, %and3A_1520 : i32
      %broadcast_in_dim3A_1522 = vector.broadcast %and3A_1521 : i32 to vector<16xi32>
      %add3A_1523 = arith.constant 6 : i32
      %add3A_1524 = arith.addi %mul3A_1193, %add3A_1523 : i32
      %mul3A_1525 = arith.constant 32 : i32
      %mul3A_1526 = arith.muli %add3A_1524, %mul3A_1525 : i32
      %broadcast_in_dim3A_1527 = vector.broadcast %mul3A_1526 : i32 to vector<16xi32>
      %add3A_1528 = arith.constant 0 : i32
      %add3A_1529 = vector.broadcast %add3A_1528 : i32 to vector<16xi32>
      %add3A_1530 = arith.addi %iota3A, %add3A_1529 : vector<16xi32>
      %add3A_1531 = arith.addi %broadcast_in_dim3A_1527, %add3A_1530 : vector<16xi32>
      %gather3A_1532 = tpu.vector_load_idx %arg6[%add3A_1531, %broadcast_in_dim3A_1522] : memref<768x128xf32, #tpu.memory_space<vmem>>[vector<16xi32>, vector<16xi32>], vector<16xf32>,
      %mul3A_1533 = arith.constant 512 : i32
      %mul3A_1534 = vector.broadcast %mul3A_1533 : i32 to vector<16xi32>
      %mul3A_1535 = arith.muli %add3A_1530, %mul3A_1534 : vector<16xi32>
      %add3A_1536 = vector.broadcast %add3A_1517 : i32 to vector<16xi32>
      %add3A_1537 = arith.addi %mul3A_1535, %add3A_1536 : vector<16xi32>
      tpu.vector_store_idx %arg7[%add3A_1537], %gather3A_1532 : memref<16384xf32, #tpu.memory_space<vmem>>[vector<16xi32>], vector<16xf32>,
      %add3A_1538 = arith.constant 16 : i32
      %add3A_1539 = vector.broadcast %add3A_1538 : i32 to vector<16xi32>
      %add3A_1540 = arith.addi %iota3A, %add3A_1539 : vector<16xi32>
      %add3A_1541 = arith.addi %broadcast_in_dim3A_1527, %add3A_1540 : vector<16xi32>
      %gather3A_1542 = tpu.vector_load_idx %arg6[%add3A_1541, %broadcast_in_dim3A_1522] : memref<768x128xf32, #tpu.memory_space<vmem>>[vector<16xi32>, vector<16xi32>], vector<16xf32>,
      %mul3A_1543 = arith.constant 512 : i32
      %mul3A_1544 = vector.broadcast %mul3A_1543 : i32 to vector<16xi32>
      %mul3A_1545 = arith.muli %add3A_1540, %mul3A_1544 : vector<16xi32>
      %add3A_1546 = vector.broadcast %add3A_1517 : i32 to vector<16xi32>
      %add3A_1547 = arith.addi %mul3A_1545, %add3A_1546 : vector<16xi32>
      tpu.vector_store_idx %arg7[%add3A_1547], %gather3A_1542 : memref<16384xf32, #tpu.memory_space<vmem>>[vector<16xi32>], vector<16xf32>,
      %mul3A_1548 = arith.constant 8 : i32
      %mul3A_1549 = arith.muli %scan3A_1189, %mul3A_1548 : i32
      %add3A_1550 = arith.constant 7 : i32
      %add3A_1551 = arith.addi %mul3A_1549, %add3A_1550 : i32
      %slice3A_1552 = vector.extract_strided_slice %get3A_1309 {offsets = [7], sizes = [1], strides = [1]} : vector<16xi32> to vector<1xi32>
      %squeeze3A_1553 = vector.extract %slice3A_1552[0] : i32 from vector<1xi32>
      %and3A_1554 = arith.constant 127 : i32
      %and3A_1555 = arith.andi %squeeze3A_1553, %and3A_1554 : i32
      %broadcast_in_dim3A_1556 = vector.broadcast %and3A_1555 : i32 to vector<16xi32>
      %add3A_1557 = arith.constant 7 : i32
      %add3A_1558 = arith.addi %mul3A_1193, %add3A_1557 : i32
      %mul3A_1559 = arith.constant 32 : i32
      %mul3A_1560 = arith.muli %add3A_1558, %mul3A_1559 : i32
      %broadcast_in_dim3A_1561 = vector.broadcast %mul3A_1560 : i32 to vector<16xi32>
      %add3A_1562 = arith.constant 0 : i32
      %add3A_1563 = vector.broadcast %add3A_1562 : i32 to vector<16xi32>
      %add3A_1564 = arith.addi %iota3A, %add3A_1563 : vector<16xi32>
      %add3A_1565 = arith.addi %broadcast_in_dim3A_1561, %add3A_1564 : vector<16xi32>
      %gather3A_1566 = tpu.vector_load_idx %arg6[%add3A_1565, %broadcast_in_dim3A_1556] : memref<768x128xf32, #tpu.memory_space<vmem>>[vector<16xi32>, vector<16xi32>], vector<16xf32>,
      %mul3A_1567 = arith.constant 512 : i32
      %mul3A_1568 = vector.broadcast %mul3A_1567 : i32 to vector<16xi32>
      %mul3A_1569 = arith.muli %add3A_1564, %mul3A_1568 : vector<16xi32>
      %add3A_1570 = vector.broadcast %add3A_1551 : i32 to vector<16xi32>
      %add3A_1571 = arith.addi %mul3A_1569, %add3A_1570 : vector<16xi32>
      tpu.vector_store_idx %arg7[%add3A_1571], %gather3A_1566 : memref<16384xf32, #tpu.memory_space<vmem>>[vector<16xi32>], vector<16xf32>,
      %add3A_1572 = arith.constant 16 : i32
      %add3A_1573 = vector.broadcast %add3A_1572 : i32 to vector<16xi32>
      %add3A_1574 = arith.addi %iota3A, %add3A_1573 : vector<16xi32>
      %add3A_1575 = arith.addi %broadcast_in_dim3A_1561, %add3A_1574 : vector<16xi32>
      %gather3A_1576 = tpu.vector_load_idx %arg6[%add3A_1575, %broadcast_in_dim3A_1556] : memref<768x128xf32, #tpu.memory_space<vmem>>[vector<16xi32>, vector<16xi32>], vector<16xf32>,
      %mul3A_1577 = arith.constant 512 : i32
      %mul3A_1578 = vector.broadcast %mul3A_1577 : i32 to vector<16xi32>
      %mul3A_1579 = arith.muli %add3A_1574, %mul3A_1578 : vector<16xi32>
      %add3A_1580 = vector.broadcast %add3A_1551 : i32 to vector<16xi32>
      %add3A_1581 = arith.addi %mul3A_1579, %add3A_1580 : vector<16xi32>
      tpu.vector_store_idx %arg7[%add3A_1581], %gather3A_1576 : memref<16384xf32, #tpu.memory_space<vmem>>[vector<16xi32>], vector<16xf32>,
      %add3A_1582 = arith.constant 2 : i32
      %add3A_1583 = arith.addi %scan3A_1189, %add3A_1582 : i32
      %mul3A_1584 = arith.constant 8 : i32
      %mul3A_1585 = arith.muli %add3A_1583, %mul3A_1584 : i32
      %get3A_1586 = arith.index_cast %mul3A_1585 : i32 to index
      %get3A_1587 = tpu.vector_load %arg5[%get3A_1586] {strides = array<i32>} : memref<520xi32, #tpu.memory_space<vmem>>, vector<16xi32>,
      %rem3A_1588 = arith.constant 3 : i32
      %rem3A_1589 = arith.remsi %add3A_1583, %rem3A_1588 : i32
      %mul3A_1590 = arith.constant 8 : i32
      %mul3A_1591 = arith.muli %rem3A_1589, %mul3A_1590 : i32
      %slice3A_1592 = vector.extract_strided_slice %get3A_1587 {offsets = [0], sizes = [1], strides = [1]} : vector<16xi32> to vector<1xi32>
      %squeeze3A_1593 = vector.extract %slice3A_1592[0] : i32 from vector<1xi32>
      %shift_right_arithmetic3A_1594 = arith.constant 7 : i32
      %shift_right_arithmetic3A_1595 = arith.shrsi %squeeze3A_1593, %shift_right_arithmetic3A_1594 : i32
      %mul3A_1596 = arith.constant 128 : i32
      %mul3A_1597 = arith.muli %shift_right_arithmetic3A_1595, %mul3A_1596 : i32
      %multiple_of3A_1598 = tpu.assume_multiple %mul3A_1597, 128 : i32
      %add3A_1599 = arith.constant 0 : i32
      %add3A_1600 = arith.addi %mul3A_1591, %add3A_1599 : i32
      %mul3A_1601 = arith.constant 32 : i32
      %mul3A_1602 = arith.muli %add3A_1600, %mul3A_1601 : i32
      %dma_start3A_1603 = arith.constant 0 : i32
      %dma_start3A_1604 = tpu.memref_slice %arg6[%mul3A_1602, %dma_start3A_1603] : memref<768x128xf32, #tpu.memory_space<vmem>> -> memref<32x128xf32, #tpu.memory_space<vmem>>
      %dma_start3A_1605 = arith.constant 0 : i32
      %dma_start3A_1606 = tpu.memref_slice %arg3[%dma_start3A_1605, %multiple_of3A_1598] : memref<32x1000000xf32, #tpu.memory_space<hbm>> -> memref<32x128xf32, #tpu.memory_space<hbm>>
      %dma_start3A_1607 = arith.constant 0 : i32
      %dma_start3A_1608 = tpu.memref_slice %arg6[%mul3A_1602, %dma_start3A_1607] : memref<768x128xf32, #tpu.memory_space<vmem>> -> memref<32x128xf32, #tpu.memory_space<vmem>>
      %dma_start3A_1609 = arith.constant 0 : i32
      %dma_start3A_1610 = tpu.memref_slice %arg3[%dma_start3A_1609, %multiple_of3A_1598] : memref<32x1000000xf32, #tpu.memory_space<hbm>> -> memref<32x128xf32, #tpu.memory_space<hbm>>
      tpu.enqueue_dma source(%dma_start3A_1610 : memref<32x128xf32, #tpu.memory_space<hbm>>) target(%dma_start3A_1608 : memref<32x128xf32, #tpu.memory_space<vmem>>) target_semaphore(%arg8 : memref<!tpu.dma_semaphore, #tpu.memory_space<semaphore_mem>>)
      %slice3A_1611 = vector.extract_strided_slice %get3A_1587 {offsets = [1], sizes = [1], strides = [1]} : vector<16xi32> to vector<1xi32>
      %squeeze3A_1612 = vector.extract %slice3A_1611[0] : i32 from vector<1xi32>
      %shift_right_arithmetic3A_1613 = arith.constant 7 : i32
      %shift_right_arithmetic3A_1614 = arith.shrsi %squeeze3A_1612, %shift_right_arithmetic3A_1613 : i32
      %mul3A_1615 = arith.constant 128 : i32
      %mul3A_1616 = arith.muli %shift_right_arithmetic3A_1614, %mul3A_1615 : i32
      %multiple_of3A_1617 = tpu.assume_multiple %mul3A_1616, 128 : i32
      %add3A_1618 = arith.constant 1 : i32
      %add3A_1619 = arith.addi %mul3A_1591, %add3A_1618 : i32
      %mul3A_1620 = arith.constant 32 : i32
      %mul3A_1621 = arith.muli %add3A_1619, %mul3A_1620 : i32
      %dma_start3A_1622 = arith.constant 0 : i32
      %dma_start3A_1623 = tpu.memref_slice %arg6[%mul3A_1621, %dma_start3A_1622] : memref<768x128xf32, #tpu.memory_space<vmem>> -> memref<32x128xf32, #tpu.memory_space<vmem>>
      %dma_start3A_1624 = arith.constant 0 : i32
      %dma_start3A_1625 = tpu.memref_slice %arg3[%dma_start3A_1624, %multiple_of3A_1617] : memref<32x1000000xf32, #tpu.memory_space<hbm>> -> memref<32x128xf32, #tpu.memory_space<hbm>>
      %dma_start3A_1626 = arith.constant 0 : i32
      %dma_start3A_1627 = tpu.memref_slice %arg6[%mul3A_1621, %dma_start3A_1626] : memref<768x128xf32, #tpu.memory_space<vmem>> -> memref<32x128xf32, #tpu.memory_space<vmem>>
      %dma_start3A_1628 = arith.constant 0 : i32
      %dma_start3A_1629 = tpu.memref_slice %arg3[%dma_start3A_1628, %multiple_of3A_1617] : memref<32x1000000xf32, #tpu.memory_space<hbm>> -> memref<32x128xf32, #tpu.memory_space<hbm>>
      tpu.enqueue_dma source(%dma_start3A_1629 : memref<32x128xf32, #tpu.memory_space<hbm>>) target(%dma_start3A_1627 : memref<32x128xf32, #tpu.memory_space<vmem>>) target_semaphore(%arg8 : memref<!tpu.dma_semaphore, #tpu.memory_space<semaphore_mem>>)
      %slice3A_1630 = vector.extract_strided_slice %get3A_1587 {offsets = [2], sizes = [1], strides = [1]} : vector<16xi32> to vector<1xi32>
      %squeeze3A_1631 = vector.extract %slice3A_1630[0] : i32 from vector<1xi32>
      %shift_right_arithmetic3A_1632 = arith.constant 7 : i32
      %shift_right_arithmetic3A_1633 = arith.shrsi %squeeze3A_1631, %shift_right_arithmetic3A_1632 : i32
      %mul3A_1634 = arith.constant 128 : i32
      %mul3A_1635 = arith.muli %shift_right_arithmetic3A_1633, %mul3A_1634 : i32
      %multiple_of3A_1636 = tpu.assume_multiple %mul3A_1635, 128 : i32
      %add3A_1637 = arith.constant 2 : i32
      %add3A_1638 = arith.addi %mul3A_1591, %add3A_1637 : i32
      %mul3A_1639 = arith.constant 32 : i32
      %mul3A_1640 = arith.muli %add3A_1638, %mul3A_1639 : i32
      %dma_start3A_1641 = arith.constant 0 : i32
      %dma_start3A_1642 = tpu.memref_slice %arg6[%mul3A_1640, %dma_start3A_1641] : memref<768x128xf32, #tpu.memory_space<vmem>> -> memref<32x128xf32, #tpu.memory_space<vmem>>
      %dma_start3A_1643 = arith.constant 0 : i32
      %dma_start3A_1644 = tpu.memref_slice %arg3[%dma_start3A_1643, %multiple_of3A_1636] : memref<32x1000000xf32, #tpu.memory_space<hbm>> -> memref<32x128xf32, #tpu.memory_space<hbm>>
      %dma_start3A_1645 = arith.constant 0 : i32
      %dma_start3A_1646 = tpu.memref_slice %arg6[%mul3A_1640, %dma_start3A_1645] : memref<768x128xf32, #tpu.memory_space<vmem>> -> memref<32x128xf32, #tpu.memory_space<vmem>>
      %dma_start3A_1647 = arith.constant 0 : i32
      %dma_start3A_1648 = tpu.memref_slice %arg3[%dma_start3A_1647, %multiple_of3A_1636] : memref<32x1000000xf32, #tpu.memory_space<hbm>> -> memref<32x128xf32, #tpu.memory_space<hbm>>
      tpu.enqueue_dma source(%dma_start3A_1648 : memref<32x128xf32, #tpu.memory_space<hbm>>) target(%dma_start3A_1646 : memref<32x128xf32, #tpu.memory_space<vmem>>) target_semaphore(%arg8 : memref<!tpu.dma_semaphore, #tpu.memory_space<semaphore_mem>>)
      %slice3A_1649 = vector.extract_strided_slice %get3A_1587 {offsets = [3], sizes = [1], strides = [1]} : vector<16xi32> to vector<1xi32>
      %squeeze3A_1650 = vector.extract %slice3A_1649[0] : i32 from vector<1xi32>
      %shift_right_arithmetic3A_1651 = arith.constant 7 : i32
      %shift_right_arithmetic3A_1652 = arith.shrsi %squeeze3A_1650, %shift_right_arithmetic3A_1651 : i32
      %mul3A_1653 = arith.constant 128 : i32
      %mul3A_1654 = arith.muli %shift_right_arithmetic3A_1652, %mul3A_1653 : i32
      %multiple_of3A_1655 = tpu.assume_multiple %mul3A_1654, 128 : i32
      %add3A_1656 = arith.constant 3 : i32
      %add3A_1657 = arith.addi %mul3A_1591, %add3A_1656 : i32
      %mul3A_1658 = arith.constant 32 : i32
      %mul3A_1659 = arith.muli %add3A_1657, %mul3A_1658 : i32
      %dma_start3A_1660 = arith.constant 0 : i32
      %dma_start3A_1661 = tpu.memref_slice %arg6[%mul3A_1659, %dma_start3A_1660] : memref<768x128xf32, #tpu.memory_space<vmem>> -> memref<32x128xf32, #tpu.memory_space<vmem>>
      %dma_start3A_1662 = arith.constant 0 : i32
      %dma_start3A_1663 = tpu.memref_slice %arg3[%dma_start3A_1662, %multiple_of3A_1655] : memref<32x1000000xf32, #tpu.memory_space<hbm>> -> memref<32x128xf32, #tpu.memory_space<hbm>>
      %dma_start3A_1664 = arith.constant 0 : i32
      %dma_start3A_1665 = tpu.memref_slice %arg6[%mul3A_1659, %dma_start3A_1664] : memref<768x128xf32, #tpu.memory_space<vmem>> -> memref<32x128xf32, #tpu.memory_space<vmem>>
      %dma_start3A_1666 = arith.constant 0 : i32
      %dma_start3A_1667 = tpu.memref_slice %arg3[%dma_start3A_1666, %multiple_of3A_1655] : memref<32x1000000xf32, #tpu.memory_space<hbm>> -> memref<32x128xf32, #tpu.memory_space<hbm>>
      tpu.enqueue_dma source(%dma_start3A_1667 : memref<32x128xf32, #tpu.memory_space<hbm>>) target(%dma_start3A_1665 : memref<32x128xf32, #tpu.memory_space<vmem>>) target_semaphore(%arg8 : memref<!tpu.dma_semaphore, #tpu.memory_space<semaphore_mem>>)
      %slice3A_1668 = vector.extract_strided_slice %get3A_1587 {offsets = [4], sizes = [1], strides = [1]} : vector<16xi32> to vector<1xi32>
      %squeeze3A_1669 = vector.extract %slice3A_1668[0] : i32 from vector<1xi32>
      %shift_right_arithmetic3A_1670 = arith.constant 7 : i32
      %shift_right_arithmetic3A_1671 = arith.shrsi %squeeze3A_1669, %shift_right_arithmetic3A_1670 : i32
      %mul3A_1672 = arith.constant 128 : i32
      %mul3A_1673 = arith.muli %shift_right_arithmetic3A_1671, %mul3A_1672 : i32
      %multiple_of3A_1674 = tpu.assume_multiple %mul3A_1673, 128 : i32
      %add3A_1675 = arith.constant 4 : i32
      %add3A_1676 = arith.addi %mul3A_1591, %add3A_1675 : i32
      %mul3A_1677 = arith.constant 32 : i32
      %mul3A_1678 = arith.muli %add3A_1676, %mul3A_1677 : i32
      %dma_start3A_1679 = arith.constant 0 : i32
      %dma_start3A_1680 = tpu.memref_slice %arg6[%mul3A_1678, %dma_start3A_1679] : memref<768x128xf32, #tpu.memory_space<vmem>> -> memref<32x128xf32, #tpu.memory_space<vmem>>
      %dma_start3A_1681 = arith.constant 0 : i32
      %dma_start3A_1682 = tpu.memref_slice %arg3[%dma_start3A_1681, %multiple_of3A_1674] : memref<32x1000000xf32, #tpu.memory_space<hbm>> -> memref<32x128xf32, #tpu.memory_space<hbm>>
      %dma_start3A_1683 = arith.constant 0 : i32
      %dma_start3A_1684 = tpu.memref_slice %arg6[%mul3A_1678, %dma_start3A_1683] : memref<768x128xf32, #tpu.memory_space<vmem>> -> memref<32x128xf32, #tpu.memory_space<vmem>>
      %dma_start3A_1685 = arith.constant 0 : i32
      %dma_start3A_1686 = tpu.memref_slice %arg3[%dma_start3A_1685, %multiple_of3A_1674] : memref<32x1000000xf32, #tpu.memory_space<hbm>> -> memref<32x128xf32, #tpu.memory_space<hbm>>
      tpu.enqueue_dma source(%dma_start3A_1686 : memref<32x128xf32, #tpu.memory_space<hbm>>) target(%dma_start3A_1684 : memref<32x128xf32, #tpu.memory_space<vmem>>) target_semaphore(%arg8 : memref<!tpu.dma_semaphore, #tpu.memory_space<semaphore_mem>>)
      %slice3A_1687 = vector.extract_strided_slice %get3A_1587 {offsets = [5], sizes = [1], strides = [1]} : vector<16xi32> to vector<1xi32>
      %squeeze3A_1688 = vector.extract %slice3A_1687[0] : i32 from vector<1xi32>
      %shift_right_arithmetic3A_1689 = arith.constant 7 : i32
      %shift_right_arithmetic3A_1690 = arith.shrsi %squeeze3A_1688, %shift_right_arithmetic3A_1689 : i32
      %mul3A_1691 = arith.constant 128 : i32
      %mul3A_1692 = arith.muli %shift_right_arithmetic3A_1690, %mul3A_1691 : i32
      %multiple_of3A_1693 = tpu.assume_multiple %mul3A_1692, 128 : i32
      %add3A_1694 = arith.constant 5 : i32
      %add3A_1695 = arith.addi %mul3A_1591, %add3A_1694 : i32
      %mul3A_1696 = arith.constant 32 : i32
      %mul3A_1697 = arith.muli %add3A_1695, %mul3A_1696 : i32
      %dma_start3A_1698 = arith.constant 0 : i32
      %dma_start3A_1699 = tpu.memref_slice %arg6[%mul3A_1697, %dma_start3A_1698] : memref<768x128xf32, #tpu.memory_space<vmem>> -> memref<32x128xf32, #tpu.memory_space<vmem>>
      %dma_start3A_1700 = arith.constant 0 : i32
      %dma_start3A_1701 = tpu.memref_slice %arg3[%dma_start3A_1700, %multiple_of3A_1693] : memref<32x1000000xf32, #tpu.memory_space<hbm>> -> memref<32x128xf32, #tpu.memory_space<hbm>>
      %dma_start3A_1702 = arith.constant 0 : i32
      %dma_start3A_1703 = tpu.memref_slice %arg6[%mul3A_1697, %dma_start3A_1702] : memref<768x128xf32, #tpu.memory_space<vmem>> -> memref<32x128xf32, #tpu.memory_space<vmem>>
      %dma_start3A_1704 = arith.constant 0 : i32
      %dma_start3A_1705 = tpu.memref_slice %arg3[%dma_start3A_1704, %multiple_of3A_1693] : memref<32x1000000xf32, #tpu.memory_space<hbm>> -> memref<32x128xf32, #tpu.memory_space<hbm>>
      tpu.enqueue_dma source(%dma_start3A_1705 : memref<32x128xf32, #tpu.memory_space<hbm>>) target(%dma_start3A_1703 : memref<32x128xf32, #tpu.memory_space<vmem>>) target_semaphore(%arg8 : memref<!tpu.dma_semaphore, #tpu.memory_space<semaphore_mem>>)
      %slice3A_1706 = vector.extract_strided_slice %get3A_1587 {offsets = [6], sizes = [1], strides = [1]} : vector<16xi32> to vector<1xi32>
      %squeeze3A_1707 = vector.extract %slice3A_1706[0] : i32 from vector<1xi32>
      %shift_right_arithmetic3A_1708 = arith.constant 7 : i32
      %shift_right_arithmetic3A_1709 = arith.shrsi %squeeze3A_1707, %shift_right_arithmetic3A_1708 : i32
      %mul3A_1710 = arith.constant 128 : i32
      %mul3A_1711 = arith.muli %shift_right_arithmetic3A_1709, %mul3A_1710 : i32
      %multiple_of3A_1712 = tpu.assume_multiple %mul3A_1711, 128 : i32
      %add3A_1713 = arith.constant 6 : i32
      %add3A_1714 = arith.addi %mul3A_1591, %add3A_1713 : i32
      %mul3A_1715 = arith.constant 32 : i32
      %mul3A_1716 = arith.muli %add3A_1714, %mul3A_1715 : i32
      %dma_start3A_1717 = arith.constant 0 : i32
      %dma_start3A_1718 = tpu.memref_slice %arg6[%mul3A_1716, %dma_start3A_1717] : memref<768x128xf32, #tpu.memory_space<vmem>> -> memref<32x128xf32, #tpu.memory_space<vmem>>
      %dma_start3A_1719 = arith.constant 0 : i32
      %dma_start3A_1720 = tpu.memref_slice %arg3[%dma_start3A_1719, %multiple_of3A_1712] : memref<32x1000000xf32, #tpu.memory_space<hbm>> -> memref<32x128xf32, #tpu.memory_space<hbm>>
      %dma_start3A_1721 = arith.constant 0 : i32
      %dma_start3A_1722 = tpu.memref_slice %arg6[%mul3A_1716, %dma_start3A_1721] : memref<768x128xf32, #tpu.memory_space<vmem>> -> memref<32x128xf32, #tpu.memory_space<vmem>>
      %dma_start3A_1723 = arith.constant 0 : i32
      %dma_start3A_1724 = tpu.memref_slice %arg3[%dma_start3A_1723, %multiple_of3A_1712] : memref<32x1000000xf32, #tpu.memory_space<hbm>> -> memref<32x128xf32, #tpu.memory_space<hbm>>
      tpu.enqueue_dma source(%dma_start3A_1724 : memref<32x128xf32, #tpu.memory_space<hbm>>) target(%dma_start3A_1722 : memref<32x128xf32, #tpu.memory_space<vmem>>) target_semaphore(%arg8 : memref<!tpu.dma_semaphore, #tpu.memory_space<semaphore_mem>>)
      %slice3A_1725 = vector.extract_strided_slice %get3A_1587 {offsets = [7], sizes = [1], strides = [1]} : vector<16xi32> to vector<1xi32>
      %squeeze3A_1726 = vector.extract %slice3A_1725[0] : i32 from vector<1xi32>
      %shift_right_arithmetic3A_1727 = arith.constant 7 : i32
      %shift_right_arithmetic3A_1728 = arith.shrsi %squeeze3A_1726, %shift_right_arithmetic3A_1727 : i32
      %mul3A_1729 = arith.constant 128 : i32
      %mul3A_1730 = arith.muli %shift_right_arithmetic3A_1728, %mul3A_1729 : i32
      %multiple_of3A_1731 = tpu.assume_multiple %mul3A_1730, 128 : i32
      %add3A_1732 = arith.constant 7 : i32
      %add3A_1733 = arith.addi %mul3A_1591, %add3A_1732 : i32
      %mul3A_1734 = arith.constant 32 : i32
      %mul3A_1735 = arith.muli %add3A_1733, %mul3A_1734 : i32
      %dma_start3A_1736 = arith.constant 0 : i32
      %dma_start3A_1737 = tpu.memref_slice %arg6[%mul3A_1735, %dma_start3A_1736] : memref<768x128xf32, #tpu.memory_space<vmem>> -> memref<32x128xf32, #tpu.memory_space<vmem>>
      %dma_start3A_1738 = arith.constant 0 : i32
      %dma_start3A_1739 = tpu.memref_slice %arg3[%dma_start3A_1738, %multiple_of3A_1731] : memref<32x1000000xf32, #tpu.memory_space<hbm>> -> memref<32x128xf32, #tpu.memory_space<hbm>>
      %dma_start3A_1740 = arith.constant 0 : i32
      %dma_start3A_1741 = tpu.memref_slice %arg6[%mul3A_1735, %dma_start3A_1740] : memref<768x128xf32, #tpu.memory_space<vmem>> -> memref<32x128xf32, #tpu.memory_space<vmem>>
      %dma_start3A_1742 = arith.constant 0 : i32
      %dma_start3A_1743 = tpu.memref_slice %arg3[%dma_start3A_1742, %multiple_of3A_1731] : memref<32x1000000xf32, #tpu.memory_space<hbm>> -> memref<32x128xf32, #tpu.memory_space<hbm>>
      tpu.enqueue_dma source(%dma_start3A_1743 : memref<32x128xf32, #tpu.memory_space<hbm>>) target(%dma_start3A_1741 : memref<32x128xf32, #tpu.memory_space<vmem>>) target_semaphore(%arg8 : memref<!tpu.dma_semaphore, #tpu.memory_space<semaphore_mem>>)
    }
    %scan3A_324 = arith.constant 62 : i32
    %rem3A_325 = arith.constant 62 : i32
    %rem3A_326 = arith.constant 3 : i32
    %rem3A_327 = arith.remsi %rem3A_325, %rem3A_326 : i32
    %mul3A_328 = arith.constant 8 : i32
    %mul3A_329 = arith.muli %rem3A_327, %mul3A_328 : i32
    %add3A_330 = arith.constant 0 : i32
    %add3A_331 = arith.addi %mul3A_329, %add3A_330 : i32
    %mul3A_332 = arith.constant 32 : i32
    %mul3A_333 = arith.muli %add3A_331, %mul3A_332 : i32
    %dma_wait3A = arith.constant 0 : i32
    %dma_wait3A_334 = tpu.memref_slice %arg6[%mul3A_333, %dma_wait3A] : memref<768x128xf32, #tpu.memory_space<vmem>> -> memref<32x128xf32, #tpu.memory_space<vmem>>
    %dma_wait3A_335 = arith.constant 0 : i32
    %dma_wait3A_336 = arith.constant 0 : i32
    %dma_wait3A_337 = tpu.memref_slice %arg3[%dma_wait3A_335, %dma_wait3A_336] : memref<32x1000000xf32, #tpu.memory_space<hbm>> -> memref<32x128xf32, #tpu.memory_space<hbm>>
    %dma_wait3A_338 = arith.constant 0 : i32
    %dma_wait3A_339 = tpu.memref_slice %arg6[%mul3A_333, %dma_wait3A_338] : memref<768x128xf32, #tpu.memory_space<vmem>> -> memref<32x128xf32, #tpu.memory_space<vmem>>
    %dma_wait3A_340 = arith.constant 0 : i32
    %dma_wait3A_341 = arith.constant 0 : i32
    %dma_wait3A_342 = tpu.memref_slice %arg3[%dma_wait3A_340, %dma_wait3A_341] : memref<32x1000000xf32, #tpu.memory_space<hbm>> -> memref<32x128xf32, #tpu.memory_space<hbm>>
    tpu.wait_dma2 semaphore(%arg8 : memref<!tpu.dma_semaphore, #tpu.memory_space<semaphore_mem>>) src(%dma_wait3A_342 : memref<32x128xf32, #tpu.memory_space<hbm>>) dst(%dma_wait3A_339 : memref<32x128xf32, #tpu.memory_space<vmem>>)
    %add3A_343 = arith.constant 1 : i32
    %add3A_344 = arith.addi %mul3A_329, %add3A_343 : i32
    %mul3A_345 = arith.constant 32 : i32
    %mul3A_346 = arith.muli %add3A_344, %mul3A_345 : i32
    %dma_wait3A_347 = arith.constant 0 : i32
    %dma_wait3A_348 = tpu.memref_slice %arg6[%mul3A_346, %dma_wait3A_347] : memref<768x128xf32, #tpu.memory_space<vmem>> -> memref<32x128xf32, #tpu.memory_space<vmem>>
    %dma_wait3A_349 = arith.constant 0 : i32
    %dma_wait3A_350 = arith.constant 0 : i32
    %dma_wait3A_351 = tpu.memref_slice %arg3[%dma_wait3A_349, %dma_wait3A_350] : memref<32x1000000xf32, #tpu.memory_space<hbm>> -> memref<32x128xf32, #tpu.memory_space<hbm>>
    %dma_wait3A_352 = arith.constant 0 : i32
    %dma_wait3A_353 = tpu.memref_slice %arg6[%mul3A_346, %dma_wait3A_352] : memref<768x128xf32, #tpu.memory_space<vmem>> -> memref<32x128xf32, #tpu.memory_space<vmem>>
    %dma_wait3A_354 = arith.constant 0 : i32
    %dma_wait3A_355 = arith.constant 0 : i32
    %dma_wait3A_356 = tpu.memref_slice %arg3[%dma_wait3A_354, %dma_wait3A_355] : memref<32x1000000xf32, #tpu.memory_space<hbm>> -> memref<32x128xf32, #tpu.memory_space<hbm>>
    tpu.wait_dma2 semaphore(%arg8 : memref<!tpu.dma_semaphore, #tpu.memory_space<semaphore_mem>>) src(%dma_wait3A_356 : memref<32x128xf32, #tpu.memory_space<hbm>>) dst(%dma_wait3A_353 : memref<32x128xf32, #tpu.memory_space<vmem>>)
    %add3A_357 = arith.constant 2 : i32
    %add3A_358 = arith.addi %mul3A_329, %add3A_357 : i32
    %mul3A_359 = arith.constant 32 : i32
    %mul3A_360 = arith.muli %add3A_358, %mul3A_359 : i32
    %dma_wait3A_361 = arith.constant 0 : i32
    %dma_wait3A_362 = tpu.memref_slice %arg6[%mul3A_360, %dma_wait3A_361] : memref<768x128xf32, #tpu.memory_space<vmem>> -> memref<32x128xf32, #tpu.memory_space<vmem>>
    %dma_wait3A_363 = arith.constant 0 : i32
    %dma_wait3A_364 = arith.constant 0 : i32
    %dma_wait3A_365 = tpu.memref_slice %arg3[%dma_wait3A_363, %dma_wait3A_364] : memref<32x1000000xf32, #tpu.memory_space<hbm>> -> memref<32x128xf32, #tpu.memory_space<hbm>>
    %dma_wait3A_366 = arith.constant 0 : i32
    %dma_wait3A_367 = tpu.memref_slice %arg6[%mul3A_360, %dma_wait3A_366] : memref<768x128xf32, #tpu.memory_space<vmem>> -> memref<32x128xf32, #tpu.memory_space<vmem>>
    %dma_wait3A_368 = arith.constant 0 : i32
    %dma_wait3A_369 = arith.constant 0 : i32
    %dma_wait3A_370 = tpu.memref_slice %arg3[%dma_wait3A_368, %dma_wait3A_369] : memref<32x1000000xf32, #tpu.memory_space<hbm>> -> memref<32x128xf32, #tpu.memory_space<hbm>>
    tpu.wait_dma2 semaphore(%arg8 : memref<!tpu.dma_semaphore, #tpu.memory_space<semaphore_mem>>) src(%dma_wait3A_370 : memref<32x128xf32, #tpu.memory_space<hbm>>) dst(%dma_wait3A_367 : memref<32x128xf32, #tpu.memory_space<vmem>>)
    %add3A_371 = arith.constant 3 : i32
    %add3A_372 = arith.addi %mul3A_329, %add3A_371 : i32
    %mul3A_373 = arith.constant 32 : i32
    %mul3A_374 = arith.muli %add3A_372, %mul3A_373 : i32
    %dma_wait3A_375 = arith.constant 0 : i32
    %dma_wait3A_376 = tpu.memref_slice %arg6[%mul3A_374, %dma_wait3A_375] : memref<768x128xf32, #tpu.memory_space<vmem>> -> memref<32x128xf32, #tpu.memory_space<vmem>>
    %dma_wait3A_377 = arith.constant 0 : i32
    %dma_wait3A_378 = arith.constant 0 : i32
    %dma_wait3A_379 = tpu.memref_slice %arg3[%dma_wait3A_377, %dma_wait3A_378] : memref<32x1000000xf32, #tpu.memory_space<hbm>> -> memref<32x128xf32, #tpu.memory_space<hbm>>
    %dma_wait3A_380 = arith.constant 0 : i32
    %dma_wait3A_381 = tpu.memref_slice %arg6[%mul3A_374, %dma_wait3A_380] : memref<768x128xf32, #tpu.memory_space<vmem>> -> memref<32x128xf32, #tpu.memory_space<vmem>>
    %dma_wait3A_382 = arith.constant 0 : i32
    %dma_wait3A_383 = arith.constant 0 : i32
    %dma_wait3A_384 = tpu.memref_slice %arg3[%dma_wait3A_382, %dma_wait3A_383] : memref<32x1000000xf32, #tpu.memory_space<hbm>> -> memref<32x128xf32, #tpu.memory_space<hbm>>
    tpu.wait_dma2 semaphore(%arg8 : memref<!tpu.dma_semaphore, #tpu.memory_space<semaphore_mem>>) src(%dma_wait3A_384 : memref<32x128xf32, #tpu.memory_space<hbm>>) dst(%dma_wait3A_381 : memref<32x128xf32, #tpu.memory_space<vmem>>)
    %add3A_385 = arith.constant 4 : i32
    %add3A_386 = arith.addi %mul3A_329, %add3A_385 : i32
    %mul3A_387 = arith.constant 32 : i32
    %mul3A_388 = arith.muli %add3A_386, %mul3A_387 : i32
    %dma_wait3A_389 = arith.constant 0 : i32
    %dma_wait3A_390 = tpu.memref_slice %arg6[%mul3A_388, %dma_wait3A_389] : memref<768x128xf32, #tpu.memory_space<vmem>> -> memref<32x128xf32, #tpu.memory_space<vmem>>
    %dma_wait3A_391 = arith.constant 0 : i32
    %dma_wait3A_392 = arith.constant 0 : i32
    %dma_wait3A_393 = tpu.memref_slice %arg3[%dma_wait3A_391, %dma_wait3A_392] : memref<32x1000000xf32, #tpu.memory_space<hbm>> -> memref<32x128xf32, #tpu.memory_space<hbm>>
    %dma_wait3A_394 = arith.constant 0 : i32
    %dma_wait3A_395 = tpu.memref_slice %arg6[%mul3A_388, %dma_wait3A_394] : memref<768x128xf32, #tpu.memory_space<vmem>> -> memref<32x128xf32, #tpu.memory_space<vmem>>
    %dma_wait3A_396 = arith.constant 0 : i32
    %dma_wait3A_397 = arith.constant 0 : i32
    %dma_wait3A_398 = tpu.memref_slice %arg3[%dma_wait3A_396, %dma_wait3A_397] : memref<32x1000000xf32, #tpu.memory_space<hbm>> -> memref<32x128xf32, #tpu.memory_space<hbm>>
    tpu.wait_dma2 semaphore(%arg8 : memref<!tpu.dma_semaphore, #tpu.memory_space<semaphore_mem>>) src(%dma_wait3A_398 : memref<32x128xf32, #tpu.memory_space<hbm>>) dst(%dma_wait3A_395 : memref<32x128xf32, #tpu.memory_space<vmem>>)
    %add3A_399 = arith.constant 5 : i32
    %add3A_400 = arith.addi %mul3A_329, %add3A_399 : i32
    %mul3A_401 = arith.constant 32 : i32
    %mul3A_402 = arith.muli %add3A_400, %mul3A_401 : i32
    %dma_wait3A_403 = arith.constant 0 : i32
    %dma_wait3A_404 = tpu.memref_slice %arg6[%mul3A_402, %dma_wait3A_403] : memref<768x128xf32, #tpu.memory_space<vmem>> -> memref<32x128xf32, #tpu.memory_space<vmem>>
    %dma_wait3A_405 = arith.constant 0 : i32
    %dma_wait3A_406 = arith.constant 0 : i32
    %dma_wait3A_407 = tpu.memref_slice %arg3[%dma_wait3A_405, %dma_wait3A_406] : memref<32x1000000xf32, #tpu.memory_space<hbm>> -> memref<32x128xf32, #tpu.memory_space<hbm>>
    %dma_wait3A_408 = arith.constant 0 : i32
    %dma_wait3A_409 = tpu.memref_slice %arg6[%mul3A_402, %dma_wait3A_408] : memref<768x128xf32, #tpu.memory_space<vmem>> -> memref<32x128xf32, #tpu.memory_space<vmem>>
    %dma_wait3A_410 = arith.constant 0 : i32
    %dma_wait3A_411 = arith.constant 0 : i32
    %dma_wait3A_412 = tpu.memref_slice %arg3[%dma_wait3A_410, %dma_wait3A_411] : memref<32x1000000xf32, #tpu.memory_space<hbm>> -> memref<32x128xf32, #tpu.memory_space<hbm>>
    tpu.wait_dma2 semaphore(%arg8 : memref<!tpu.dma_semaphore, #tpu.memory_space<semaphore_mem>>) src(%dma_wait3A_412 : memref<32x128xf32, #tpu.memory_space<hbm>>) dst(%dma_wait3A_409 : memref<32x128xf32, #tpu.memory_space<vmem>>)
    %add3A_413 = arith.constant 6 : i32
    %add3A_414 = arith.addi %mul3A_329, %add3A_413 : i32
    %mul3A_415 = arith.constant 32 : i32
    %mul3A_416 = arith.muli %add3A_414, %mul3A_415 : i32
    %dma_wait3A_417 = arith.constant 0 : i32
    %dma_wait3A_418 = tpu.memref_slice %arg6[%mul3A_416, %dma_wait3A_417] : memref<768x128xf32, #tpu.memory_space<vmem>> -> memref<32x128xf32, #tpu.memory_space<vmem>>
    %dma_wait3A_419 = arith.constant 0 : i32
    %dma_wait3A_420 = arith.constant 0 : i32
    %dma_wait3A_421 = tpu.memref_slice %arg3[%dma_wait3A_419, %dma_wait3A_420] : memref<32x1000000xf32, #tpu.memory_space<hbm>> -> memref<32x128xf32, #tpu.memory_space<hbm>>
    %dma_wait3A_422 = arith.constant 0 : i32
    %dma_wait3A_423 = tpu.memref_slice %arg6[%mul3A_416, %dma_wait3A_422] : memref<768x128xf32, #tpu.memory_space<vmem>> -> memref<32x128xf32, #tpu.memory_space<vmem>>
    %dma_wait3A_424 = arith.constant 0 : i32
    %dma_wait3A_425 = arith.constant 0 : i32
    %dma_wait3A_426 = tpu.memref_slice %arg3[%dma_wait3A_424, %dma_wait3A_425] : memref<32x1000000xf32, #tpu.memory_space<hbm>> -> memref<32x128xf32, #tpu.memory_space<hbm>>
    tpu.wait_dma2 semaphore(%arg8 : memref<!tpu.dma_semaphore, #tpu.memory_space<semaphore_mem>>) src(%dma_wait3A_426 : memref<32x128xf32, #tpu.memory_space<hbm>>) dst(%dma_wait3A_423 : memref<32x128xf32, #tpu.memory_space<vmem>>)
    %add3A_427 = arith.constant 7 : i32
    %add3A_428 = arith.addi %mul3A_329, %add3A_427 : i32
    %mul3A_429 = arith.constant 32 : i32
    %mul3A_430 = arith.muli %add3A_428, %mul3A_429 : i32
    %dma_wait3A_431 = arith.constant 0 : i32
    %dma_wait3A_432 = tpu.memref_slice %arg6[%mul3A_430, %dma_wait3A_431] : memref<768x128xf32, #tpu.memory_space<vmem>> -> memref<32x128xf32, #tpu.memory_space<vmem>>
    %dma_wait3A_433 = arith.constant 0 : i32
    %dma_wait3A_434 = arith.constant 0 : i32
    %dma_wait3A_435 = tpu.memref_slice %arg3[%dma_wait3A_433, %dma_wait3A_434] : memref<32x1000000xf32, #tpu.memory_space<hbm>> -> memref<32x128xf32, #tpu.memory_space<hbm>>
    %dma_wait3A_436 = arith.constant 0 : i32
    %dma_wait3A_437 = tpu.memref_slice %arg6[%mul3A_430, %dma_wait3A_436] : memref<768x128xf32, #tpu.memory_space<vmem>> -> memref<32x128xf32, #tpu.memory_space<vmem>>
    %dma_wait3A_438 = arith.constant 0 : i32
    %dma_wait3A_439 = arith.constant 0 : i32
    %dma_wait3A_440 = tpu.memref_slice %arg3[%dma_wait3A_438, %dma_wait3A_439] : memref<32x1000000xf32, #tpu.memory_space<hbm>> -> memref<32x128xf32, #tpu.memory_space<hbm>>
    tpu.wait_dma2 semaphore(%arg8 : memref<!tpu.dma_semaphore, #tpu.memory_space<semaphore_mem>>) src(%dma_wait3A_440 : memref<32x128xf32, #tpu.memory_space<hbm>>) dst(%dma_wait3A_437 : memref<32x128xf32, #tpu.memory_space<vmem>>)
    %mul3A_441 = arith.constant 62 : i32
    %mul3A_442 = arith.constant 8 : i32
    %mul3A_443 = arith.muli %mul3A_441, %mul3A_442 : i32
    %get3A_444 = arith.index_cast %mul3A_443 : i32 to index
    %get3A_445 = tpu.vector_load %arg5[%get3A_444] {strides = array<i32>} : memref<520xi32, #tpu.memory_space<vmem>>, vector<16xi32>,
    %mul3A_446 = arith.constant 62 : i32
    %mul3A_447 = arith.constant 8 : i32
    %mul3A_448 = arith.muli %mul3A_446, %mul3A_447 : i32
    %add3A_449 = arith.constant 0 : i32
    %add3A_450 = arith.addi %mul3A_448, %add3A_449 : i32
    %slice3A_451 = vector.extract_strided_slice %get3A_445 {offsets = [0], sizes = [1], strides = [1]} : vector<16xi32> to vector<1xi32>
    %squeeze3A_452 = vector.extract %slice3A_451[0] : i32 from vector<1xi32>
    %and3A = arith.constant 127 : i32
    %and3A_453 = arith.andi %squeeze3A_452, %and3A : i32
    %broadcast_in_dim3A = vector.broadcast %and3A_453 : i32 to vector<16xi32>
    %add3A_454 = arith.constant 0 : i32
    %add3A_455 = arith.addi %mul3A_329, %add3A_454 : i32
    %mul3A_456 = arith.constant 32 : i32
    %mul3A_457 = arith.muli %add3A_455, %mul3A_456 : i32
    %broadcast_in_dim3A_458 = vector.broadcast %mul3A_457 : i32 to vector<16xi32>
    %add3A_459 = arith.constant 0 : i32
    %add3A_460 = vector.broadcast %add3A_459 : i32 to vector<16xi32>
    %add3A_461 = arith.addi %iota3A, %add3A_460 : vector<16xi32>
    %add3A_462 = arith.addi %broadcast_in_dim3A_458, %add3A_461 : vector<16xi32>
    %gather3A = tpu.vector_load_idx %arg6[%add3A_462, %broadcast_in_dim3A] : memref<768x128xf32, #tpu.memory_space<vmem>>[vector<16xi32>, vector<16xi32>], vector<16xf32>,
    %mul3A_463 = arith.constant 512 : i32
    %mul3A_464 = vector.broadcast %mul3A_463 : i32 to vector<16xi32>
    %mul3A_465 = arith.muli %add3A_461, %mul3A_464 : vector<16xi32>
    %add3A_466 = vector.broadcast %add3A_450 : i32 to vector<16xi32>
    %add3A_467 = arith.addi %mul3A_465, %add3A_466 : vector<16xi32>
    tpu.vector_store_idx %arg7[%add3A_467], %gather3A : memref<16384xf32, #tpu.memory_space<vmem>>[vector<16xi32>], vector<16xf32>,
    %add3A_468 = arith.constant 16 : i32
    %add3A_469 = vector.broadcast %add3A_468 : i32 to vector<16xi32>
    %add3A_470 = arith.addi %iota3A, %add3A_469 : vector<16xi32>
    %add3A_471 = arith.addi %broadcast_in_dim3A_458, %add3A_470 : vector<16xi32>
    %gather3A_472 = tpu.vector_load_idx %arg6[%add3A_471, %broadcast_in_dim3A] : memref<768x128xf32, #tpu.memory_space<vmem>>[vector<16xi32>, vector<16xi32>], vector<16xf32>,
    %mul3A_473 = arith.constant 512 : i32
    %mul3A_474 = vector.broadcast %mul3A_473 : i32 to vector<16xi32>
    %mul3A_475 = arith.muli %add3A_470, %mul3A_474 : vector<16xi32>
    %add3A_476 = vector.broadcast %add3A_450 : i32 to vector<16xi32>
    %add3A_477 = arith.addi %mul3A_475, %add3A_476 : vector<16xi32>
    tpu.vector_store_idx %arg7[%add3A_477], %gather3A_472 : memref<16384xf32, #tpu.memory_space<vmem>>[vector<16xi32>], vector<16xf32>,
    %mul3A_478 = arith.constant 62 : i32
    %mul3A_479 = arith.constant 8 : i32
    %mul3A_480 = arith.muli %mul3A_478, %mul3A_479 : i32
    %add3A_481 = arith.constant 1 : i32
    %add3A_482 = arith.addi %mul3A_480, %add3A_481 : i32
    %slice3A_483 = vector.extract_strided_slice %get3A_445 {offsets = [1], sizes = [1], strides = [1]} : vector<16xi32> to vector<1xi32>
    %squeeze3A_484 = vector.extract %slice3A_483[0] : i32 from vector<1xi32>
    %and3A_485 = arith.constant 127 : i32
    %and3A_486 = arith.andi %squeeze3A_484, %and3A_485 : i32
    %broadcast_in_dim3A_487 = vector.broadcast %and3A_486 : i32 to vector<16xi32>
    %add3A_488 = arith.constant 1 : i32
    %add3A_489 = arith.addi %mul3A_329, %add3A_488 : i32
    %mul3A_490 = arith.constant 32 : i32
    %mul3A_491 = arith.muli %add3A_489, %mul3A_490 : i32
    %broadcast_in_dim3A_492 = vector.broadcast %mul3A_491 : i32 to vector<16xi32>
    %add3A_493 = arith.constant 0 : i32
    %add3A_494 = vector.broadcast %add3A_493 : i32 to vector<16xi32>
    %add3A_495 = arith.addi %iota3A, %add3A_494 : vector<16xi32>
    %add3A_496 = arith.addi %broadcast_in_dim3A_492, %add3A_495 : vector<16xi32>
    %gather3A_497 = tpu.vector_load_idx %arg6[%add3A_496, %broadcast_in_dim3A_487] : memref<768x128xf32, #tpu.memory_space<vmem>>[vector<16xi32>, vector<16xi32>], vector<16xf32>,
    %mul3A_498 = arith.constant 512 : i32
    %mul3A_499 = vector.broadcast %mul3A_498 : i32 to vector<16xi32>
    %mul3A_500 = arith.muli %add3A_495, %mul3A_499 : vector<16xi32>
    %add3A_501 = vector.broadcast %add3A_482 : i32 to vector<16xi32>
    %add3A_502 = arith.addi %mul3A_500, %add3A_501 : vector<16xi32>
    tpu.vector_store_idx %arg7[%add3A_502], %gather3A_497 : memref<16384xf32, #tpu.memory_space<vmem>>[vector<16xi32>], vector<16xf32>,
    %add3A_503 = arith.constant 16 : i32
    %add3A_504 = vector.broadcast %add3A_503 : i32 to vector<16xi32>
    %add3A_505 = arith.addi %iota3A, %add3A_504 : vector<16xi32>
    %add3A_506 = arith.addi %broadcast_in_dim3A_492, %add3A_505 : vector<16xi32>
    %gather3A_507 = tpu.vector_load_idx %arg6[%add3A_506, %broadcast_in_dim3A_487] : memref<768x128xf32, #tpu.memory_space<vmem>>[vector<16xi32>, vector<16xi32>], vector<16xf32>,
    %mul3A_508 = arith.constant 512 : i32
    %mul3A_509 = vector.broadcast %mul3A_508 : i32 to vector<16xi32>
    %mul3A_510 = arith.muli %add3A_505, %mul3A_509 : vector<16xi32>
    %add3A_511 = vector.broadcast %add3A_482 : i32 to vector<16xi32>
    %add3A_512 = arith.addi %mul3A_510, %add3A_511 : vector<16xi32>
    tpu.vector_store_idx %arg7[%add3A_512], %gather3A_507 : memref<16384xf32, #tpu.memory_space<vmem>>[vector<16xi32>], vector<16xf32>,
    %mul3A_513 = arith.constant 62 : i32
    %mul3A_514 = arith.constant 8 : i32
    %mul3A_515 = arith.muli %mul3A_513, %mul3A_514 : i32
    %add3A_516 = arith.constant 2 : i32
    %add3A_517 = arith.addi %mul3A_515, %add3A_516 : i32
    %slice3A_518 = vector.extract_strided_slice %get3A_445 {offsets = [2], sizes = [1], strides = [1]} : vector<16xi32> to vector<1xi32>
    %squeeze3A_519 = vector.extract %slice3A_518[0] : i32 from vector<1xi32>
    %and3A_520 = arith.constant 127 : i32
    %and3A_521 = arith.andi %squeeze3A_519, %and3A_520 : i32
    %broadcast_in_dim3A_522 = vector.broadcast %and3A_521 : i32 to vector<16xi32>
    %add3A_523 = arith.constant 2 : i32
    %add3A_524 = arith.addi %mul3A_329, %add3A_523 : i32
    %mul3A_525 = arith.constant 32 : i32
    %mul3A_526 = arith.muli %add3A_524, %mul3A_525 : i32
    %broadcast_in_dim3A_527 = vector.broadcast %mul3A_526 : i32 to vector<16xi32>
    %add3A_528 = arith.constant 0 : i32
    %add3A_529 = vector.broadcast %add3A_528 : i32 to vector<16xi32>
    %add3A_530 = arith.addi %iota3A, %add3A_529 : vector<16xi32>
    %add3A_531 = arith.addi %broadcast_in_dim3A_527, %add3A_530 : vector<16xi32>
    %gather3A_532 = tpu.vector_load_idx %arg6[%add3A_531, %broadcast_in_dim3A_522] : memref<768x128xf32, #tpu.memory_space<vmem>>[vector<16xi32>, vector<16xi32>], vector<16xf32>,
    %mul3A_533 = arith.constant 512 : i32
    %mul3A_534 = vector.broadcast %mul3A_533 : i32 to vector<16xi32>
    %mul3A_535 = arith.muli %add3A_530, %mul3A_534 : vector<16xi32>
    %add3A_536 = vector.broadcast %add3A_517 : i32 to vector<16xi32>
    %add3A_537 = arith.addi %mul3A_535, %add3A_536 : vector<16xi32>
    tpu.vector_store_idx %arg7[%add3A_537], %gather3A_532 : memref<16384xf32, #tpu.memory_space<vmem>>[vector<16xi32>], vector<16xf32>,
    %add3A_538 = arith.constant 16 : i32
    %add3A_539 = vector.broadcast %add3A_538 : i32 to vector<16xi32>
    %add3A_540 = arith.addi %iota3A, %add3A_539 : vector<16xi32>
    %add3A_541 = arith.addi %broadcast_in_dim3A_527, %add3A_540 : vector<16xi32>
    %gather3A_542 = tpu.vector_load_idx %arg6[%add3A_541, %broadcast_in_dim3A_522] : memref<768x128xf32, #tpu.memory_space<vmem>>[vector<16xi32>, vector<16xi32>], vector<16xf32>,
    %mul3A_543 = arith.constant 512 : i32
    %mul3A_544 = vector.broadcast %mul3A_543 : i32 to vector<16xi32>
    %mul3A_545 = arith.muli %add3A_540, %mul3A_544 : vector<16xi32>
    %add3A_546 = vector.broadcast %add3A_517 : i32 to vector<16xi32>
    %add3A_547 = arith.addi %mul3A_545, %add3A_546 : vector<16xi32>
    tpu.vector_store_idx %arg7[%add3A_547], %gather3A_542 : memref<16384xf32, #tpu.memory_space<vmem>>[vector<16xi32>], vector<16xf32>,
    %mul3A_548 = arith.constant 62 : i32
    %mul3A_549 = arith.constant 8 : i32
    %mul3A_550 = arith.muli %mul3A_548, %mul3A_549 : i32
    %add3A_551 = arith.constant 3 : i32
    %add3A_552 = arith.addi %mul3A_550, %add3A_551 : i32
    %slice3A_553 = vector.extract_strided_slice %get3A_445 {offsets = [3], sizes = [1], strides = [1]} : vector<16xi32> to vector<1xi32>
    %squeeze3A_554 = vector.extract %slice3A_553[0] : i32 from vector<1xi32>
    %and3A_555 = arith.constant 127 : i32
    %and3A_556 = arith.andi %squeeze3A_554, %and3A_555 : i32
    %broadcast_in_dim3A_557 = vector.broadcast %and3A_556 : i32 to vector<16xi32>
    %add3A_558 = arith.constant 3 : i32
    %add3A_559 = arith.addi %mul3A_329, %add3A_558 : i32
    %mul3A_560 = arith.constant 32 : i32
    %mul3A_561 = arith.muli %add3A_559, %mul3A_560 : i32
    %broadcast_in_dim3A_562 = vector.broadcast %mul3A_561 : i32 to vector<16xi32>
    %add3A_563 = arith.constant 0 : i32
    %add3A_564 = vector.broadcast %add3A_563 : i32 to vector<16xi32>
    %add3A_565 = arith.addi %iota3A, %add3A_564 : vector<16xi32>
    %add3A_566 = arith.addi %broadcast_in_dim3A_562, %add3A_565 : vector<16xi32>
    %gather3A_567 = tpu.vector_load_idx %arg6[%add3A_566, %broadcast_in_dim3A_557] : memref<768x128xf32, #tpu.memory_space<vmem>>[vector<16xi32>, vector<16xi32>], vector<16xf32>,
    %mul3A_568 = arith.constant 512 : i32
    %mul3A_569 = vector.broadcast %mul3A_568 : i32 to vector<16xi32>
    %mul3A_570 = arith.muli %add3A_565, %mul3A_569 : vector<16xi32>
    %add3A_571 = vector.broadcast %add3A_552 : i32 to vector<16xi32>
    %add3A_572 = arith.addi %mul3A_570, %add3A_571 : vector<16xi32>
    tpu.vector_store_idx %arg7[%add3A_572], %gather3A_567 : memref<16384xf32, #tpu.memory_space<vmem>>[vector<16xi32>], vector<16xf32>,
    %add3A_573 = arith.constant 16 : i32
    %add3A_574 = vector.broadcast %add3A_573 : i32 to vector<16xi32>
    %add3A_575 = arith.addi %iota3A, %add3A_574 : vector<16xi32>
    %add3A_576 = arith.addi %broadcast_in_dim3A_562, %add3A_575 : vector<16xi32>
    %gather3A_577 = tpu.vector_load_idx %arg6[%add3A_576, %broadcast_in_dim3A_557] : memref<768x128xf32, #tpu.memory_space<vmem>>[vector<16xi32>, vector<16xi32>], vector<16xf32>,
    %mul3A_578 = arith.constant 512 : i32
    %mul3A_579 = vector.broadcast %mul3A_578 : i32 to vector<16xi32>
    %mul3A_580 = arith.muli %add3A_575, %mul3A_579 : vector<16xi32>
    %add3A_581 = vector.broadcast %add3A_552 : i32 to vector<16xi32>
    %add3A_582 = arith.addi %mul3A_580, %add3A_581 : vector<16xi32>
    tpu.vector_store_idx %arg7[%add3A_582], %gather3A_577 : memref<16384xf32, #tpu.memory_space<vmem>>[vector<16xi32>], vector<16xf32>,
    %mul3A_583 = arith.constant 62 : i32
    %mul3A_584 = arith.constant 8 : i32
    %mul3A_585 = arith.muli %mul3A_583, %mul3A_584 : i32
    %add3A_586 = arith.constant 4 : i32
    %add3A_587 = arith.addi %mul3A_585, %add3A_586 : i32
    %slice3A_588 = vector.extract_strided_slice %get3A_445 {offsets = [4], sizes = [1], strides = [1]} : vector<16xi32> to vector<1xi32>
    %squeeze3A_589 = vector.extract %slice3A_588[0] : i32 from vector<1xi32>
    %and3A_590 = arith.constant 127 : i32
    %and3A_591 = arith.andi %squeeze3A_589, %and3A_590 : i32
    %broadcast_in_dim3A_592 = vector.broadcast %and3A_591 : i32 to vector<16xi32>
    %add3A_593 = arith.constant 4 : i32
    %add3A_594 = arith.addi %mul3A_329, %add3A_593 : i32
    %mul3A_595 = arith.constant 32 : i32
    %mul3A_596 = arith.muli %add3A_594, %mul3A_595 : i32
    %broadcast_in_dim3A_597 = vector.broadcast %mul3A_596 : i32 to vector<16xi32>
    %add3A_598 = arith.constant 0 : i32
    %add3A_599 = vector.broadcast %add3A_598 : i32 to vector<16xi32>
    %add3A_600 = arith.addi %iota3A, %add3A_599 : vector<16xi32>
    %add3A_601 = arith.addi %broadcast_in_dim3A_597, %add3A_600 : vector<16xi32>
    %gather3A_602 = tpu.vector_load_idx %arg6[%add3A_601, %broadcast_in_dim3A_592] : memref<768x128xf32, #tpu.memory_space<vmem>>[vector<16xi32>, vector<16xi32>], vector<16xf32>,
    %mul3A_603 = arith.constant 512 : i32
    %mul3A_604 = vector.broadcast %mul3A_603 : i32 to vector<16xi32>
    %mul3A_605 = arith.muli %add3A_600, %mul3A_604 : vector<16xi32>
    %add3A_606 = vector.broadcast %add3A_587 : i32 to vector<16xi32>
    %add3A_607 = arith.addi %mul3A_605, %add3A_606 : vector<16xi32>
    tpu.vector_store_idx %arg7[%add3A_607], %gather3A_602 : memref<16384xf32, #tpu.memory_space<vmem>>[vector<16xi32>], vector<16xf32>,
    %add3A_608 = arith.constant 16 : i32
    %add3A_609 = vector.broadcast %add3A_608 : i32 to vector<16xi32>
    %add3A_610 = arith.addi %iota3A, %add3A_609 : vector<16xi32>
    %add3A_611 = arith.addi %broadcast_in_dim3A_597, %add3A_610 : vector<16xi32>
    %gather3A_612 = tpu.vector_load_idx %arg6[%add3A_611, %broadcast_in_dim3A_592] : memref<768x128xf32, #tpu.memory_space<vmem>>[vector<16xi32>, vector<16xi32>], vector<16xf32>,
    %mul3A_613 = arith.constant 512 : i32
    %mul3A_614 = vector.broadcast %mul3A_613 : i32 to vector<16xi32>
    %mul3A_615 = arith.muli %add3A_610, %mul3A_614 : vector<16xi32>
    %add3A_616 = vector.broadcast %add3A_587 : i32 to vector<16xi32>
    %add3A_617 = arith.addi %mul3A_615, %add3A_616 : vector<16xi32>
    tpu.vector_store_idx %arg7[%add3A_617], %gather3A_612 : memref<16384xf32, #tpu.memory_space<vmem>>[vector<16xi32>], vector<16xf32>,
    %mul3A_618 = arith.constant 62 : i32
    %mul3A_619 = arith.constant 8 : i32
    %mul3A_620 = arith.muli %mul3A_618, %mul3A_619 : i32
    %add3A_621 = arith.constant 5 : i32
    %add3A_622 = arith.addi %mul3A_620, %add3A_621 : i32
    %slice3A_623 = vector.extract_strided_slice %get3A_445 {offsets = [5], sizes = [1], strides = [1]} : vector<16xi32> to vector<1xi32>
    %squeeze3A_624 = vector.extract %slice3A_623[0] : i32 from vector<1xi32>
    %and3A_625 = arith.constant 127 : i32
    %and3A_626 = arith.andi %squeeze3A_624, %and3A_625 : i32
    %broadcast_in_dim3A_627 = vector.broadcast %and3A_626 : i32 to vector<16xi32>
    %add3A_628 = arith.constant 5 : i32
    %add3A_629 = arith.addi %mul3A_329, %add3A_628 : i32
    %mul3A_630 = arith.constant 32 : i32
    %mul3A_631 = arith.muli %add3A_629, %mul3A_630 : i32
    %broadcast_in_dim3A_632 = vector.broadcast %mul3A_631 : i32 to vector<16xi32>
    %add3A_633 = arith.constant 0 : i32
    %add3A_634 = vector.broadcast %add3A_633 : i32 to vector<16xi32>
    %add3A_635 = arith.addi %iota3A, %add3A_634 : vector<16xi32>
    %add3A_636 = arith.addi %broadcast_in_dim3A_632, %add3A_635 : vector<16xi32>
    %gather3A_637 = tpu.vector_load_idx %arg6[%add3A_636, %broadcast_in_dim3A_627] : memref<768x128xf32, #tpu.memory_space<vmem>>[vector<16xi32>, vector<16xi32>], vector<16xf32>,
    %mul3A_638 = arith.constant 512 : i32
    %mul3A_639 = vector.broadcast %mul3A_638 : i32 to vector<16xi32>
    %mul3A_640 = arith.muli %add3A_635, %mul3A_639 : vector<16xi32>
    %add3A_641 = vector.broadcast %add3A_622 : i32 to vector<16xi32>
    %add3A_642 = arith.addi %mul3A_640, %add3A_641 : vector<16xi32>
    tpu.vector_store_idx %arg7[%add3A_642], %gather3A_637 : memref<16384xf32, #tpu.memory_space<vmem>>[vector<16xi32>], vector<16xf32>,
    %add3A_643 = arith.constant 16 : i32
    %add3A_644 = vector.broadcast %add3A_643 : i32 to vector<16xi32>
    %add3A_645 = arith.addi %iota3A, %add3A_644 : vector<16xi32>
    %add3A_646 = arith.addi %broadcast_in_dim3A_632, %add3A_645 : vector<16xi32>
    %gather3A_647 = tpu.vector_load_idx %arg6[%add3A_646, %broadcast_in_dim3A_627] : memref<768x128xf32, #tpu.memory_space<vmem>>[vector<16xi32>, vector<16xi32>], vector<16xf32>,
    %mul3A_648 = arith.constant 512 : i32
    %mul3A_649 = vector.broadcast %mul3A_648 : i32 to vector<16xi32>
    %mul3A_650 = arith.muli %add3A_645, %mul3A_649 : vector<16xi32>
    %add3A_651 = vector.broadcast %add3A_622 : i32 to vector<16xi32>
    %add3A_652 = arith.addi %mul3A_650, %add3A_651 : vector<16xi32>
    tpu.vector_store_idx %arg7[%add3A_652], %gather3A_647 : memref<16384xf32, #tpu.memory_space<vmem>>[vector<16xi32>], vector<16xf32>,
    %mul3A_653 = arith.constant 62 : i32
    %mul3A_654 = arith.constant 8 : i32
    %mul3A_655 = arith.muli %mul3A_653, %mul3A_654 : i32
    %add3A_656 = arith.constant 6 : i32
    %add3A_657 = arith.addi %mul3A_655, %add3A_656 : i32
    %slice3A_658 = vector.extract_strided_slice %get3A_445 {offsets = [6], sizes = [1], strides = [1]} : vector<16xi32> to vector<1xi32>
    %squeeze3A_659 = vector.extract %slice3A_658[0] : i32 from vector<1xi32>
    %and3A_660 = arith.constant 127 : i32
    %and3A_661 = arith.andi %squeeze3A_659, %and3A_660 : i32
    %broadcast_in_dim3A_662 = vector.broadcast %and3A_661 : i32 to vector<16xi32>
    %add3A_663 = arith.constant 6 : i32
    %add3A_664 = arith.addi %mul3A_329, %add3A_663 : i32
    %mul3A_665 = arith.constant 32 : i32
    %mul3A_666 = arith.muli %add3A_664, %mul3A_665 : i32
    %broadcast_in_dim3A_667 = vector.broadcast %mul3A_666 : i32 to vector<16xi32>
    %add3A_668 = arith.constant 0 : i32
    %add3A_669 = vector.broadcast %add3A_668 : i32 to vector<16xi32>
    %add3A_670 = arith.addi %iota3A, %add3A_669 : vector<16xi32>
    %add3A_671 = arith.addi %broadcast_in_dim3A_667, %add3A_670 : vector<16xi32>
    %gather3A_672 = tpu.vector_load_idx %arg6[%add3A_671, %broadcast_in_dim3A_662] : memref<768x128xf32, #tpu.memory_space<vmem>>[vector<16xi32>, vector<16xi32>], vector<16xf32>,
    %mul3A_673 = arith.constant 512 : i32
    %mul3A_674 = vector.broadcast %mul3A_673 : i32 to vector<16xi32>
    %mul3A_675 = arith.muli %add3A_670, %mul3A_674 : vector<16xi32>
    %add3A_676 = vector.broadcast %add3A_657 : i32 to vector<16xi32>
    %add3A_677 = arith.addi %mul3A_675, %add3A_676 : vector<16xi32>
    tpu.vector_store_idx %arg7[%add3A_677], %gather3A_672 : memref<16384xf32, #tpu.memory_space<vmem>>[vector<16xi32>], vector<16xf32>,
    %add3A_678 = arith.constant 16 : i32
    %add3A_679 = vector.broadcast %add3A_678 : i32 to vector<16xi32>
    %add3A_680 = arith.addi %iota3A, %add3A_679 : vector<16xi32>
    %add3A_681 = arith.addi %broadcast_in_dim3A_667, %add3A_680 : vector<16xi32>
    %gather3A_682 = tpu.vector_load_idx %arg6[%add3A_681, %broadcast_in_dim3A_662] : memref<768x128xf32, #tpu.memory_space<vmem>>[vector<16xi32>, vector<16xi32>], vector<16xf32>,
    %mul3A_683 = arith.constant 512 : i32
    %mul3A_684 = vector.broadcast %mul3A_683 : i32 to vector<16xi32>
    %mul3A_685 = arith.muli %add3A_680, %mul3A_684 : vector<16xi32>
    %add3A_686 = vector.broadcast %add3A_657 : i32 to vector<16xi32>
    %add3A_687 = arith.addi %mul3A_685, %add3A_686 : vector<16xi32>
    tpu.vector_store_idx %arg7[%add3A_687], %gather3A_682 : memref<16384xf32, #tpu.memory_space<vmem>>[vector<16xi32>], vector<16xf32>,
    %mul3A_688 = arith.constant 62 : i32
    %mul3A_689 = arith.constant 8 : i32
    %mul3A_690 = arith.muli %mul3A_688, %mul3A_689 : i32
    %add3A_691 = arith.constant 7 : i32
    %add3A_692 = arith.addi %mul3A_690, %add3A_691 : i32
    %slice3A_693 = vector.extract_strided_slice %get3A_445 {offsets = [7], sizes = [1], strides = [1]} : vector<16xi32> to vector<1xi32>
    %squeeze3A_694 = vector.extract %slice3A_693[0] : i32 from vector<1xi32>
    %and3A_695 = arith.constant 127 : i32
    %and3A_696 = arith.andi %squeeze3A_694, %and3A_695 : i32
    %broadcast_in_dim3A_697 = vector.broadcast %and3A_696 : i32 to vector<16xi32>
    %add3A_698 = arith.constant 7 : i32
    %add3A_699 = arith.addi %mul3A_329, %add3A_698 : i32
    %mul3A_700 = arith.constant 32 : i32
    %mul3A_701 = arith.muli %add3A_699, %mul3A_700 : i32
    %broadcast_in_dim3A_702 = vector.broadcast %mul3A_701 : i32 to vector<16xi32>
    %add3A_703 = arith.constant 0 : i32
    %add3A_704 = vector.broadcast %add3A_703 : i32 to vector<16xi32>
    %add3A_705 = arith.addi %iota3A, %add3A_704 : vector<16xi32>
    %add3A_706 = arith.addi %broadcast_in_dim3A_702, %add3A_705 : vector<16xi32>
    %gather3A_707 = tpu.vector_load_idx %arg6[%add3A_706, %broadcast_in_dim3A_697] : memref<768x128xf32, #tpu.memory_space<vmem>>[vector<16xi32>, vector<16xi32>], vector<16xf32>,
    %mul3A_708 = arith.constant 512 : i32
    %mul3A_709 = vector.broadcast %mul3A_708 : i32 to vector<16xi32>
    %mul3A_710 = arith.muli %add3A_705, %mul3A_709 : vector<16xi32>
    %add3A_711 = vector.broadcast %add3A_692 : i32 to vector<16xi32>
    %add3A_712 = arith.addi %mul3A_710, %add3A_711 : vector<16xi32>
    tpu.vector_store_idx %arg7[%add3A_712], %gather3A_707 : memref<16384xf32, #tpu.memory_space<vmem>>[vector<16xi32>], vector<16xf32>,
    %add3A_713 = arith.constant 16 : i32
    %add3A_714 = vector.broadcast %add3A_713 : i32 to vector<16xi32>
    %add3A_715 = arith.addi %iota3A, %add3A_714 : vector<16xi32>
    %add3A_716 = arith.addi %broadcast_in_dim3A_702, %add3A_715 : vector<16xi32>
    %gather3A_717 = tpu.vector_load_idx %arg6[%add3A_716, %broadcast_in_dim3A_697] : memref<768x128xf32, #tpu.memory_space<vmem>>[vector<16xi32>, vector<16xi32>], vector<16xf32>,
    %mul3A_718 = arith.constant 512 : i32
    %mul3A_719 = vector.broadcast %mul3A_718 : i32 to vector<16xi32>
    %mul3A_720 = arith.muli %add3A_715, %mul3A_719 : vector<16xi32>
    %add3A_721 = vector.broadcast %add3A_692 : i32 to vector<16xi32>
    %add3A_722 = arith.addi %mul3A_720, %add3A_721 : vector<16xi32>
    tpu.vector_store_idx %arg7[%add3A_722], %gather3A_717 : memref<16384xf32, #tpu.memory_space<vmem>>[vector<16xi32>], vector<16xf32>,
    %rem3A_723 = arith.constant 63 : i32
    %rem3A_724 = arith.constant 3 : i32
    %rem3A_725 = arith.remsi %rem3A_723, %rem3A_724 : i32
    %mul3A_726 = arith.constant 8 : i32
    %mul3A_727 = arith.muli %rem3A_725, %mul3A_726 : i32
    %add3A_728 = arith.constant 0 : i32
    %add3A_729 = arith.addi %mul3A_727, %add3A_728 : i32
    %mul3A_730 = arith.constant 32 : i32
    %mul3A_731 = arith.muli %add3A_729, %mul3A_730 : i32
    %dma_wait3A_732 = arith.constant 0 : i32
    %dma_wait3A_733 = tpu.memref_slice %arg6[%mul3A_731, %dma_wait3A_732] : memref<768x128xf32, #tpu.memory_space<vmem>> -> memref<32x128xf32, #tpu.memory_space<vmem>>
    %dma_wait3A_734 = arith.constant 0 : i32
    %dma_wait3A_735 = arith.constant 0 : i32
    %dma_wait3A_736 = tpu.memref_slice %arg3[%dma_wait3A_734, %dma_wait3A_735] : memref<32x1000000xf32, #tpu.memory_space<hbm>> -> memref<32x128xf32, #tpu.memory_space<hbm>>
    %dma_wait3A_737 = arith.constant 0 : i32
    %dma_wait3A_738 = tpu.memref_slice %arg6[%mul3A_731, %dma_wait3A_737] : memref<768x128xf32, #tpu.memory_space<vmem>> -> memref<32x128xf32, #tpu.memory_space<vmem>>
    %dma_wait3A_739 = arith.constant 0 : i32
    %dma_wait3A_740 = arith.constant 0 : i32
    %dma_wait3A_741 = tpu.memref_slice %arg3[%dma_wait3A_739, %dma_wait3A_740] : memref<32x1000000xf32, #tpu.memory_space<hbm>> -> memref<32x128xf32, #tpu.memory_space<hbm>>
    tpu.wait_dma2 semaphore(%arg8 : memref<!tpu.dma_semaphore, #tpu.memory_space<semaphore_mem>>) src(%dma_wait3A_741 : memref<32x128xf32, #tpu.memory_space<hbm>>) dst(%dma_wait3A_738 : memref<32x128xf32, #tpu.memory_space<vmem>>)
    %add3A_742 = arith.constant 1 : i32
    %add3A_743 = arith.addi %mul3A_727, %add3A_742 : i32
    %mul3A_744 = arith.constant 32 : i32
    %mul3A_745 = arith.muli %add3A_743, %mul3A_744 : i32
    %dma_wait3A_746 = arith.constant 0 : i32
    %dma_wait3A_747 = tpu.memref_slice %arg6[%mul3A_745, %dma_wait3A_746] : memref<768x128xf32, #tpu.memory_space<vmem>> -> memref<32x128xf32, #tpu.memory_space<vmem>>
    %dma_wait3A_748 = arith.constant 0 : i32
    %dma_wait3A_749 = arith.constant 0 : i32
    %dma_wait3A_750 = tpu.memref_slice %arg3[%dma_wait3A_748, %dma_wait3A_749] : memref<32x1000000xf32, #tpu.memory_space<hbm>> -> memref<32x128xf32, #tpu.memory_space<hbm>>
    %dma_wait3A_751 = arith.constant 0 : i32
    %dma_wait3A_752 = tpu.memref_slice %arg6[%mul3A_745, %dma_wait3A_751] : memref<768x128xf32, #tpu.memory_space<vmem>> -> memref<32x128xf32, #tpu.memory_space<vmem>>
    %dma_wait3A_753 = arith.constant 0 : i32
    %dma_wait3A_754 = arith.constant 0 : i32
    %dma_wait3A_755 = tpu.memref_slice %arg3[%dma_wait3A_753, %dma_wait3A_754] : memref<32x1000000xf32, #tpu.memory_space<hbm>> -> memref<32x128xf32, #tpu.memory_space<hbm>>
    tpu.wait_dma2 semaphore(%arg8 : memref<!tpu.dma_semaphore, #tpu.memory_space<semaphore_mem>>) src(%dma_wait3A_755 : memref<32x128xf32, #tpu.memory_space<hbm>>) dst(%dma_wait3A_752 : memref<32x128xf32, #tpu.memory_space<vmem>>)
    %add3A_756 = arith.constant 2 : i32
    %add3A_757 = arith.addi %mul3A_727, %add3A_756 : i32
    %mul3A_758 = arith.constant 32 : i32
    %mul3A_759 = arith.muli %add3A_757, %mul3A_758 : i32
    %dma_wait3A_760 = arith.constant 0 : i32
    %dma_wait3A_761 = tpu.memref_slice %arg6[%mul3A_759, %dma_wait3A_760] : memref<768x128xf32, #tpu.memory_space<vmem>> -> memref<32x128xf32, #tpu.memory_space<vmem>>
    %dma_wait3A_762 = arith.constant 0 : i32
    %dma_wait3A_763 = arith.constant 0 : i32
    %dma_wait3A_764 = tpu.memref_slice %arg3[%dma_wait3A_762, %dma_wait3A_763] : memref<32x1000000xf32, #tpu.memory_space<hbm>> -> memref<32x128xf32, #tpu.memory_space<hbm>>
    %dma_wait3A_765 = arith.constant 0 : i32
    %dma_wait3A_766 = tpu.memref_slice %arg6[%mul3A_759, %dma_wait3A_765] : memref<768x128xf32, #tpu.memory_space<vmem>> -> memref<32x128xf32, #tpu.memory_space<vmem>>
    %dma_wait3A_767 = arith.constant 0 : i32
    %dma_wait3A_768 = arith.constant 0 : i32
    %dma_wait3A_769 = tpu.memref_slice %arg3[%dma_wait3A_767, %dma_wait3A_768] : memref<32x1000000xf32, #tpu.memory_space<hbm>> -> memref<32x128xf32, #tpu.memory_space<hbm>>
    tpu.wait_dma2 semaphore(%arg8 : memref<!tpu.dma_semaphore, #tpu.memory_space<semaphore_mem>>) src(%dma_wait3A_769 : memref<32x128xf32, #tpu.memory_space<hbm>>) dst(%dma_wait3A_766 : memref<32x128xf32, #tpu.memory_space<vmem>>)
    %add3A_770 = arith.constant 3 : i32
    %add3A_771 = arith.addi %mul3A_727, %add3A_770 : i32
    %mul3A_772 = arith.constant 32 : i32
    %mul3A_773 = arith.muli %add3A_771, %mul3A_772 : i32
    %dma_wait3A_774 = arith.constant 0 : i32
    %dma_wait3A_775 = tpu.memref_slice %arg6[%mul3A_773, %dma_wait3A_774] : memref<768x128xf32, #tpu.memory_space<vmem>> -> memref<32x128xf32, #tpu.memory_space<vmem>>
    %dma_wait3A_776 = arith.constant 0 : i32
    %dma_wait3A_777 = arith.constant 0 : i32
    %dma_wait3A_778 = tpu.memref_slice %arg3[%dma_wait3A_776, %dma_wait3A_777] : memref<32x1000000xf32, #tpu.memory_space<hbm>> -> memref<32x128xf32, #tpu.memory_space<hbm>>
    %dma_wait3A_779 = arith.constant 0 : i32
    %dma_wait3A_780 = tpu.memref_slice %arg6[%mul3A_773, %dma_wait3A_779] : memref<768x128xf32, #tpu.memory_space<vmem>> -> memref<32x128xf32, #tpu.memory_space<vmem>>
    %dma_wait3A_781 = arith.constant 0 : i32
    %dma_wait3A_782 = arith.constant 0 : i32
    %dma_wait3A_783 = tpu.memref_slice %arg3[%dma_wait3A_781, %dma_wait3A_782] : memref<32x1000000xf32, #tpu.memory_space<hbm>> -> memref<32x128xf32, #tpu.memory_space<hbm>>
    tpu.wait_dma2 semaphore(%arg8 : memref<!tpu.dma_semaphore, #tpu.memory_space<semaphore_mem>>) src(%dma_wait3A_783 : memref<32x128xf32, #tpu.memory_space<hbm>>) dst(%dma_wait3A_780 : memref<32x128xf32, #tpu.memory_space<vmem>>)
    %add3A_784 = arith.constant 4 : i32
    %add3A_785 = arith.addi %mul3A_727, %add3A_784 : i32
    %mul3A_786 = arith.constant 32 : i32
    %mul3A_787 = arith.muli %add3A_785, %mul3A_786 : i32
    %dma_wait3A_788 = arith.constant 0 : i32
    %dma_wait3A_789 = tpu.memref_slice %arg6[%mul3A_787, %dma_wait3A_788] : memref<768x128xf32, #tpu.memory_space<vmem>> -> memref<32x128xf32, #tpu.memory_space<vmem>>
    %dma_wait3A_790 = arith.constant 0 : i32
    %dma_wait3A_791 = arith.constant 0 : i32
    %dma_wait3A_792 = tpu.memref_slice %arg3[%dma_wait3A_790, %dma_wait3A_791] : memref<32x1000000xf32, #tpu.memory_space<hbm>> -> memref<32x128xf32, #tpu.memory_space<hbm>>
    %dma_wait3A_793 = arith.constant 0 : i32
    %dma_wait3A_794 = tpu.memref_slice %arg6[%mul3A_787, %dma_wait3A_793] : memref<768x128xf32, #tpu.memory_space<vmem>> -> memref<32x128xf32, #tpu.memory_space<vmem>>
    %dma_wait3A_795 = arith.constant 0 : i32
    %dma_wait3A_796 = arith.constant 0 : i32
    %dma_wait3A_797 = tpu.memref_slice %arg3[%dma_wait3A_795, %dma_wait3A_796] : memref<32x1000000xf32, #tpu.memory_space<hbm>> -> memref<32x128xf32, #tpu.memory_space<hbm>>
    tpu.wait_dma2 semaphore(%arg8 : memref<!tpu.dma_semaphore, #tpu.memory_space<semaphore_mem>>) src(%dma_wait3A_797 : memref<32x128xf32, #tpu.memory_space<hbm>>) dst(%dma_wait3A_794 : memref<32x128xf32, #tpu.memory_space<vmem>>)
    %add3A_798 = arith.constant 5 : i32
    %add3A_799 = arith.addi %mul3A_727, %add3A_798 : i32
    %mul3A_800 = arith.constant 32 : i32
    %mul3A_801 = arith.muli %add3A_799, %mul3A_800 : i32
    %dma_wait3A_802 = arith.constant 0 : i32
    %dma_wait3A_803 = tpu.memref_slice %arg6[%mul3A_801, %dma_wait3A_802] : memref<768x128xf32, #tpu.memory_space<vmem>> -> memref<32x128xf32, #tpu.memory_space<vmem>>
    %dma_wait3A_804 = arith.constant 0 : i32
    %dma_wait3A_805 = arith.constant 0 : i32
    %dma_wait3A_806 = tpu.memref_slice %arg3[%dma_wait3A_804, %dma_wait3A_805] : memref<32x1000000xf32, #tpu.memory_space<hbm>> -> memref<32x128xf32, #tpu.memory_space<hbm>>
    %dma_wait3A_807 = arith.constant 0 : i32
    %dma_wait3A_808 = tpu.memref_slice %arg6[%mul3A_801, %dma_wait3A_807] : memref<768x128xf32, #tpu.memory_space<vmem>> -> memref<32x128xf32, #tpu.memory_space<vmem>>
    %dma_wait3A_809 = arith.constant 0 : i32
    %dma_wait3A_810 = arith.constant 0 : i32
    %dma_wait3A_811 = tpu.memref_slice %arg3[%dma_wait3A_809, %dma_wait3A_810] : memref<32x1000000xf32, #tpu.memory_space<hbm>> -> memref<32x128xf32, #tpu.memory_space<hbm>>
    tpu.wait_dma2 semaphore(%arg8 : memref<!tpu.dma_semaphore, #tpu.memory_space<semaphore_mem>>) src(%dma_wait3A_811 : memref<32x128xf32, #tpu.memory_space<hbm>>) dst(%dma_wait3A_808 : memref<32x128xf32, #tpu.memory_space<vmem>>)
    %add3A_812 = arith.constant 6 : i32
    %add3A_813 = arith.addi %mul3A_727, %add3A_812 : i32
    %mul3A_814 = arith.constant 32 : i32
    %mul3A_815 = arith.muli %add3A_813, %mul3A_814 : i32
    %dma_wait3A_816 = arith.constant 0 : i32
    %dma_wait3A_817 = tpu.memref_slice %arg6[%mul3A_815, %dma_wait3A_816] : memref<768x128xf32, #tpu.memory_space<vmem>> -> memref<32x128xf32, #tpu.memory_space<vmem>>
    %dma_wait3A_818 = arith.constant 0 : i32
    %dma_wait3A_819 = arith.constant 0 : i32
    %dma_wait3A_820 = tpu.memref_slice %arg3[%dma_wait3A_818, %dma_wait3A_819] : memref<32x1000000xf32, #tpu.memory_space<hbm>> -> memref<32x128xf32, #tpu.memory_space<hbm>>
    %dma_wait3A_821 = arith.constant 0 : i32
    %dma_wait3A_822 = tpu.memref_slice %arg6[%mul3A_815, %dma_wait3A_821] : memref<768x128xf32, #tpu.memory_space<vmem>> -> memref<32x128xf32, #tpu.memory_space<vmem>>
    %dma_wait3A_823 = arith.constant 0 : i32
    %dma_wait3A_824 = arith.constant 0 : i32
    %dma_wait3A_825 = tpu.memref_slice %arg3[%dma_wait3A_823, %dma_wait3A_824] : memref<32x1000000xf32, #tpu.memory_space<hbm>> -> memref<32x128xf32, #tpu.memory_space<hbm>>
    tpu.wait_dma2 semaphore(%arg8 : memref<!tpu.dma_semaphore, #tpu.memory_space<semaphore_mem>>) src(%dma_wait3A_825 : memref<32x128xf32, #tpu.memory_space<hbm>>) dst(%dma_wait3A_822 : memref<32x128xf32, #tpu.memory_space<vmem>>)
    %add3A_826 = arith.constant 7 : i32
    %add3A_827 = arith.addi %mul3A_727, %add3A_826 : i32
    %mul3A_828 = arith.constant 32 : i32
    %mul3A_829 = arith.muli %add3A_827, %mul3A_828 : i32
    %dma_wait3A_830 = arith.constant 0 : i32
    %dma_wait3A_831 = tpu.memref_slice %arg6[%mul3A_829, %dma_wait3A_830] : memref<768x128xf32, #tpu.memory_space<vmem>> -> memref<32x128xf32, #tpu.memory_space<vmem>>
    %dma_wait3A_832 = arith.constant 0 : i32
    %dma_wait3A_833 = arith.constant 0 : i32
    %dma_wait3A_834 = tpu.memref_slice %arg3[%dma_wait3A_832, %dma_wait3A_833] : memref<32x1000000xf32, #tpu.memory_space<hbm>> -> memref<32x128xf32, #tpu.memory_space<hbm>>
    %dma_wait3A_835 = arith.constant 0 : i32
    %dma_wait3A_836 = tpu.memref_slice %arg6[%mul3A_829, %dma_wait3A_835] : memref<768x128xf32, #tpu.memory_space<vmem>> -> memref<32x128xf32, #tpu.memory_space<vmem>>
    %dma_wait3A_837 = arith.constant 0 : i32
    %dma_wait3A_838 = arith.constant 0 : i32
    %dma_wait3A_839 = tpu.memref_slice %arg3[%dma_wait3A_837, %dma_wait3A_838] : memref<32x1000000xf32, #tpu.memory_space<hbm>> -> memref<32x128xf32, #tpu.memory_space<hbm>>
    tpu.wait_dma2 semaphore(%arg8 : memref<!tpu.dma_semaphore, #tpu.memory_space<semaphore_mem>>) src(%dma_wait3A_839 : memref<32x128xf32, #tpu.memory_space<hbm>>) dst(%dma_wait3A_836 : memref<32x128xf32, #tpu.memory_space<vmem>>)
    %mul3A_840 = arith.constant 63 : i32
    %mul3A_841 = arith.constant 8 : i32
    %mul3A_842 = arith.muli %mul3A_840, %mul3A_841 : i32
    %get3A_843 = arith.index_cast %mul3A_842 : i32 to index
    %get3A_844 = tpu.vector_load %arg5[%get3A_843] {strides = array<i32>} : memref<520xi32, #tpu.memory_space<vmem>>, vector<16xi32>,
    %mul3A_845 = arith.constant 63 : i32
    %mul3A_846 = arith.constant 8 : i32
    %mul3A_847 = arith.muli %mul3A_845, %mul3A_846 : i32
    %add3A_848 = arith.constant 0 : i32
    %add3A_849 = arith.addi %mul3A_847, %add3A_848 : i32
    %slice3A_850 = vector.extract_strided_slice %get3A_844 {offsets = [0], sizes = [1], strides = [1]} : vector<16xi32> to vector<1xi32>
    %squeeze3A_851 = vector.extract %slice3A_850[0] : i32 from vector<1xi32>
    %and3A_852 = arith.constant 127 : i32
    %and3A_853 = arith.andi %squeeze3A_851, %and3A_852 : i32
    %broadcast_in_dim3A_854 = vector.broadcast %and3A_853 : i32 to vector<16xi32>
    %add3A_855 = arith.constant 0 : i32
    %add3A_856 = arith.addi %mul3A_727, %add3A_855 : i32
    %mul3A_857 = arith.constant 32 : i32
    %mul3A_858 = arith.muli %add3A_856, %mul3A_857 : i32
    %broadcast_in_dim3A_859 = vector.broadcast %mul3A_858 : i32 to vector<16xi32>
    %add3A_860 = arith.constant 0 : i32
    %add3A_861 = vector.broadcast %add3A_860 : i32 to vector<16xi32>
    %add3A_862 = arith.addi %iota3A, %add3A_861 : vector<16xi32>
    %add3A_863 = arith.addi %broadcast_in_dim3A_859, %add3A_862 : vector<16xi32>
    %gather3A_864 = tpu.vector_load_idx %arg6[%add3A_863, %broadcast_in_dim3A_854] : memref<768x128xf32, #tpu.memory_space<vmem>>[vector<16xi32>, vector<16xi32>], vector<16xf32>,
    %mul3A_865 = arith.constant 512 : i32
    %mul3A_866 = vector.broadcast %mul3A_865 : i32 to vector<16xi32>
    %mul3A_867 = arith.muli %add3A_862, %mul3A_866 : vector<16xi32>
    %add3A_868 = vector.broadcast %add3A_849 : i32 to vector<16xi32>
    %add3A_869 = arith.addi %mul3A_867, %add3A_868 : vector<16xi32>
    tpu.vector_store_idx %arg7[%add3A_869], %gather3A_864 : memref<16384xf32, #tpu.memory_space<vmem>>[vector<16xi32>], vector<16xf32>,
    %add3A_870 = arith.constant 16 : i32
    %add3A_871 = vector.broadcast %add3A_870 : i32 to vector<16xi32>
    %add3A_872 = arith.addi %iota3A, %add3A_871 : vector<16xi32>
    %add3A_873 = arith.addi %broadcast_in_dim3A_859, %add3A_872 : vector<16xi32>
    %gather3A_874 = tpu.vector_load_idx %arg6[%add3A_873, %broadcast_in_dim3A_854] : memref<768x128xf32, #tpu.memory_space<vmem>>[vector<16xi32>, vector<16xi32>], vector<16xf32>,
    %mul3A_875 = arith.constant 512 : i32
    %mul3A_876 = vector.broadcast %mul3A_875 : i32 to vector<16xi32>
    %mul3A_877 = arith.muli %add3A_872, %mul3A_876 : vector<16xi32>
    %add3A_878 = vector.broadcast %add3A_849 : i32 to vector<16xi32>
    %add3A_879 = arith.addi %mul3A_877, %add3A_878 : vector<16xi32>
    tpu.vector_store_idx %arg7[%add3A_879], %gather3A_874 : memref<16384xf32, #tpu.memory_space<vmem>>[vector<16xi32>], vector<16xf32>,
    %mul3A_880 = arith.constant 63 : i32
    %mul3A_881 = arith.constant 8 : i32
    %mul3A_882 = arith.muli %mul3A_880, %mul3A_881 : i32
    %add3A_883 = arith.constant 1 : i32
    %add3A_884 = arith.addi %mul3A_882, %add3A_883 : i32
    %slice3A_885 = vector.extract_strided_slice %get3A_844 {offsets = [1], sizes = [1], strides = [1]} : vector<16xi32> to vector<1xi32>
    %squeeze3A_886 = vector.extract %slice3A_885[0] : i32 from vector<1xi32>
    %and3A_887 = arith.constant 127 : i32
    %and3A_888 = arith.andi %squeeze3A_886, %and3A_887 : i32
    %broadcast_in_dim3A_889 = vector.broadcast %and3A_888 : i32 to vector<16xi32>
    %add3A_890 = arith.constant 1 : i32
    %add3A_891 = arith.addi %mul3A_727, %add3A_890 : i32
    %mul3A_892 = arith.constant 32 : i32
    %mul3A_893 = arith.muli %add3A_891, %mul3A_892 : i32
    %broadcast_in_dim3A_894 = vector.broadcast %mul3A_893 : i32 to vector<16xi32>
    %add3A_895 = arith.constant 0 : i32
    %add3A_896 = vector.broadcast %add3A_895 : i32 to vector<16xi32>
    %add3A_897 = arith.addi %iota3A, %add3A_896 : vector<16xi32>
    %add3A_898 = arith.addi %broadcast_in_dim3A_894, %add3A_897 : vector<16xi32>
    %gather3A_899 = tpu.vector_load_idx %arg6[%add3A_898, %broadcast_in_dim3A_889] : memref<768x128xf32, #tpu.memory_space<vmem>>[vector<16xi32>, vector<16xi32>], vector<16xf32>,
    %mul3A_900 = arith.constant 512 : i32
    %mul3A_901 = vector.broadcast %mul3A_900 : i32 to vector<16xi32>
    %mul3A_902 = arith.muli %add3A_897, %mul3A_901 : vector<16xi32>
    %add3A_903 = vector.broadcast %add3A_884 : i32 to vector<16xi32>
    %add3A_904 = arith.addi %mul3A_902, %add3A_903 : vector<16xi32>
    tpu.vector_store_idx %arg7[%add3A_904], %gather3A_899 : memref<16384xf32, #tpu.memory_space<vmem>>[vector<16xi32>], vector<16xf32>,
    %add3A_905 = arith.constant 16 : i32
    %add3A_906 = vector.broadcast %add3A_905 : i32 to vector<16xi32>
    %add3A_907 = arith.addi %iota3A, %add3A_906 : vector<16xi32>
    %add3A_908 = arith.addi %broadcast_in_dim3A_894, %add3A_907 : vector<16xi32>
    %gather3A_909 = tpu.vector_load_idx %arg6[%add3A_908, %broadcast_in_dim3A_889] : memref<768x128xf32, #tpu.memory_space<vmem>>[vector<16xi32>, vector<16xi32>], vector<16xf32>,
    %mul3A_910 = arith.constant 512 : i32
    %mul3A_911 = vector.broadcast %mul3A_910 : i32 to vector<16xi32>
    %mul3A_912 = arith.muli %add3A_907, %mul3A_911 : vector<16xi32>
    %add3A_913 = vector.broadcast %add3A_884 : i32 to vector<16xi32>
    %add3A_914 = arith.addi %mul3A_912, %add3A_913 : vector<16xi32>
    tpu.vector_store_idx %arg7[%add3A_914], %gather3A_909 : memref<16384xf32, #tpu.memory_space<vmem>>[vector<16xi32>], vector<16xf32>,
    %mul3A_915 = arith.constant 63 : i32
    %mul3A_916 = arith.constant 8 : i32
    %mul3A_917 = arith.muli %mul3A_915, %mul3A_916 : i32
    %add3A_918 = arith.constant 2 : i32
    %add3A_919 = arith.addi %mul3A_917, %add3A_918 : i32
    %slice3A_920 = vector.extract_strided_slice %get3A_844 {offsets = [2], sizes = [1], strides = [1]} : vector<16xi32> to vector<1xi32>
    %squeeze3A_921 = vector.extract %slice3A_920[0] : i32 from vector<1xi32>
    %and3A_922 = arith.constant 127 : i32
    %and3A_923 = arith.andi %squeeze3A_921, %and3A_922 : i32
    %broadcast_in_dim3A_924 = vector.broadcast %and3A_923 : i32 to vector<16xi32>
    %add3A_925 = arith.constant 2 : i32
    %add3A_926 = arith.addi %mul3A_727, %add3A_925 : i32
    %mul3A_927 = arith.constant 32 : i32
    %mul3A_928 = arith.muli %add3A_926, %mul3A_927 : i32
    %broadcast_in_dim3A_929 = vector.broadcast %mul3A_928 : i32 to vector<16xi32>
    %add3A_930 = arith.constant 0 : i32
    %add3A_931 = vector.broadcast %add3A_930 : i32 to vector<16xi32>
    %add3A_932 = arith.addi %iota3A, %add3A_931 : vector<16xi32>
    %add3A_933 = arith.addi %broadcast_in_dim3A_929, %add3A_932 : vector<16xi32>
    %gather3A_934 = tpu.vector_load_idx %arg6[%add3A_933, %broadcast_in_dim3A_924] : memref<768x128xf32, #tpu.memory_space<vmem>>[vector<16xi32>, vector<16xi32>], vector<16xf32>,
    %mul3A_935 = arith.constant 512 : i32
    %mul3A_936 = vector.broadcast %mul3A_935 : i32 to vector<16xi32>
    %mul3A_937 = arith.muli %add3A_932, %mul3A_936 : vector<16xi32>
    %add3A_938 = vector.broadcast %add3A_919 : i32 to vector<16xi32>
    %add3A_939 = arith.addi %mul3A_937, %add3A_938 : vector<16xi32>
    tpu.vector_store_idx %arg7[%add3A_939], %gather3A_934 : memref<16384xf32, #tpu.memory_space<vmem>>[vector<16xi32>], vector<16xf32>,
    %add3A_940 = arith.constant 16 : i32
    %add3A_941 = vector.broadcast %add3A_940 : i32 to vector<16xi32>
    %add3A_942 = arith.addi %iota3A, %add3A_941 : vector<16xi32>
    %add3A_943 = arith.addi %broadcast_in_dim3A_929, %add3A_942 : vector<16xi32>
    %gather3A_944 = tpu.vector_load_idx %arg6[%add3A_943, %broadcast_in_dim3A_924] : memref<768x128xf32, #tpu.memory_space<vmem>>[vector<16xi32>, vector<16xi32>], vector<16xf32>,
    %mul3A_945 = arith.constant 512 : i32
    %mul3A_946 = vector.broadcast %mul3A_945 : i32 to vector<16xi32>
    %mul3A_947 = arith.muli %add3A_942, %mul3A_946 : vector<16xi32>
    %add3A_948 = vector.broadcast %add3A_919 : i32 to vector<16xi32>
    %add3A_949 = arith.addi %mul3A_947, %add3A_948 : vector<16xi32>
    tpu.vector_store_idx %arg7[%add3A_949], %gather3A_944 : memref<16384xf32, #tpu.memory_space<vmem>>[vector<16xi32>], vector<16xf32>,
    %mul3A_950 = arith.constant 63 : i32
    %mul3A_951 = arith.constant 8 : i32
    %mul3A_952 = arith.muli %mul3A_950, %mul3A_951 : i32
    %add3A_953 = arith.constant 3 : i32
    %add3A_954 = arith.addi %mul3A_952, %add3A_953 : i32
    %slice3A_955 = vector.extract_strided_slice %get3A_844 {offsets = [3], sizes = [1], strides = [1]} : vector<16xi32> to vector<1xi32>
    %squeeze3A_956 = vector.extract %slice3A_955[0] : i32 from vector<1xi32>
    %and3A_957 = arith.constant 127 : i32
    %and3A_958 = arith.andi %squeeze3A_956, %and3A_957 : i32
    %broadcast_in_dim3A_959 = vector.broadcast %and3A_958 : i32 to vector<16xi32>
    %add3A_960 = arith.constant 3 : i32
    %add3A_961 = arith.addi %mul3A_727, %add3A_960 : i32
    %mul3A_962 = arith.constant 32 : i32
    %mul3A_963 = arith.muli %add3A_961, %mul3A_962 : i32
    %broadcast_in_dim3A_964 = vector.broadcast %mul3A_963 : i32 to vector<16xi32>
    %add3A_965 = arith.constant 0 : i32
    %add3A_966 = vector.broadcast %add3A_965 : i32 to vector<16xi32>
    %add3A_967 = arith.addi %iota3A, %add3A_966 : vector<16xi32>
    %add3A_968 = arith.addi %broadcast_in_dim3A_964, %add3A_967 : vector<16xi32>
    %gather3A_969 = tpu.vector_load_idx %arg6[%add3A_968, %broadcast_in_dim3A_959] : memref<768x128xf32, #tpu.memory_space<vmem>>[vector<16xi32>, vector<16xi32>], vector<16xf32>,
    %mul3A_970 = arith.constant 512 : i32
    %mul3A_971 = vector.broadcast %mul3A_970 : i32 to vector<16xi32>
    %mul3A_972 = arith.muli %add3A_967, %mul3A_971 : vector<16xi32>
    %add3A_973 = vector.broadcast %add3A_954 : i32 to vector<16xi32>
    %add3A_974 = arith.addi %mul3A_972, %add3A_973 : vector<16xi32>
    tpu.vector_store_idx %arg7[%add3A_974], %gather3A_969 : memref<16384xf32, #tpu.memory_space<vmem>>[vector<16xi32>], vector<16xf32>,
    %add3A_975 = arith.constant 16 : i32
    %add3A_976 = vector.broadcast %add3A_975 : i32 to vector<16xi32>
    %add3A_977 = arith.addi %iota3A, %add3A_976 : vector<16xi32>
    %add3A_978 = arith.addi %broadcast_in_dim3A_964, %add3A_977 : vector<16xi32>
    %gather3A_979 = tpu.vector_load_idx %arg6[%add3A_978, %broadcast_in_dim3A_959] : memref<768x128xf32, #tpu.memory_space<vmem>>[vector<16xi32>, vector<16xi32>], vector<16xf32>,
    %mul3A_980 = arith.constant 512 : i32
    %mul3A_981 = vector.broadcast %mul3A_980 : i32 to vector<16xi32>
    %mul3A_982 = arith.muli %add3A_977, %mul3A_981 : vector<16xi32>
    %add3A_983 = vector.broadcast %add3A_954 : i32 to vector<16xi32>
    %add3A_984 = arith.addi %mul3A_982, %add3A_983 : vector<16xi32>
    tpu.vector_store_idx %arg7[%add3A_984], %gather3A_979 : memref<16384xf32, #tpu.memory_space<vmem>>[vector<16xi32>], vector<16xf32>,
    %mul3A_985 = arith.constant 63 : i32
    %mul3A_986 = arith.constant 8 : i32
    %mul3A_987 = arith.muli %mul3A_985, %mul3A_986 : i32
    %add3A_988 = arith.constant 4 : i32
    %add3A_989 = arith.addi %mul3A_987, %add3A_988 : i32
    %slice3A_990 = vector.extract_strided_slice %get3A_844 {offsets = [4], sizes = [1], strides = [1]} : vector<16xi32> to vector<1xi32>
    %squeeze3A_991 = vector.extract %slice3A_990[0] : i32 from vector<1xi32>
    %and3A_992 = arith.constant 127 : i32
    %and3A_993 = arith.andi %squeeze3A_991, %and3A_992 : i32
    %broadcast_in_dim3A_994 = vector.broadcast %and3A_993 : i32 to vector<16xi32>
    %add3A_995 = arith.constant 4 : i32
    %add3A_996 = arith.addi %mul3A_727, %add3A_995 : i32
    %mul3A_997 = arith.constant 32 : i32
    %mul3A_998 = arith.muli %add3A_996, %mul3A_997 : i32
    %broadcast_in_dim3A_999 = vector.broadcast %mul3A_998 : i32 to vector<16xi32>
    %add3A_1000 = arith.constant 0 : i32
    %add3A_1001 = vector.broadcast %add3A_1000 : i32 to vector<16xi32>
    %add3A_1002 = arith.addi %iota3A, %add3A_1001 : vector<16xi32>
    %add3A_1003 = arith.addi %broadcast_in_dim3A_999, %add3A_1002 : vector<16xi32>
    %gather3A_1004 = tpu.vector_load_idx %arg6[%add3A_1003, %broadcast_in_dim3A_994] : memref<768x128xf32, #tpu.memory_space<vmem>>[vector<16xi32>, vector<16xi32>], vector<16xf32>,
    %mul3A_1005 = arith.constant 512 : i32
    %mul3A_1006 = vector.broadcast %mul3A_1005 : i32 to vector<16xi32>
    %mul3A_1007 = arith.muli %add3A_1002, %mul3A_1006 : vector<16xi32>
    %add3A_1008 = vector.broadcast %add3A_989 : i32 to vector<16xi32>
    %add3A_1009 = arith.addi %mul3A_1007, %add3A_1008 : vector<16xi32>
    tpu.vector_store_idx %arg7[%add3A_1009], %gather3A_1004 : memref<16384xf32, #tpu.memory_space<vmem>>[vector<16xi32>], vector<16xf32>,
    %add3A_1010 = arith.constant 16 : i32
    %add3A_1011 = vector.broadcast %add3A_1010 : i32 to vector<16xi32>
    %add3A_1012 = arith.addi %iota3A, %add3A_1011 : vector<16xi32>
    %add3A_1013 = arith.addi %broadcast_in_dim3A_999, %add3A_1012 : vector<16xi32>
    %gather3A_1014 = tpu.vector_load_idx %arg6[%add3A_1013, %broadcast_in_dim3A_994] : memref<768x128xf32, #tpu.memory_space<vmem>>[vector<16xi32>, vector<16xi32>], vector<16xf32>,
    %mul3A_1015 = arith.constant 512 : i32
    %mul3A_1016 = vector.broadcast %mul3A_1015 : i32 to vector<16xi32>
    %mul3A_1017 = arith.muli %add3A_1012, %mul3A_1016 : vector<16xi32>
    %add3A_1018 = vector.broadcast %add3A_989 : i32 to vector<16xi32>
    %add3A_1019 = arith.addi %mul3A_1017, %add3A_1018 : vector<16xi32>
    tpu.vector_store_idx %arg7[%add3A_1019], %gather3A_1014 : memref<16384xf32, #tpu.memory_space<vmem>>[vector<16xi32>], vector<16xf32>,
    %mul3A_1020 = arith.constant 63 : i32
    %mul3A_1021 = arith.constant 8 : i32
    %mul3A_1022 = arith.muli %mul3A_1020, %mul3A_1021 : i32
    %add3A_1023 = arith.constant 5 : i32
    %add3A_1024 = arith.addi %mul3A_1022, %add3A_1023 : i32
    %slice3A_1025 = vector.extract_strided_slice %get3A_844 {offsets = [5], sizes = [1], strides = [1]} : vector<16xi32> to vector<1xi32>
    %squeeze3A_1026 = vector.extract %slice3A_1025[0] : i32 from vector<1xi32>
    %and3A_1027 = arith.constant 127 : i32
    %and3A_1028 = arith.andi %squeeze3A_1026, %and3A_1027 : i32
    %broadcast_in_dim3A_1029 = vector.broadcast %and3A_1028 : i32 to vector<16xi32>
    %add3A_1030 = arith.constant 5 : i32
    %add3A_1031 = arith.addi %mul3A_727, %add3A_1030 : i32
    %mul3A_1032 = arith.constant 32 : i32
    %mul3A_1033 = arith.muli %add3A_1031, %mul3A_1032 : i32
    %broadcast_in_dim3A_1034 = vector.broadcast %mul3A_1033 : i32 to vector<16xi32>
    %add3A_1035 = arith.constant 0 : i32
    %add3A_1036 = vector.broadcast %add3A_1035 : i32 to vector<16xi32>
    %add3A_1037 = arith.addi %iota3A, %add3A_1036 : vector<16xi32>
    %add3A_1038 = arith.addi %broadcast_in_dim3A_1034, %add3A_1037 : vector<16xi32>
    %gather3A_1039 = tpu.vector_load_idx %arg6[%add3A_1038, %broadcast_in_dim3A_1029] : memref<768x128xf32, #tpu.memory_space<vmem>>[vector<16xi32>, vector<16xi32>], vector<16xf32>,
    %mul3A_1040 = arith.constant 512 : i32
    %mul3A_1041 = vector.broadcast %mul3A_1040 : i32 to vector<16xi32>
    %mul3A_1042 = arith.muli %add3A_1037, %mul3A_1041 : vector<16xi32>
    %add3A_1043 = vector.broadcast %add3A_1024 : i32 to vector<16xi32>
    %add3A_1044 = arith.addi %mul3A_1042, %add3A_1043 : vector<16xi32>
    tpu.vector_store_idx %arg7[%add3A_1044], %gather3A_1039 : memref<16384xf32, #tpu.memory_space<vmem>>[vector<16xi32>], vector<16xf32>,
    %add3A_1045 = arith.constant 16 : i32
    %add3A_1046 = vector.broadcast %add3A_1045 : i32 to vector<16xi32>
    %add3A_1047 = arith.addi %iota3A, %add3A_1046 : vector<16xi32>
    %add3A_1048 = arith.addi %broadcast_in_dim3A_1034, %add3A_1047 : vector<16xi32>
    %gather3A_1049 = tpu.vector_load_idx %arg6[%add3A_1048, %broadcast_in_dim3A_1029] : memref<768x128xf32, #tpu.memory_space<vmem>>[vector<16xi32>, vector<16xi32>], vector<16xf32>,
    %mul3A_1050 = arith.constant 512 : i32
    %mul3A_1051 = vector.broadcast %mul3A_1050 : i32 to vector<16xi32>
    %mul3A_1052 = arith.muli %add3A_1047, %mul3A_1051 : vector<16xi32>
    %add3A_1053 = vector.broadcast %add3A_1024 : i32 to vector<16xi32>
    %add3A_1054 = arith.addi %mul3A_1052, %add3A_1053 : vector<16xi32>
    tpu.vector_store_idx %arg7[%add3A_1054], %gather3A_1049 : memref<16384xf32, #tpu.memory_space<vmem>>[vector<16xi32>], vector<16xf32>,
    %mul3A_1055 = arith.constant 63 : i32
    %mul3A_1056 = arith.constant 8 : i32
    %mul3A_1057 = arith.muli %mul3A_1055, %mul3A_1056 : i32
    %add3A_1058 = arith.constant 6 : i32
    %add3A_1059 = arith.addi %mul3A_1057, %add3A_1058 : i32
    %slice3A_1060 = vector.extract_strided_slice %get3A_844 {offsets = [6], sizes = [1], strides = [1]} : vector<16xi32> to vector<1xi32>
    %squeeze3A_1061 = vector.extract %slice3A_1060[0] : i32 from vector<1xi32>
    %and3A_1062 = arith.constant 127 : i32
    %and3A_1063 = arith.andi %squeeze3A_1061, %and3A_1062 : i32
    %broadcast_in_dim3A_1064 = vector.broadcast %and3A_1063 : i32 to vector<16xi32>
    %add3A_1065 = arith.constant 6 : i32
    %add3A_1066 = arith.addi %mul3A_727, %add3A_1065 : i32
    %mul3A_1067 = arith.constant 32 : i32
    %mul3A_1068 = arith.muli %add3A_1066, %mul3A_1067 : i32
    %broadcast_in_dim3A_1069 = vector.broadcast %mul3A_1068 : i32 to vector<16xi32>
    %add3A_1070 = arith.constant 0 : i32
    %add3A_1071 = vector.broadcast %add3A_1070 : i32 to vector<16xi32>
    %add3A_1072 = arith.addi %iota3A, %add3A_1071 : vector<16xi32>
    %add3A_1073 = arith.addi %broadcast_in_dim3A_1069, %add3A_1072 : vector<16xi32>
    %gather3A_1074 = tpu.vector_load_idx %arg6[%add3A_1073, %broadcast_in_dim3A_1064] : memref<768x128xf32, #tpu.memory_space<vmem>>[vector<16xi32>, vector<16xi32>], vector<16xf32>,
    %mul3A_1075 = arith.constant 512 : i32
    %mul3A_1076 = vector.broadcast %mul3A_1075 : i32 to vector<16xi32>
    %mul3A_1077 = arith.muli %add3A_1072, %mul3A_1076 : vector<16xi32>
    %add3A_1078 = vector.broadcast %add3A_1059 : i32 to vector<16xi32>
    %add3A_1079 = arith.addi %mul3A_1077, %add3A_1078 : vector<16xi32>
    tpu.vector_store_idx %arg7[%add3A_1079], %gather3A_1074 : memref<16384xf32, #tpu.memory_space<vmem>>[vector<16xi32>], vector<16xf32>,
    %add3A_1080 = arith.constant 16 : i32
    %add3A_1081 = vector.broadcast %add3A_1080 : i32 to vector<16xi32>
    %add3A_1082 = arith.addi %iota3A, %add3A_1081 : vector<16xi32>
    %add3A_1083 = arith.addi %broadcast_in_dim3A_1069, %add3A_1082 : vector<16xi32>
    %gather3A_1084 = tpu.vector_load_idx %arg6[%add3A_1083, %broadcast_in_dim3A_1064] : memref<768x128xf32, #tpu.memory_space<vmem>>[vector<16xi32>, vector<16xi32>], vector<16xf32>,
    %mul3A_1085 = arith.constant 512 : i32
    %mul3A_1086 = vector.broadcast %mul3A_1085 : i32 to vector<16xi32>
    %mul3A_1087 = arith.muli %add3A_1082, %mul3A_1086 : vector<16xi32>
    %add3A_1088 = vector.broadcast %add3A_1059 : i32 to vector<16xi32>
    %add3A_1089 = arith.addi %mul3A_1087, %add3A_1088 : vector<16xi32>
    tpu.vector_store_idx %arg7[%add3A_1089], %gather3A_1084 : memref<16384xf32, #tpu.memory_space<vmem>>[vector<16xi32>], vector<16xf32>,
    %mul3A_1090 = arith.constant 63 : i32
    %mul3A_1091 = arith.constant 8 : i32
    %mul3A_1092 = arith.muli %mul3A_1090, %mul3A_1091 : i32
    %add3A_1093 = arith.constant 7 : i32
    %add3A_1094 = arith.addi %mul3A_1092, %add3A_1093 : i32
    %slice3A_1095 = vector.extract_strided_slice %get3A_844 {offsets = [7], sizes = [1], strides = [1]} : vector<16xi32> to vector<1xi32>
    %squeeze3A_1096 = vector.extract %slice3A_1095[0] : i32 from vector<1xi32>
    %and3A_1097 = arith.constant 127 : i32
    %and3A_1098 = arith.andi %squeeze3A_1096, %and3A_1097 : i32
    %broadcast_in_dim3A_1099 = vector.broadcast %and3A_1098 : i32 to vector<16xi32>
    %add3A_1100 = arith.constant 7 : i32
    %add3A_1101 = arith.addi %mul3A_727, %add3A_1100 : i32
    %mul3A_1102 = arith.constant 32 : i32
    %mul3A_1103 = arith.muli %add3A_1101, %mul3A_1102 : i32
    %broadcast_in_dim3A_1104 = vector.broadcast %mul3A_1103 : i32 to vector<16xi32>
    %add3A_1105 = arith.constant 0 : i32
    %add3A_1106 = vector.broadcast %add3A_1105 : i32 to vector<16xi32>
    %add3A_1107 = arith.addi %iota3A, %add3A_1106 : vector<16xi32>
    %add3A_1108 = arith.addi %broadcast_in_dim3A_1104, %add3A_1107 : vector<16xi32>
    %gather3A_1109 = tpu.vector_load_idx %arg6[%add3A_1108, %broadcast_in_dim3A_1099] : memref<768x128xf32, #tpu.memory_space<vmem>>[vector<16xi32>, vector<16xi32>], vector<16xf32>,
    %mul3A_1110 = arith.constant 512 : i32
    %mul3A_1111 = vector.broadcast %mul3A_1110 : i32 to vector<16xi32>
    %mul3A_1112 = arith.muli %add3A_1107, %mul3A_1111 : vector<16xi32>
    %add3A_1113 = vector.broadcast %add3A_1094 : i32 to vector<16xi32>
    %add3A_1114 = arith.addi %mul3A_1112, %add3A_1113 : vector<16xi32>
    tpu.vector_store_idx %arg7[%add3A_1114], %gather3A_1109 : memref<16384xf32, #tpu.memory_space<vmem>>[vector<16xi32>], vector<16xf32>,
    %add3A_1115 = arith.constant 16 : i32
    %add3A_1116 = vector.broadcast %add3A_1115 : i32 to vector<16xi32>
    %add3A_1117 = arith.addi %iota3A, %add3A_1116 : vector<16xi32>
    %add3A_1118 = arith.addi %broadcast_in_dim3A_1104, %add3A_1117 : vector<16xi32>
    %gather3A_1119 = tpu.vector_load_idx %arg6[%add3A_1118, %broadcast_in_dim3A_1099] : memref<768x128xf32, #tpu.memory_space<vmem>>[vector<16xi32>, vector<16xi32>], vector<16xf32>,
    %mul3A_1120 = arith.constant 512 : i32
    %mul3A_1121 = vector.broadcast %mul3A_1120 : i32 to vector<16xi32>
    %mul3A_1122 = arith.muli %add3A_1117, %mul3A_1121 : vector<16xi32>
    %add3A_1123 = vector.broadcast %add3A_1094 : i32 to vector<16xi32>
    %add3A_1124 = arith.addi %mul3A_1122, %add3A_1123 : vector<16xi32>
    tpu.vector_store_idx %arg7[%add3A_1124], %gather3A_1119 : memref<16384xf32, #tpu.memory_space<vmem>>[vector<16xi32>], vector<16xf32>,
    %add3A_1125 = arith.constant 0 : i32
    %add3A_1126 = arith.addi %add3A_1125, %mul3A_2 : i32
    "tpu.region"() ({
      %run_scoped3A = tpu.sem_alloc : memref<!tpu.dma_semaphore, #tpu.memory_space<semaphore_mem>>
      %dma_start3A_1189 = arith.constant 0 : i32
      %dma_start3A_1190 = tpu.memref_slice %arg7[%dma_start3A_1189] : memref<16384xf32, #tpu.memory_space<vmem>> -> memref<512xf32, #tpu.memory_space<vmem>>
      %dma_start3A_1191 = tpu.memref_slice %arg4[%add3A_1126] : memref<524288xf32, #tpu.memory_space<hbm>> -> memref<512xf32, #tpu.memory_space<hbm>>
      %dma_start3A_1192 = tpu.memref_slice %arg4[%add3A_1126] : memref<524288xf32, #tpu.memory_space<hbm>> -> memref<512xf32, #tpu.memory_space<hbm>>
      %dma_start3A_1193 = arith.constant 0 : i32
      %dma_start3A_1194 = tpu.memref_slice %arg7[%dma_start3A_1193] : memref<16384xf32, #tpu.memory_space<vmem>> -> memref<512xf32, #tpu.memory_space<vmem>>
      tpu.enqueue_dma source(%dma_start3A_1194 : memref<512xf32, #tpu.memory_space<vmem>>) target(%dma_start3A_1192 : memref<512xf32, #tpu.memory_space<hbm>>) target_semaphore(%run_scoped3A : memref<!tpu.dma_semaphore, #tpu.memory_space<semaphore_mem>>)
      %dma_wait3A_1195 = arith.constant 0 : i32
      %dma_wait3A_1196 = tpu.memref_slice %arg7[%dma_wait3A_1195] : memref<16384xf32, #tpu.memory_space<vmem>> -> memref<512xf32, #tpu.memory_space<vmem>>
      %dma_wait3A_1197 = tpu.memref_slice %arg4[%add3A_1126] : memref<524288xf32, #tpu.memory_space<hbm>> -> memref<512xf32, #tpu.memory_space<hbm>>
      %dma_wait3A_1198 = tpu.memref_slice %arg4[%add3A_1126] : memref<524288xf32, #tpu.memory_space<hbm>> -> memref<512xf32, #tpu.memory_space<hbm>>
      %dma_wait3A_1199 = arith.constant 0 : i32
      %dma_wait3A_1200 = tpu.memref_slice %arg7[%dma_wait3A_1199] : memref<16384xf32, #tpu.memory_space<vmem>> -> memref<512xf32, #tpu.memory_space<vmem>>
      tpu.wait_dma2 semaphore(%run_scoped3A : memref<!tpu.dma_semaphore, #tpu.memory_space<semaphore_mem>>) src(%dma_wait3A_1200 : memref<512xf32, #tpu.memory_space<vmem>>) dst(%dma_wait3A_1198 : memref<512xf32, #tpu.memory_space<hbm>>)
      tpu.yield
    }) : () -> ()
    %add3A_1127 = arith.constant 16384 : i32
    %add3A_1128 = arith.addi %add3A_1127, %mul3A_2 : i32
    "tpu.region"() ({
      %run_scoped3A = tpu.sem_alloc : memref<!tpu.dma_semaphore, #tpu.memory_space<semaphore_mem>>
      %dma_start3A_1189 = arith.constant 512 : i32
      %dma_start3A_1190 = tpu.memref_slice %arg7[%dma_start3A_1189] : memref<16384xf32, #tpu.memory_space<vmem>> -> memref<512xf32, #tpu.memory_space<vmem>>
      %dma_start3A_1191 = tpu.memref_slice %arg4[%add3A_1128] : memref<524288xf32, #tpu.memory_space<hbm>> -> memref<512xf32, #tpu.memory_space<hbm>>
      %dma_start3A_1192 = tpu.memref_slice %arg4[%add3A_1128] : memref<524288xf32, #tpu.memory_space<hbm>> -> memref<512xf32, #tpu.memory_space<hbm>>
      %dma_start3A_1193 = arith.constant 512 : i32
      %dma_start3A_1194 = tpu.memref_slice %arg7[%dma_start3A_1193] : memref<16384xf32, #tpu.memory_space<vmem>> -> memref<512xf32, #tpu.memory_space<vmem>>
      tpu.enqueue_dma source(%dma_start3A_1194 : memref<512xf32, #tpu.memory_space<vmem>>) target(%dma_start3A_1192 : memref<512xf32, #tpu.memory_space<hbm>>) target_semaphore(%run_scoped3A : memref<!tpu.dma_semaphore, #tpu.memory_space<semaphore_mem>>)
      %dma_wait3A_1195 = arith.constant 512 : i32
      %dma_wait3A_1196 = tpu.memref_slice %arg7[%dma_wait3A_1195] : memref<16384xf32, #tpu.memory_space<vmem>> -> memref<512xf32, #tpu.memory_space<vmem>>
      %dma_wait3A_1197 = tpu.memref_slice %arg4[%add3A_1128] : memref<524288xf32, #tpu.memory_space<hbm>> -> memref<512xf32, #tpu.memory_space<hbm>>
      %dma_wait3A_1198 = tpu.memref_slice %arg4[%add3A_1128] : memref<524288xf32, #tpu.memory_space<hbm>> -> memref<512xf32, #tpu.memory_space<hbm>>
      %dma_wait3A_1199 = arith.constant 512 : i32
      %dma_wait3A_1200 = tpu.memref_slice %arg7[%dma_wait3A_1199] : memref<16384xf32, #tpu.memory_space<vmem>> -> memref<512xf32, #tpu.memory_space<vmem>>
      tpu.wait_dma2 semaphore(%run_scoped3A : memref<!tpu.dma_semaphore, #tpu.memory_space<semaphore_mem>>) src(%dma_wait3A_1200 : memref<512xf32, #tpu.memory_space<vmem>>) dst(%dma_wait3A_1198 : memref<512xf32, #tpu.memory_space<hbm>>)
      tpu.yield
    }) : () -> ()
    %add3A_1129 = arith.constant 32768 : i32
    %add3A_1130 = arith.addi %add3A_1129, %mul3A_2 : i32
    "tpu.region"() ({
      %run_scoped3A = tpu.sem_alloc : memref<!tpu.dma_semaphore, #tpu.memory_space<semaphore_mem>>
      %dma_start3A_1189 = arith.constant 1024 : i32
      %dma_start3A_1190 = tpu.memref_slice %arg7[%dma_start3A_1189] : memref<16384xf32, #tpu.memory_space<vmem>> -> memref<512xf32, #tpu.memory_space<vmem>>
      %dma_start3A_1191 = tpu.memref_slice %arg4[%add3A_1130] : memref<524288xf32, #tpu.memory_space<hbm>> -> memref<512xf32, #tpu.memory_space<hbm>>
      %dma_start3A_1192 = tpu.memref_slice %arg4[%add3A_1130] : memref<524288xf32, #tpu.memory_space<hbm>> -> memref<512xf32, #tpu.memory_space<hbm>>
      %dma_start3A_1193 = arith.constant 1024 : i32
      %dma_start3A_1194 = tpu.memref_slice %arg7[%dma_start3A_1193] : memref<16384xf32, #tpu.memory_space<vmem>> -> memref<512xf32, #tpu.memory_space<vmem>>
      tpu.enqueue_dma source(%dma_start3A_1194 : memref<512xf32, #tpu.memory_space<vmem>>) target(%dma_start3A_1192 : memref<512xf32, #tpu.memory_space<hbm>>) target_semaphore(%run_scoped3A : memref<!tpu.dma_semaphore, #tpu.memory_space<semaphore_mem>>)
      %dma_wait3A_1195 = arith.constant 1024 : i32
      %dma_wait3A_1196 = tpu.memref_slice %arg7[%dma_wait3A_1195] : memref<16384xf32, #tpu.memory_space<vmem>> -> memref<512xf32, #tpu.memory_space<vmem>>
      %dma_wait3A_1197 = tpu.memref_slice %arg4[%add3A_1130] : memref<524288xf32, #tpu.memory_space<hbm>> -> memref<512xf32, #tpu.memory_space<hbm>>
      %dma_wait3A_1198 = tpu.memref_slice %arg4[%add3A_1130] : memref<524288xf32, #tpu.memory_space<hbm>> -> memref<512xf32, #tpu.memory_space<hbm>>
      %dma_wait3A_1199 = arith.constant 1024 : i32
      %dma_wait3A_1200 = tpu.memref_slice %arg7[%dma_wait3A_1199] : memref<16384xf32, #tpu.memory_space<vmem>> -> memref<512xf32, #tpu.memory_space<vmem>>
      tpu.wait_dma2 semaphore(%run_scoped3A : memref<!tpu.dma_semaphore, #tpu.memory_space<semaphore_mem>>) src(%dma_wait3A_1200 : memref<512xf32, #tpu.memory_space<vmem>>) dst(%dma_wait3A_1198 : memref<512xf32, #tpu.memory_space<hbm>>)
      tpu.yield
    }) : () -> ()
    %add3A_1131 = arith.constant 49152 : i32
    %add3A_1132 = arith.addi %add3A_1131, %mul3A_2 : i32
    "tpu.region"() ({
      %run_scoped3A = tpu.sem_alloc : memref<!tpu.dma_semaphore, #tpu.memory_space<semaphore_mem>>
      %dma_start3A_1189 = arith.constant 1536 : i32
      %dma_start3A_1190 = tpu.memref_slice %arg7[%dma_start3A_1189] : memref<16384xf32, #tpu.memory_space<vmem>> -> memref<512xf32, #tpu.memory_space<vmem>>
      %dma_start3A_1191 = tpu.memref_slice %arg4[%add3A_1132] : memref<524288xf32, #tpu.memory_space<hbm>> -> memref<512xf32, #tpu.memory_space<hbm>>
      %dma_start3A_1192 = tpu.memref_slice %arg4[%add3A_1132] : memref<524288xf32, #tpu.memory_space<hbm>> -> memref<512xf32, #tpu.memory_space<hbm>>
      %dma_start3A_1193 = arith.constant 1536 : i32
      %dma_start3A_1194 = tpu.memref_slice %arg7[%dma_start3A_1193] : memref<16384xf32, #tpu.memory_space<vmem>> -> memref<512xf32, #tpu.memory_space<vmem>>
      tpu.enqueue_dma source(%dma_start3A_1194 : memref<512xf32, #tpu.memory_space<vmem>>) target(%dma_start3A_1192 : memref<512xf32, #tpu.memory_space<hbm>>) target_semaphore(%run_scoped3A : memref<!tpu.dma_semaphore, #tpu.memory_space<semaphore_mem>>)
      %dma_wait3A_1195 = arith.constant 1536 : i32
      %dma_wait3A_1196 = tpu.memref_slice %arg7[%dma_wait3A_1195] : memref<16384xf32, #tpu.memory_space<vmem>> -> memref<512xf32, #tpu.memory_space<vmem>>
      %dma_wait3A_1197 = tpu.memref_slice %arg4[%add3A_1132] : memref<524288xf32, #tpu.memory_space<hbm>> -> memref<512xf32, #tpu.memory_space<hbm>>
      %dma_wait3A_1198 = tpu.memref_slice %arg4[%add3A_1132] : memref<524288xf32, #tpu.memory_space<hbm>> -> memref<512xf32, #tpu.memory_space<hbm>>
      %dma_wait3A_1199 = arith.constant 1536 : i32
      %dma_wait3A_1200 = tpu.memref_slice %arg7[%dma_wait3A_1199] : memref<16384xf32, #tpu.memory_space<vmem>> -> memref<512xf32, #tpu.memory_space<vmem>>
      tpu.wait_dma2 semaphore(%run_scoped3A : memref<!tpu.dma_semaphore, #tpu.memory_space<semaphore_mem>>) src(%dma_wait3A_1200 : memref<512xf32, #tpu.memory_space<vmem>>) dst(%dma_wait3A_1198 : memref<512xf32, #tpu.memory_space<hbm>>)
      tpu.yield
    }) : () -> ()
    %add3A_1133 = arith.constant 65536 : i32
    %add3A_1134 = arith.addi %add3A_1133, %mul3A_2 : i32
    "tpu.region"() ({
      %run_scoped3A = tpu.sem_alloc : memref<!tpu.dma_semaphore, #tpu.memory_space<semaphore_mem>>
      %dma_start3A_1189 = arith.constant 2048 : i32
      %dma_start3A_1190 = tpu.memref_slice %arg7[%dma_start3A_1189] : memref<16384xf32, #tpu.memory_space<vmem>> -> memref<512xf32, #tpu.memory_space<vmem>>
      %dma_start3A_1191 = tpu.memref_slice %arg4[%add3A_1134] : memref<524288xf32, #tpu.memory_space<hbm>> -> memref<512xf32, #tpu.memory_space<hbm>>
      %dma_start3A_1192 = tpu.memref_slice %arg4[%add3A_1134] : memref<524288xf32, #tpu.memory_space<hbm>> -> memref<512xf32, #tpu.memory_space<hbm>>
      %dma_start3A_1193 = arith.constant 2048 : i32
      %dma_start3A_1194 = tpu.memref_slice %arg7[%dma_start3A_1193] : memref<16384xf32, #tpu.memory_space<vmem>> -> memref<512xf32, #tpu.memory_space<vmem>>
      tpu.enqueue_dma source(%dma_start3A_1194 : memref<512xf32, #tpu.memory_space<vmem>>) target(%dma_start3A_1192 : memref<512xf32, #tpu.memory_space<hbm>>) target_semaphore(%run_scoped3A : memref<!tpu.dma_semaphore, #tpu.memory_space<semaphore_mem>>)
      %dma_wait3A_1195 = arith.constant 2048 : i32
      %dma_wait3A_1196 = tpu.memref_slice %arg7[%dma_wait3A_1195] : memref<16384xf32, #tpu.memory_space<vmem>> -> memref<512xf32, #tpu.memory_space<vmem>>
      %dma_wait3A_1197 = tpu.memref_slice %arg4[%add3A_1134] : memref<524288xf32, #tpu.memory_space<hbm>> -> memref<512xf32, #tpu.memory_space<hbm>>
      %dma_wait3A_1198 = tpu.memref_slice %arg4[%add3A_1134] : memref<524288xf32, #tpu.memory_space<hbm>> -> memref<512xf32, #tpu.memory_space<hbm>>
      %dma_wait3A_1199 = arith.constant 2048 : i32
      %dma_wait3A_1200 = tpu.memref_slice %arg7[%dma_wait3A_1199] : memref<16384xf32, #tpu.memory_space<vmem>> -> memref<512xf32, #tpu.memory_space<vmem>>
      tpu.wait_dma2 semaphore(%run_scoped3A : memref<!tpu.dma_semaphore, #tpu.memory_space<semaphore_mem>>) src(%dma_wait3A_1200 : memref<512xf32, #tpu.memory_space<vmem>>) dst(%dma_wait3A_1198 : memref<512xf32, #tpu.memory_space<hbm>>)
      tpu.yield
    }) : () -> ()
    %add3A_1135 = arith.constant 81920 : i32
    %add3A_1136 = arith.addi %add3A_1135, %mul3A_2 : i32
    "tpu.region"() ({
      %run_scoped3A = tpu.sem_alloc : memref<!tpu.dma_semaphore, #tpu.memory_space<semaphore_mem>>
      %dma_start3A_1189 = arith.constant 2560 : i32
      %dma_start3A_1190 = tpu.memref_slice %arg7[%dma_start3A_1189] : memref<16384xf32, #tpu.memory_space<vmem>> -> memref<512xf32, #tpu.memory_space<vmem>>
      %dma_start3A_1191 = tpu.memref_slice %arg4[%add3A_1136] : memref<524288xf32, #tpu.memory_space<hbm>> -> memref<512xf32, #tpu.memory_space<hbm>>
      %dma_start3A_1192 = tpu.memref_slice %arg4[%add3A_1136] : memref<524288xf32, #tpu.memory_space<hbm>> -> memref<512xf32, #tpu.memory_space<hbm>>
      %dma_start3A_1193 = arith.constant 2560 : i32
      %dma_start3A_1194 = tpu.memref_slice %arg7[%dma_start3A_1193] : memref<16384xf32, #tpu.memory_space<vmem>> -> memref<512xf32, #tpu.memory_space<vmem>>
      tpu.enqueue_dma source(%dma_start3A_1194 : memref<512xf32, #tpu.memory_space<vmem>>) target(%dma_start3A_1192 : memref<512xf32, #tpu.memory_space<hbm>>) target_semaphore(%run_scoped3A : memref<!tpu.dma_semaphore, #tpu.memory_space<semaphore_mem>>)
      %dma_wait3A_1195 = arith.constant 2560 : i32
      %dma_wait3A_1196 = tpu.memref_slice %arg7[%dma_wait3A_1195] : memref<16384xf32, #tpu.memory_space<vmem>> -> memref<512xf32, #tpu.memory_space<vmem>>
      %dma_wait3A_1197 = tpu.memref_slice %arg4[%add3A_1136] : memref<524288xf32, #tpu.memory_space<hbm>> -> memref<512xf32, #tpu.memory_space<hbm>>
      %dma_wait3A_1198 = tpu.memref_slice %arg4[%add3A_1136] : memref<524288xf32, #tpu.memory_space<hbm>> -> memref<512xf32, #tpu.memory_space<hbm>>
      %dma_wait3A_1199 = arith.constant 2560 : i32
      %dma_wait3A_1200 = tpu.memref_slice %arg7[%dma_wait3A_1199] : memref<16384xf32, #tpu.memory_space<vmem>> -> memref<512xf32, #tpu.memory_space<vmem>>
      tpu.wait_dma2 semaphore(%run_scoped3A : memref<!tpu.dma_semaphore, #tpu.memory_space<semaphore_mem>>) src(%dma_wait3A_1200 : memref<512xf32, #tpu.memory_space<vmem>>) dst(%dma_wait3A_1198 : memref<512xf32, #tpu.memory_space<hbm>>)
      tpu.yield
    }) : () -> ()
    %add3A_1137 = arith.constant 98304 : i32
    %add3A_1138 = arith.addi %add3A_1137, %mul3A_2 : i32
    "tpu.region"() ({
      %run_scoped3A = tpu.sem_alloc : memref<!tpu.dma_semaphore, #tpu.memory_space<semaphore_mem>>
      %dma_start3A_1189 = arith.constant 3072 : i32
      %dma_start3A_1190 = tpu.memref_slice %arg7[%dma_start3A_1189] : memref<16384xf32, #tpu.memory_space<vmem>> -> memref<512xf32, #tpu.memory_space<vmem>>
      %dma_start3A_1191 = tpu.memref_slice %arg4[%add3A_1138] : memref<524288xf32, #tpu.memory_space<hbm>> -> memref<512xf32, #tpu.memory_space<hbm>>
      %dma_start3A_1192 = tpu.memref_slice %arg4[%add3A_1138] : memref<524288xf32, #tpu.memory_space<hbm>> -> memref<512xf32, #tpu.memory_space<hbm>>
      %dma_start3A_1193 = arith.constant 3072 : i32
      %dma_start3A_1194 = tpu.memref_slice %arg7[%dma_start3A_1193] : memref<16384xf32, #tpu.memory_space<vmem>> -> memref<512xf32, #tpu.memory_space<vmem>>
      tpu.enqueue_dma source(%dma_start3A_1194 : memref<512xf32, #tpu.memory_space<vmem>>) target(%dma_start3A_1192 : memref<512xf32, #tpu.memory_space<hbm>>) target_semaphore(%run_scoped3A : memref<!tpu.dma_semaphore, #tpu.memory_space<semaphore_mem>>)
      %dma_wait3A_1195 = arith.constant 3072 : i32
      %dma_wait3A_1196 = tpu.memref_slice %arg7[%dma_wait3A_1195] : memref<16384xf32, #tpu.memory_space<vmem>> -> memref<512xf32, #tpu.memory_space<vmem>>
      %dma_wait3A_1197 = tpu.memref_slice %arg4[%add3A_1138] : memref<524288xf32, #tpu.memory_space<hbm>> -> memref<512xf32, #tpu.memory_space<hbm>>
      %dma_wait3A_1198 = tpu.memref_slice %arg4[%add3A_1138] : memref<524288xf32, #tpu.memory_space<hbm>> -> memref<512xf32, #tpu.memory_space<hbm>>
      %dma_wait3A_1199 = arith.constant 3072 : i32
      %dma_wait3A_1200 = tpu.memref_slice %arg7[%dma_wait3A_1199] : memref<16384xf32, #tpu.memory_space<vmem>> -> memref<512xf32, #tpu.memory_space<vmem>>
      tpu.wait_dma2 semaphore(%run_scoped3A : memref<!tpu.dma_semaphore, #tpu.memory_space<semaphore_mem>>) src(%dma_wait3A_1200 : memref<512xf32, #tpu.memory_space<vmem>>) dst(%dma_wait3A_1198 : memref<512xf32, #tpu.memory_space<hbm>>)
      tpu.yield
    }) : () -> ()
    %add3A_1139 = arith.constant 114688 : i32
    %add3A_1140 = arith.addi %add3A_1139, %mul3A_2 : i32
    "tpu.region"() ({
      %run_scoped3A = tpu.sem_alloc : memref<!tpu.dma_semaphore, #tpu.memory_space<semaphore_mem>>
      %dma_start3A_1189 = arith.constant 3584 : i32
      %dma_start3A_1190 = tpu.memref_slice %arg7[%dma_start3A_1189] : memref<16384xf32, #tpu.memory_space<vmem>> -> memref<512xf32, #tpu.memory_space<vmem>>
      %dma_start3A_1191 = tpu.memref_slice %arg4[%add3A_1140] : memref<524288xf32, #tpu.memory_space<hbm>> -> memref<512xf32, #tpu.memory_space<hbm>>
      %dma_start3A_1192 = tpu.memref_slice %arg4[%add3A_1140] : memref<524288xf32, #tpu.memory_space<hbm>> -> memref<512xf32, #tpu.memory_space<hbm>>
      %dma_start3A_1193 = arith.constant 3584 : i32
      %dma_start3A_1194 = tpu.memref_slice %arg7[%dma_start3A_1193] : memref<16384xf32, #tpu.memory_space<vmem>> -> memref<512xf32, #tpu.memory_space<vmem>>
      tpu.enqueue_dma source(%dma_start3A_1194 : memref<512xf32, #tpu.memory_space<vmem>>) target(%dma_start3A_1192 : memref<512xf32, #tpu.memory_space<hbm>>) target_semaphore(%run_scoped3A : memref<!tpu.dma_semaphore, #tpu.memory_space<semaphore_mem>>)
      %dma_wait3A_1195 = arith.constant 3584 : i32
      %dma_wait3A_1196 = tpu.memref_slice %arg7[%dma_wait3A_1195] : memref<16384xf32, #tpu.memory_space<vmem>> -> memref<512xf32, #tpu.memory_space<vmem>>
      %dma_wait3A_1197 = tpu.memref_slice %arg4[%add3A_1140] : memref<524288xf32, #tpu.memory_space<hbm>> -> memref<512xf32, #tpu.memory_space<hbm>>
      %dma_wait3A_1198 = tpu.memref_slice %arg4[%add3A_1140] : memref<524288xf32, #tpu.memory_space<hbm>> -> memref<512xf32, #tpu.memory_space<hbm>>
      %dma_wait3A_1199 = arith.constant 3584 : i32
      %dma_wait3A_1200 = tpu.memref_slice %arg7[%dma_wait3A_1199] : memref<16384xf32, #tpu.memory_space<vmem>> -> memref<512xf32, #tpu.memory_space<vmem>>
      tpu.wait_dma2 semaphore(%run_scoped3A : memref<!tpu.dma_semaphore, #tpu.memory_space<semaphore_mem>>) src(%dma_wait3A_1200 : memref<512xf32, #tpu.memory_space<vmem>>) dst(%dma_wait3A_1198 : memref<512xf32, #tpu.memory_space<hbm>>)
      tpu.yield
    }) : () -> ()
    %add3A_1141 = arith.constant 131072 : i32
    %add3A_1142 = arith.addi %add3A_1141, %mul3A_2 : i32
    "tpu.region"() ({
      %run_scoped3A = tpu.sem_alloc : memref<!tpu.dma_semaphore, #tpu.memory_space<semaphore_mem>>
      %dma_start3A_1189 = arith.constant 4096 : i32
      %dma_start3A_1190 = tpu.memref_slice %arg7[%dma_start3A_1189] : memref<16384xf32, #tpu.memory_space<vmem>> -> memref<512xf32, #tpu.memory_space<vmem>>
      %dma_start3A_1191 = tpu.memref_slice %arg4[%add3A_1142] : memref<524288xf32, #tpu.memory_space<hbm>> -> memref<512xf32, #tpu.memory_space<hbm>>
      %dma_start3A_1192 = tpu.memref_slice %arg4[%add3A_1142] : memref<524288xf32, #tpu.memory_space<hbm>> -> memref<512xf32, #tpu.memory_space<hbm>>
      %dma_start3A_1193 = arith.constant 4096 : i32
      %dma_start3A_1194 = tpu.memref_slice %arg7[%dma_start3A_1193] : memref<16384xf32, #tpu.memory_space<vmem>> -> memref<512xf32, #tpu.memory_space<vmem>>
      tpu.enqueue_dma source(%dma_start3A_1194 : memref<512xf32, #tpu.memory_space<vmem>>) target(%dma_start3A_1192 : memref<512xf32, #tpu.memory_space<hbm>>) target_semaphore(%run_scoped3A : memref<!tpu.dma_semaphore, #tpu.memory_space<semaphore_mem>>)
      %dma_wait3A_1195 = arith.constant 4096 : i32
      %dma_wait3A_1196 = tpu.memref_slice %arg7[%dma_wait3A_1195] : memref<16384xf32, #tpu.memory_space<vmem>> -> memref<512xf32, #tpu.memory_space<vmem>>
      %dma_wait3A_1197 = tpu.memref_slice %arg4[%add3A_1142] : memref<524288xf32, #tpu.memory_space<hbm>> -> memref<512xf32, #tpu.memory_space<hbm>>
      %dma_wait3A_1198 = tpu.memref_slice %arg4[%add3A_1142] : memref<524288xf32, #tpu.memory_space<hbm>> -> memref<512xf32, #tpu.memory_space<hbm>>
      %dma_wait3A_1199 = arith.constant 4096 : i32
      %dma_wait3A_1200 = tpu.memref_slice %arg7[%dma_wait3A_1199] : memref<16384xf32, #tpu.memory_space<vmem>> -> memref<512xf32, #tpu.memory_space<vmem>>
      tpu.wait_dma2 semaphore(%run_scoped3A : memref<!tpu.dma_semaphore, #tpu.memory_space<semaphore_mem>>) src(%dma_wait3A_1200 : memref<512xf32, #tpu.memory_space<vmem>>) dst(%dma_wait3A_1198 : memref<512xf32, #tpu.memory_space<hbm>>)
      tpu.yield
    }) : () -> ()
    %add3A_1143 = arith.constant 147456 : i32
    %add3A_1144 = arith.addi %add3A_1143, %mul3A_2 : i32
    "tpu.region"() ({
      %run_scoped3A = tpu.sem_alloc : memref<!tpu.dma_semaphore, #tpu.memory_space<semaphore_mem>>
      %dma_start3A_1189 = arith.constant 4608 : i32
      %dma_start3A_1190 = tpu.memref_slice %arg7[%dma_start3A_1189] : memref<16384xf32, #tpu.memory_space<vmem>> -> memref<512xf32, #tpu.memory_space<vmem>>
      %dma_start3A_1191 = tpu.memref_slice %arg4[%add3A_1144] : memref<524288xf32, #tpu.memory_space<hbm>> -> memref<512xf32, #tpu.memory_space<hbm>>
      %dma_start3A_1192 = tpu.memref_slice %arg4[%add3A_1144] : memref<524288xf32, #tpu.memory_space<hbm>> -> memref<512xf32, #tpu.memory_space<hbm>>
      %dma_start3A_1193 = arith.constant 4608 : i32
      %dma_start3A_1194 = tpu.memref_slice %arg7[%dma_start3A_1193] : memref<16384xf32, #tpu.memory_space<vmem>> -> memref<512xf32, #tpu.memory_space<vmem>>
      tpu.enqueue_dma source(%dma_start3A_1194 : memref<512xf32, #tpu.memory_space<vmem>>) target(%dma_start3A_1192 : memref<512xf32, #tpu.memory_space<hbm>>) target_semaphore(%run_scoped3A : memref<!tpu.dma_semaphore, #tpu.memory_space<semaphore_mem>>)
      %dma_wait3A_1195 = arith.constant 4608 : i32
      %dma_wait3A_1196 = tpu.memref_slice %arg7[%dma_wait3A_1195] : memref<16384xf32, #tpu.memory_space<vmem>> -> memref<512xf32, #tpu.memory_space<vmem>>
      %dma_wait3A_1197 = tpu.memref_slice %arg4[%add3A_1144] : memref<524288xf32, #tpu.memory_space<hbm>> -> memref<512xf32, #tpu.memory_space<hbm>>
      %dma_wait3A_1198 = tpu.memref_slice %arg4[%add3A_1144] : memref<524288xf32, #tpu.memory_space<hbm>> -> memref<512xf32, #tpu.memory_space<hbm>>
      %dma_wait3A_1199 = arith.constant 4608 : i32
      %dma_wait3A_1200 = tpu.memref_slice %arg7[%dma_wait3A_1199] : memref<16384xf32, #tpu.memory_space<vmem>> -> memref<512xf32, #tpu.memory_space<vmem>>
      tpu.wait_dma2 semaphore(%run_scoped3A : memref<!tpu.dma_semaphore, #tpu.memory_space<semaphore_mem>>) src(%dma_wait3A_1200 : memref<512xf32, #tpu.memory_space<vmem>>) dst(%dma_wait3A_1198 : memref<512xf32, #tpu.memory_space<hbm>>)
      tpu.yield
    }) : () -> ()
    %add3A_1145 = arith.constant 163840 : i32
    %add3A_1146 = arith.addi %add3A_1145, %mul3A_2 : i32
    "tpu.region"() ({
      %run_scoped3A = tpu.sem_alloc : memref<!tpu.dma_semaphore, #tpu.memory_space<semaphore_mem>>
      %dma_start3A_1189 = arith.constant 5120 : i32
      %dma_start3A_1190 = tpu.memref_slice %arg7[%dma_start3A_1189] : memref<16384xf32, #tpu.memory_space<vmem>> -> memref<512xf32, #tpu.memory_space<vmem>>
      %dma_start3A_1191 = tpu.memref_slice %arg4[%add3A_1146] : memref<524288xf32, #tpu.memory_space<hbm>> -> memref<512xf32, #tpu.memory_space<hbm>>
      %dma_start3A_1192 = tpu.memref_slice %arg4[%add3A_1146] : memref<524288xf32, #tpu.memory_space<hbm>> -> memref<512xf32, #tpu.memory_space<hbm>>
      %dma_start3A_1193 = arith.constant 5120 : i32
      %dma_start3A_1194 = tpu.memref_slice %arg7[%dma_start3A_1193] : memref<16384xf32, #tpu.memory_space<vmem>> -> memref<512xf32, #tpu.memory_space<vmem>>
      tpu.enqueue_dma source(%dma_start3A_1194 : memref<512xf32, #tpu.memory_space<vmem>>) target(%dma_start3A_1192 : memref<512xf32, #tpu.memory_space<hbm>>) target_semaphore(%run_scoped3A : memref<!tpu.dma_semaphore, #tpu.memory_space<semaphore_mem>>)
      %dma_wait3A_1195 = arith.constant 5120 : i32
      %dma_wait3A_1196 = tpu.memref_slice %arg7[%dma_wait3A_1195] : memref<16384xf32, #tpu.memory_space<vmem>> -> memref<512xf32, #tpu.memory_space<vmem>>
      %dma_wait3A_1197 = tpu.memref_slice %arg4[%add3A_1146] : memref<524288xf32, #tpu.memory_space<hbm>> -> memref<512xf32, #tpu.memory_space<hbm>>
      %dma_wait3A_1198 = tpu.memref_slice %arg4[%add3A_1146] : memref<524288xf32, #tpu.memory_space<hbm>> -> memref<512xf32, #tpu.memory_space<hbm>>
      %dma_wait3A_1199 = arith.constant 5120 : i32
      %dma_wait3A_1200 = tpu.memref_slice %arg7[%dma_wait3A_1199] : memref<16384xf32, #tpu.memory_space<vmem>> -> memref<512xf32, #tpu.memory_space<vmem>>
      tpu.wait_dma2 semaphore(%run_scoped3A : memref<!tpu.dma_semaphore, #tpu.memory_space<semaphore_mem>>) src(%dma_wait3A_1200 : memref<512xf32, #tpu.memory_space<vmem>>) dst(%dma_wait3A_1198 : memref<512xf32, #tpu.memory_space<hbm>>)
      tpu.yield
    }) : () -> ()
    %add3A_1147 = arith.constant 180224 : i32
    %add3A_1148 = arith.addi %add3A_1147, %mul3A_2 : i32
    "tpu.region"() ({
      %run_scoped3A = tpu.sem_alloc : memref<!tpu.dma_semaphore, #tpu.memory_space<semaphore_mem>>
      %dma_start3A_1189 = arith.constant 5632 : i32
      %dma_start3A_1190 = tpu.memref_slice %arg7[%dma_start3A_1189] : memref<16384xf32, #tpu.memory_space<vmem>> -> memref<512xf32, #tpu.memory_space<vmem>>
      %dma_start3A_1191 = tpu.memref_slice %arg4[%add3A_1148] : memref<524288xf32, #tpu.memory_space<hbm>> -> memref<512xf32, #tpu.memory_space<hbm>>
      %dma_start3A_1192 = tpu.memref_slice %arg4[%add3A_1148] : memref<524288xf32, #tpu.memory_space<hbm>> -> memref<512xf32, #tpu.memory_space<hbm>>
      %dma_start3A_1193 = arith.constant 5632 : i32
      %dma_start3A_1194 = tpu.memref_slice %arg7[%dma_start3A_1193] : memref<16384xf32, #tpu.memory_space<vmem>> -> memref<512xf32, #tpu.memory_space<vmem>>
      tpu.enqueue_dma source(%dma_start3A_1194 : memref<512xf32, #tpu.memory_space<vmem>>) target(%dma_start3A_1192 : memref<512xf32, #tpu.memory_space<hbm>>) target_semaphore(%run_scoped3A : memref<!tpu.dma_semaphore, #tpu.memory_space<semaphore_mem>>)
      %dma_wait3A_1195 = arith.constant 5632 : i32
      %dma_wait3A_1196 = tpu.memref_slice %arg7[%dma_wait3A_1195] : memref<16384xf32, #tpu.memory_space<vmem>> -> memref<512xf32, #tpu.memory_space<vmem>>
      %dma_wait3A_1197 = tpu.memref_slice %arg4[%add3A_1148] : memref<524288xf32, #tpu.memory_space<hbm>> -> memref<512xf32, #tpu.memory_space<hbm>>
      %dma_wait3A_1198 = tpu.memref_slice %arg4[%add3A_1148] : memref<524288xf32, #tpu.memory_space<hbm>> -> memref<512xf32, #tpu.memory_space<hbm>>
      %dma_wait3A_1199 = arith.constant 5632 : i32
      %dma_wait3A_1200 = tpu.memref_slice %arg7[%dma_wait3A_1199] : memref<16384xf32, #tpu.memory_space<vmem>> -> memref<512xf32, #tpu.memory_space<vmem>>
      tpu.wait_dma2 semaphore(%run_scoped3A : memref<!tpu.dma_semaphore, #tpu.memory_space<semaphore_mem>>) src(%dma_wait3A_1200 : memref<512xf32, #tpu.memory_space<vmem>>) dst(%dma_wait3A_1198 : memref<512xf32, #tpu.memory_space<hbm>>)
      tpu.yield
    }) : () -> ()
    %add3A_1149 = arith.constant 196608 : i32
    %add3A_1150 = arith.addi %add3A_1149, %mul3A_2 : i32
    "tpu.region"() ({
      %run_scoped3A = tpu.sem_alloc : memref<!tpu.dma_semaphore, #tpu.memory_space<semaphore_mem>>
      %dma_start3A_1189 = arith.constant 6144 : i32
      %dma_start3A_1190 = tpu.memref_slice %arg7[%dma_start3A_1189] : memref<16384xf32, #tpu.memory_space<vmem>> -> memref<512xf32, #tpu.memory_space<vmem>>
      %dma_start3A_1191 = tpu.memref_slice %arg4[%add3A_1150] : memref<524288xf32, #tpu.memory_space<hbm>> -> memref<512xf32, #tpu.memory_space<hbm>>
      %dma_start3A_1192 = tpu.memref_slice %arg4[%add3A_1150] : memref<524288xf32, #tpu.memory_space<hbm>> -> memref<512xf32, #tpu.memory_space<hbm>>
      %dma_start3A_1193 = arith.constant 6144 : i32
      %dma_start3A_1194 = tpu.memref_slice %arg7[%dma_start3A_1193] : memref<16384xf32, #tpu.memory_space<vmem>> -> memref<512xf32, #tpu.memory_space<vmem>>
      tpu.enqueue_dma source(%dma_start3A_1194 : memref<512xf32, #tpu.memory_space<vmem>>) target(%dma_start3A_1192 : memref<512xf32, #tpu.memory_space<hbm>>) target_semaphore(%run_scoped3A : memref<!tpu.dma_semaphore, #tpu.memory_space<semaphore_mem>>)
      %dma_wait3A_1195 = arith.constant 6144 : i32
      %dma_wait3A_1196 = tpu.memref_slice %arg7[%dma_wait3A_1195] : memref<16384xf32, #tpu.memory_space<vmem>> -> memref<512xf32, #tpu.memory_space<vmem>>
      %dma_wait3A_1197 = tpu.memref_slice %arg4[%add3A_1150] : memref<524288xf32, #tpu.memory_space<hbm>> -> memref<512xf32, #tpu.memory_space<hbm>>
      %dma_wait3A_1198 = tpu.memref_slice %arg4[%add3A_1150] : memref<524288xf32, #tpu.memory_space<hbm>> -> memref<512xf32, #tpu.memory_space<hbm>>
      %dma_wait3A_1199 = arith.constant 6144 : i32
      %dma_wait3A_1200 = tpu.memref_slice %arg7[%dma_wait3A_1199] : memref<16384xf32, #tpu.memory_space<vmem>> -> memref<512xf32, #tpu.memory_space<vmem>>
      tpu.wait_dma2 semaphore(%run_scoped3A : memref<!tpu.dma_semaphore, #tpu.memory_space<semaphore_mem>>) src(%dma_wait3A_1200 : memref<512xf32, #tpu.memory_space<vmem>>) dst(%dma_wait3A_1198 : memref<512xf32, #tpu.memory_space<hbm>>)
      tpu.yield
    }) : () -> ()
    %add3A_1151 = arith.constant 212992 : i32
    %add3A_1152 = arith.addi %add3A_1151, %mul3A_2 : i32
    "tpu.region"() ({
      %run_scoped3A = tpu.sem_alloc : memref<!tpu.dma_semaphore, #tpu.memory_space<semaphore_mem>>
      %dma_start3A_1189 = arith.constant 6656 : i32
      %dma_start3A_1190 = tpu.memref_slice %arg7[%dma_start3A_1189] : memref<16384xf32, #tpu.memory_space<vmem>> -> memref<512xf32, #tpu.memory_space<vmem>>
      %dma_start3A_1191 = tpu.memref_slice %arg4[%add3A_1152] : memref<524288xf32, #tpu.memory_space<hbm>> -> memref<512xf32, #tpu.memory_space<hbm>>
      %dma_start3A_1192 = tpu.memref_slice %arg4[%add3A_1152] : memref<524288xf32, #tpu.memory_space<hbm>> -> memref<512xf32, #tpu.memory_space<hbm>>
      %dma_start3A_1193 = arith.constant 6656 : i32
      %dma_start3A_1194 = tpu.memref_slice %arg7[%dma_start3A_1193] : memref<16384xf32, #tpu.memory_space<vmem>> -> memref<512xf32, #tpu.memory_space<vmem>>
      tpu.enqueue_dma source(%dma_start3A_1194 : memref<512xf32, #tpu.memory_space<vmem>>) target(%dma_start3A_1192 : memref<512xf32, #tpu.memory_space<hbm>>) target_semaphore(%run_scoped3A : memref<!tpu.dma_semaphore, #tpu.memory_space<semaphore_mem>>)
      %dma_wait3A_1195 = arith.constant 6656 : i32
      %dma_wait3A_1196 = tpu.memref_slice %arg7[%dma_wait3A_1195] : memref<16384xf32, #tpu.memory_space<vmem>> -> memref<512xf32, #tpu.memory_space<vmem>>
      %dma_wait3A_1197 = tpu.memref_slice %arg4[%add3A_1152] : memref<524288xf32, #tpu.memory_space<hbm>> -> memref<512xf32, #tpu.memory_space<hbm>>
      %dma_wait3A_1198 = tpu.memref_slice %arg4[%add3A_1152] : memref<524288xf32, #tpu.memory_space<hbm>> -> memref<512xf32, #tpu.memory_space<hbm>>
      %dma_wait3A_1199 = arith.constant 6656 : i32
      %dma_wait3A_1200 = tpu.memref_slice %arg7[%dma_wait3A_1199] : memref<16384xf32, #tpu.memory_space<vmem>> -> memref<512xf32, #tpu.memory_space<vmem>>
      tpu.wait_dma2 semaphore(%run_scoped3A : memref<!tpu.dma_semaphore, #tpu.memory_space<semaphore_mem>>) src(%dma_wait3A_1200 : memref<512xf32, #tpu.memory_space<vmem>>) dst(%dma_wait3A_1198 : memref<512xf32, #tpu.memory_space<hbm>>)
      tpu.yield
    }) : () -> ()
    %add3A_1153 = arith.constant 229376 : i32
    %add3A_1154 = arith.addi %add3A_1153, %mul3A_2 : i32
    "tpu.region"() ({
      %run_scoped3A = tpu.sem_alloc : memref<!tpu.dma_semaphore, #tpu.memory_space<semaphore_mem>>
      %dma_start3A_1189 = arith.constant 7168 : i32
      %dma_start3A_1190 = tpu.memref_slice %arg7[%dma_start3A_1189] : memref<16384xf32, #tpu.memory_space<vmem>> -> memref<512xf32, #tpu.memory_space<vmem>>
      %dma_start3A_1191 = tpu.memref_slice %arg4[%add3A_1154] : memref<524288xf32, #tpu.memory_space<hbm>> -> memref<512xf32, #tpu.memory_space<hbm>>
      %dma_start3A_1192 = tpu.memref_slice %arg4[%add3A_1154] : memref<524288xf32, #tpu.memory_space<hbm>> -> memref<512xf32, #tpu.memory_space<hbm>>
      %dma_start3A_1193 = arith.constant 7168 : i32
      %dma_start3A_1194 = tpu.memref_slice %arg7[%dma_start3A_1193] : memref<16384xf32, #tpu.memory_space<vmem>> -> memref<512xf32, #tpu.memory_space<vmem>>
      tpu.enqueue_dma source(%dma_start3A_1194 : memref<512xf32, #tpu.memory_space<vmem>>) target(%dma_start3A_1192 : memref<512xf32, #tpu.memory_space<hbm>>) target_semaphore(%run_scoped3A : memref<!tpu.dma_semaphore, #tpu.memory_space<semaphore_mem>>)
      %dma_wait3A_1195 = arith.constant 7168 : i32
      %dma_wait3A_1196 = tpu.memref_slice %arg7[%dma_wait3A_1195] : memref<16384xf32, #tpu.memory_space<vmem>> -> memref<512xf32, #tpu.memory_space<vmem>>
      %dma_wait3A_1197 = tpu.memref_slice %arg4[%add3A_1154] : memref<524288xf32, #tpu.memory_space<hbm>> -> memref<512xf32, #tpu.memory_space<hbm>>
      %dma_wait3A_1198 = tpu.memref_slice %arg4[%add3A_1154] : memref<524288xf32, #tpu.memory_space<hbm>> -> memref<512xf32, #tpu.memory_space<hbm>>
      %dma_wait3A_1199 = arith.constant 7168 : i32
      %dma_wait3A_1200 = tpu.memref_slice %arg7[%dma_wait3A_1199] : memref<16384xf32, #tpu.memory_space<vmem>> -> memref<512xf32, #tpu.memory_space<vmem>>
      tpu.wait_dma2 semaphore(%run_scoped3A : memref<!tpu.dma_semaphore, #tpu.memory_space<semaphore_mem>>) src(%dma_wait3A_1200 : memref<512xf32, #tpu.memory_space<vmem>>) dst(%dma_wait3A_1198 : memref<512xf32, #tpu.memory_space<hbm>>)
      tpu.yield
    }) : () -> ()
    %add3A_1155 = arith.constant 245760 : i32
    %add3A_1156 = arith.addi %add3A_1155, %mul3A_2 : i32
    "tpu.region"() ({
      %run_scoped3A = tpu.sem_alloc : memref<!tpu.dma_semaphore, #tpu.memory_space<semaphore_mem>>
      %dma_start3A_1189 = arith.constant 7680 : i32
      %dma_start3A_1190 = tpu.memref_slice %arg7[%dma_start3A_1189] : memref<16384xf32, #tpu.memory_space<vmem>> -> memref<512xf32, #tpu.memory_space<vmem>>
      %dma_start3A_1191 = tpu.memref_slice %arg4[%add3A_1156] : memref<524288xf32, #tpu.memory_space<hbm>> -> memref<512xf32, #tpu.memory_space<hbm>>
      %dma_start3A_1192 = tpu.memref_slice %arg4[%add3A_1156] : memref<524288xf32, #tpu.memory_space<hbm>> -> memref<512xf32, #tpu.memory_space<hbm>>
      %dma_start3A_1193 = arith.constant 7680 : i32
      %dma_start3A_1194 = tpu.memref_slice %arg7[%dma_start3A_1193] : memref<16384xf32, #tpu.memory_space<vmem>> -> memref<512xf32, #tpu.memory_space<vmem>>
      tpu.enqueue_dma source(%dma_start3A_1194 : memref<512xf32, #tpu.memory_space<vmem>>) target(%dma_start3A_1192 : memref<512xf32, #tpu.memory_space<hbm>>) target_semaphore(%run_scoped3A : memref<!tpu.dma_semaphore, #tpu.memory_space<semaphore_mem>>)
      %dma_wait3A_1195 = arith.constant 7680 : i32
      %dma_wait3A_1196 = tpu.memref_slice %arg7[%dma_wait3A_1195] : memref<16384xf32, #tpu.memory_space<vmem>> -> memref<512xf32, #tpu.memory_space<vmem>>
      %dma_wait3A_1197 = tpu.memref_slice %arg4[%add3A_1156] : memref<524288xf32, #tpu.memory_space<hbm>> -> memref<512xf32, #tpu.memory_space<hbm>>
      %dma_wait3A_1198 = tpu.memref_slice %arg4[%add3A_1156] : memref<524288xf32, #tpu.memory_space<hbm>> -> memref<512xf32, #tpu.memory_space<hbm>>
      %dma_wait3A_1199 = arith.constant 7680 : i32
      %dma_wait3A_1200 = tpu.memref_slice %arg7[%dma_wait3A_1199] : memref<16384xf32, #tpu.memory_space<vmem>> -> memref<512xf32, #tpu.memory_space<vmem>>
      tpu.wait_dma2 semaphore(%run_scoped3A : memref<!tpu.dma_semaphore, #tpu.memory_space<semaphore_mem>>) src(%dma_wait3A_1200 : memref<512xf32, #tpu.memory_space<vmem>>) dst(%dma_wait3A_1198 : memref<512xf32, #tpu.memory_space<hbm>>)
      tpu.yield
    }) : () -> ()
    %add3A_1157 = arith.constant 262144 : i32
    %add3A_1158 = arith.addi %add3A_1157, %mul3A_2 : i32
    "tpu.region"() ({
      %run_scoped3A = tpu.sem_alloc : memref<!tpu.dma_semaphore, #tpu.memory_space<semaphore_mem>>
      %dma_start3A_1189 = arith.constant 8192 : i32
      %dma_start3A_1190 = tpu.memref_slice %arg7[%dma_start3A_1189] : memref<16384xf32, #tpu.memory_space<vmem>> -> memref<512xf32, #tpu.memory_space<vmem>>
      %dma_start3A_1191 = tpu.memref_slice %arg4[%add3A_1158] : memref<524288xf32, #tpu.memory_space<hbm>> -> memref<512xf32, #tpu.memory_space<hbm>>
      %dma_start3A_1192 = tpu.memref_slice %arg4[%add3A_1158] : memref<524288xf32, #tpu.memory_space<hbm>> -> memref<512xf32, #tpu.memory_space<hbm>>
      %dma_start3A_1193 = arith.constant 8192 : i32
      %dma_start3A_1194 = tpu.memref_slice %arg7[%dma_start3A_1193] : memref<16384xf32, #tpu.memory_space<vmem>> -> memref<512xf32, #tpu.memory_space<vmem>>
      tpu.enqueue_dma source(%dma_start3A_1194 : memref<512xf32, #tpu.memory_space<vmem>>) target(%dma_start3A_1192 : memref<512xf32, #tpu.memory_space<hbm>>) target_semaphore(%run_scoped3A : memref<!tpu.dma_semaphore, #tpu.memory_space<semaphore_mem>>)
      %dma_wait3A_1195 = arith.constant 8192 : i32
      %dma_wait3A_1196 = tpu.memref_slice %arg7[%dma_wait3A_1195] : memref<16384xf32, #tpu.memory_space<vmem>> -> memref<512xf32, #tpu.memory_space<vmem>>
      %dma_wait3A_1197 = tpu.memref_slice %arg4[%add3A_1158] : memref<524288xf32, #tpu.memory_space<hbm>> -> memref<512xf32, #tpu.memory_space<hbm>>
      %dma_wait3A_1198 = tpu.memref_slice %arg4[%add3A_1158] : memref<524288xf32, #tpu.memory_space<hbm>> -> memref<512xf32, #tpu.memory_space<hbm>>
      %dma_wait3A_1199 = arith.constant 8192 : i32
      %dma_wait3A_1200 = tpu.memref_slice %arg7[%dma_wait3A_1199] : memref<16384xf32, #tpu.memory_space<vmem>> -> memref<512xf32, #tpu.memory_space<vmem>>
      tpu.wait_dma2 semaphore(%run_scoped3A : memref<!tpu.dma_semaphore, #tpu.memory_space<semaphore_mem>>) src(%dma_wait3A_1200 : memref<512xf32, #tpu.memory_space<vmem>>) dst(%dma_wait3A_1198 : memref<512xf32, #tpu.memory_space<hbm>>)
      tpu.yield
    }) : () -> ()
    %add3A_1159 = arith.constant 278528 : i32
    %add3A_1160 = arith.addi %add3A_1159, %mul3A_2 : i32
    "tpu.region"() ({
      %run_scoped3A = tpu.sem_alloc : memref<!tpu.dma_semaphore, #tpu.memory_space<semaphore_mem>>
      %dma_start3A_1189 = arith.constant 8704 : i32
      %dma_start3A_1190 = tpu.memref_slice %arg7[%dma_start3A_1189] : memref<16384xf32, #tpu.memory_space<vmem>> -> memref<512xf32, #tpu.memory_space<vmem>>
      %dma_start3A_1191 = tpu.memref_slice %arg4[%add3A_1160] : memref<524288xf32, #tpu.memory_space<hbm>> -> memref<512xf32, #tpu.memory_space<hbm>>
      %dma_start3A_1192 = tpu.memref_slice %arg4[%add3A_1160] : memref<524288xf32, #tpu.memory_space<hbm>> -> memref<512xf32, #tpu.memory_space<hbm>>
      %dma_start3A_1193 = arith.constant 8704 : i32
      %dma_start3A_1194 = tpu.memref_slice %arg7[%dma_start3A_1193] : memref<16384xf32, #tpu.memory_space<vmem>> -> memref<512xf32, #tpu.memory_space<vmem>>
      tpu.enqueue_dma source(%dma_start3A_1194 : memref<512xf32, #tpu.memory_space<vmem>>) target(%dma_start3A_1192 : memref<512xf32, #tpu.memory_space<hbm>>) target_semaphore(%run_scoped3A : memref<!tpu.dma_semaphore, #tpu.memory_space<semaphore_mem>>)
      %dma_wait3A_1195 = arith.constant 8704 : i32
      %dma_wait3A_1196 = tpu.memref_slice %arg7[%dma_wait3A_1195] : memref<16384xf32, #tpu.memory_space<vmem>> -> memref<512xf32, #tpu.memory_space<vmem>>
      %dma_wait3A_1197 = tpu.memref_slice %arg4[%add3A_1160] : memref<524288xf32, #tpu.memory_space<hbm>> -> memref<512xf32, #tpu.memory_space<hbm>>
      %dma_wait3A_1198 = tpu.memref_slice %arg4[%add3A_1160] : memref<524288xf32, #tpu.memory_space<hbm>> -> memref<512xf32, #tpu.memory_space<hbm>>
      %dma_wait3A_1199 = arith.constant 8704 : i32
      %dma_wait3A_1200 = tpu.memref_slice %arg7[%dma_wait3A_1199] : memref<16384xf32, #tpu.memory_space<vmem>> -> memref<512xf32, #tpu.memory_space<vmem>>
      tpu.wait_dma2 semaphore(%run_scoped3A : memref<!tpu.dma_semaphore, #tpu.memory_space<semaphore_mem>>) src(%dma_wait3A_1200 : memref<512xf32, #tpu.memory_space<vmem>>) dst(%dma_wait3A_1198 : memref<512xf32, #tpu.memory_space<hbm>>)
      tpu.yield
    }) : () -> ()
    %add3A_1161 = arith.constant 294912 : i32
    %add3A_1162 = arith.addi %add3A_1161, %mul3A_2 : i32
    "tpu.region"() ({
      %run_scoped3A = tpu.sem_alloc : memref<!tpu.dma_semaphore, #tpu.memory_space<semaphore_mem>>
      %dma_start3A_1189 = arith.constant 9216 : i32
      %dma_start3A_1190 = tpu.memref_slice %arg7[%dma_start3A_1189] : memref<16384xf32, #tpu.memory_space<vmem>> -> memref<512xf32, #tpu.memory_space<vmem>>
      %dma_start3A_1191 = tpu.memref_slice %arg4[%add3A_1162] : memref<524288xf32, #tpu.memory_space<hbm>> -> memref<512xf32, #tpu.memory_space<hbm>>
      %dma_start3A_1192 = tpu.memref_slice %arg4[%add3A_1162] : memref<524288xf32, #tpu.memory_space<hbm>> -> memref<512xf32, #tpu.memory_space<hbm>>
      %dma_start3A_1193 = arith.constant 9216 : i32
      %dma_start3A_1194 = tpu.memref_slice %arg7[%dma_start3A_1193] : memref<16384xf32, #tpu.memory_space<vmem>> -> memref<512xf32, #tpu.memory_space<vmem>>
      tpu.enqueue_dma source(%dma_start3A_1194 : memref<512xf32, #tpu.memory_space<vmem>>) target(%dma_start3A_1192 : memref<512xf32, #tpu.memory_space<hbm>>) target_semaphore(%run_scoped3A : memref<!tpu.dma_semaphore, #tpu.memory_space<semaphore_mem>>)
      %dma_wait3A_1195 = arith.constant 9216 : i32
      %dma_wait3A_1196 = tpu.memref_slice %arg7[%dma_wait3A_1195] : memref<16384xf32, #tpu.memory_space<vmem>> -> memref<512xf32, #tpu.memory_space<vmem>>
      %dma_wait3A_1197 = tpu.memref_slice %arg4[%add3A_1162] : memref<524288xf32, #tpu.memory_space<hbm>> -> memref<512xf32, #tpu.memory_space<hbm>>
      %dma_wait3A_1198 = tpu.memref_slice %arg4[%add3A_1162] : memref<524288xf32, #tpu.memory_space<hbm>> -> memref<512xf32, #tpu.memory_space<hbm>>
      %dma_wait3A_1199 = arith.constant 9216 : i32
      %dma_wait3A_1200 = tpu.memref_slice %arg7[%dma_wait3A_1199] : memref<16384xf32, #tpu.memory_space<vmem>> -> memref<512xf32, #tpu.memory_space<vmem>>
      tpu.wait_dma2 semaphore(%run_scoped3A : memref<!tpu.dma_semaphore, #tpu.memory_space<semaphore_mem>>) src(%dma_wait3A_1200 : memref<512xf32, #tpu.memory_space<vmem>>) dst(%dma_wait3A_1198 : memref<512xf32, #tpu.memory_space<hbm>>)
      tpu.yield
    }) : () -> ()
    %add3A_1163 = arith.constant 311296 : i32
    %add3A_1164 = arith.addi %add3A_1163, %mul3A_2 : i32
    "tpu.region"() ({
      %run_scoped3A = tpu.sem_alloc : memref<!tpu.dma_semaphore, #tpu.memory_space<semaphore_mem>>
      %dma_start3A_1189 = arith.constant 9728 : i32
      %dma_start3A_1190 = tpu.memref_slice %arg7[%dma_start3A_1189] : memref<16384xf32, #tpu.memory_space<vmem>> -> memref<512xf32, #tpu.memory_space<vmem>>
      %dma_start3A_1191 = tpu.memref_slice %arg4[%add3A_1164] : memref<524288xf32, #tpu.memory_space<hbm>> -> memref<512xf32, #tpu.memory_space<hbm>>
      %dma_start3A_1192 = tpu.memref_slice %arg4[%add3A_1164] : memref<524288xf32, #tpu.memory_space<hbm>> -> memref<512xf32, #tpu.memory_space<hbm>>
      %dma_start3A_1193 = arith.constant 9728 : i32
      %dma_start3A_1194 = tpu.memref_slice %arg7[%dma_start3A_1193] : memref<16384xf32, #tpu.memory_space<vmem>> -> memref<512xf32, #tpu.memory_space<vmem>>
      tpu.enqueue_dma source(%dma_start3A_1194 : memref<512xf32, #tpu.memory_space<vmem>>) target(%dma_start3A_1192 : memref<512xf32, #tpu.memory_space<hbm>>) target_semaphore(%run_scoped3A : memref<!tpu.dma_semaphore, #tpu.memory_space<semaphore_mem>>)
      %dma_wait3A_1195 = arith.constant 9728 : i32
      %dma_wait3A_1196 = tpu.memref_slice %arg7[%dma_wait3A_1195] : memref<16384xf32, #tpu.memory_space<vmem>> -> memref<512xf32, #tpu.memory_space<vmem>>
      %dma_wait3A_1197 = tpu.memref_slice %arg4[%add3A_1164] : memref<524288xf32, #tpu.memory_space<hbm>> -> memref<512xf32, #tpu.memory_space<hbm>>
      %dma_wait3A_1198 = tpu.memref_slice %arg4[%add3A_1164] : memref<524288xf32, #tpu.memory_space<hbm>> -> memref<512xf32, #tpu.memory_space<hbm>>
      %dma_wait3A_1199 = arith.constant 9728 : i32
      %dma_wait3A_1200 = tpu.memref_slice %arg7[%dma_wait3A_1199] : memref<16384xf32, #tpu.memory_space<vmem>> -> memref<512xf32, #tpu.memory_space<vmem>>
      tpu.wait_dma2 semaphore(%run_scoped3A : memref<!tpu.dma_semaphore, #tpu.memory_space<semaphore_mem>>) src(%dma_wait3A_1200 : memref<512xf32, #tpu.memory_space<vmem>>) dst(%dma_wait3A_1198 : memref<512xf32, #tpu.memory_space<hbm>>)
      tpu.yield
    }) : () -> ()
    %add3A_1165 = arith.constant 327680 : i32
    %add3A_1166 = arith.addi %add3A_1165, %mul3A_2 : i32
    "tpu.region"() ({
      %run_scoped3A = tpu.sem_alloc : memref<!tpu.dma_semaphore, #tpu.memory_space<semaphore_mem>>
      %dma_start3A_1189 = arith.constant 10240 : i32
      %dma_start3A_1190 = tpu.memref_slice %arg7[%dma_start3A_1189] : memref<16384xf32, #tpu.memory_space<vmem>> -> memref<512xf32, #tpu.memory_space<vmem>>
      %dma_start3A_1191 = tpu.memref_slice %arg4[%add3A_1166] : memref<524288xf32, #tpu.memory_space<hbm>> -> memref<512xf32, #tpu.memory_space<hbm>>
      %dma_start3A_1192 = tpu.memref_slice %arg4[%add3A_1166] : memref<524288xf32, #tpu.memory_space<hbm>> -> memref<512xf32, #tpu.memory_space<hbm>>
      %dma_start3A_1193 = arith.constant 10240 : i32
      %dma_start3A_1194 = tpu.memref_slice %arg7[%dma_start3A_1193] : memref<16384xf32, #tpu.memory_space<vmem>> -> memref<512xf32, #tpu.memory_space<vmem>>
      tpu.enqueue_dma source(%dma_start3A_1194 : memref<512xf32, #tpu.memory_space<vmem>>) target(%dma_start3A_1192 : memref<512xf32, #tpu.memory_space<hbm>>) target_semaphore(%run_scoped3A : memref<!tpu.dma_semaphore, #tpu.memory_space<semaphore_mem>>)
      %dma_wait3A_1195 = arith.constant 10240 : i32
      %dma_wait3A_1196 = tpu.memref_slice %arg7[%dma_wait3A_1195] : memref<16384xf32, #tpu.memory_space<vmem>> -> memref<512xf32, #tpu.memory_space<vmem>>
      %dma_wait3A_1197 = tpu.memref_slice %arg4[%add3A_1166] : memref<524288xf32, #tpu.memory_space<hbm>> -> memref<512xf32, #tpu.memory_space<hbm>>
      %dma_wait3A_1198 = tpu.memref_slice %arg4[%add3A_1166] : memref<524288xf32, #tpu.memory_space<hbm>> -> memref<512xf32, #tpu.memory_space<hbm>>
      %dma_wait3A_1199 = arith.constant 10240 : i32
      %dma_wait3A_1200 = tpu.memref_slice %arg7[%dma_wait3A_1199] : memref<16384xf32, #tpu.memory_space<vmem>> -> memref<512xf32, #tpu.memory_space<vmem>>
      tpu.wait_dma2 semaphore(%run_scoped3A : memref<!tpu.dma_semaphore, #tpu.memory_space<semaphore_mem>>) src(%dma_wait3A_1200 : memref<512xf32, #tpu.memory_space<vmem>>) dst(%dma_wait3A_1198 : memref<512xf32, #tpu.memory_space<hbm>>)
      tpu.yield
    }) : () -> ()
    %add3A_1167 = arith.constant 344064 : i32
    %add3A_1168 = arith.addi %add3A_1167, %mul3A_2 : i32
    "tpu.region"() ({
      %run_scoped3A = tpu.sem_alloc : memref<!tpu.dma_semaphore, #tpu.memory_space<semaphore_mem>>
      %dma_start3A_1189 = arith.constant 10752 : i32
      %dma_start3A_1190 = tpu.memref_slice %arg7[%dma_start3A_1189] : memref<16384xf32, #tpu.memory_space<vmem>> -> memref<512xf32, #tpu.memory_space<vmem>>
      %dma_start3A_1191 = tpu.memref_slice %arg4[%add3A_1168] : memref<524288xf32, #tpu.memory_space<hbm>> -> memref<512xf32, #tpu.memory_space<hbm>>
      %dma_start3A_1192 = tpu.memref_slice %arg4[%add3A_1168] : memref<524288xf32, #tpu.memory_space<hbm>> -> memref<512xf32, #tpu.memory_space<hbm>>
      %dma_start3A_1193 = arith.constant 10752 : i32
      %dma_start3A_1194 = tpu.memref_slice %arg7[%dma_start3A_1193] : memref<16384xf32, #tpu.memory_space<vmem>> -> memref<512xf32, #tpu.memory_space<vmem>>
      tpu.enqueue_dma source(%dma_start3A_1194 : memref<512xf32, #tpu.memory_space<vmem>>) target(%dma_start3A_1192 : memref<512xf32, #tpu.memory_space<hbm>>) target_semaphore(%run_scoped3A : memref<!tpu.dma_semaphore, #tpu.memory_space<semaphore_mem>>)
      %dma_wait3A_1195 = arith.constant 10752 : i32
      %dma_wait3A_1196 = tpu.memref_slice %arg7[%dma_wait3A_1195] : memref<16384xf32, #tpu.memory_space<vmem>> -> memref<512xf32, #tpu.memory_space<vmem>>
      %dma_wait3A_1197 = tpu.memref_slice %arg4[%add3A_1168] : memref<524288xf32, #tpu.memory_space<hbm>> -> memref<512xf32, #tpu.memory_space<hbm>>
      %dma_wait3A_1198 = tpu.memref_slice %arg4[%add3A_1168] : memref<524288xf32, #tpu.memory_space<hbm>> -> memref<512xf32, #tpu.memory_space<hbm>>
      %dma_wait3A_1199 = arith.constant 10752 : i32
      %dma_wait3A_1200 = tpu.memref_slice %arg7[%dma_wait3A_1199] : memref<16384xf32, #tpu.memory_space<vmem>> -> memref<512xf32, #tpu.memory_space<vmem>>
      tpu.wait_dma2 semaphore(%run_scoped3A : memref<!tpu.dma_semaphore, #tpu.memory_space<semaphore_mem>>) src(%dma_wait3A_1200 : memref<512xf32, #tpu.memory_space<vmem>>) dst(%dma_wait3A_1198 : memref<512xf32, #tpu.memory_space<hbm>>)
      tpu.yield
    }) : () -> ()
    %add3A_1169 = arith.constant 360448 : i32
    %add3A_1170 = arith.addi %add3A_1169, %mul3A_2 : i32
    "tpu.region"() ({
      %run_scoped3A = tpu.sem_alloc : memref<!tpu.dma_semaphore, #tpu.memory_space<semaphore_mem>>
      %dma_start3A_1189 = arith.constant 11264 : i32
      %dma_start3A_1190 = tpu.memref_slice %arg7[%dma_start3A_1189] : memref<16384xf32, #tpu.memory_space<vmem>> -> memref<512xf32, #tpu.memory_space<vmem>>
      %dma_start3A_1191 = tpu.memref_slice %arg4[%add3A_1170] : memref<524288xf32, #tpu.memory_space<hbm>> -> memref<512xf32, #tpu.memory_space<hbm>>
      %dma_start3A_1192 = tpu.memref_slice %arg4[%add3A_1170] : memref<524288xf32, #tpu.memory_space<hbm>> -> memref<512xf32, #tpu.memory_space<hbm>>
      %dma_start3A_1193 = arith.constant 11264 : i32
      %dma_start3A_1194 = tpu.memref_slice %arg7[%dma_start3A_1193] : memref<16384xf32, #tpu.memory_space<vmem>> -> memref<512xf32, #tpu.memory_space<vmem>>
      tpu.enqueue_dma source(%dma_start3A_1194 : memref<512xf32, #tpu.memory_space<vmem>>) target(%dma_start3A_1192 : memref<512xf32, #tpu.memory_space<hbm>>) target_semaphore(%run_scoped3A : memref<!tpu.dma_semaphore, #tpu.memory_space<semaphore_mem>>)
      %dma_wait3A_1195 = arith.constant 11264 : i32
      %dma_wait3A_1196 = tpu.memref_slice %arg7[%dma_wait3A_1195] : memref<16384xf32, #tpu.memory_space<vmem>> -> memref<512xf32, #tpu.memory_space<vmem>>
      %dma_wait3A_1197 = tpu.memref_slice %arg4[%add3A_1170] : memref<524288xf32, #tpu.memory_space<hbm>> -> memref<512xf32, #tpu.memory_space<hbm>>
      %dma_wait3A_1198 = tpu.memref_slice %arg4[%add3A_1170] : memref<524288xf32, #tpu.memory_space<hbm>> -> memref<512xf32, #tpu.memory_space<hbm>>
      %dma_wait3A_1199 = arith.constant 11264 : i32
      %dma_wait3A_1200 = tpu.memref_slice %arg7[%dma_wait3A_1199] : memref<16384xf32, #tpu.memory_space<vmem>> -> memref<512xf32, #tpu.memory_space<vmem>>
      tpu.wait_dma2 semaphore(%run_scoped3A : memref<!tpu.dma_semaphore, #tpu.memory_space<semaphore_mem>>) src(%dma_wait3A_1200 : memref<512xf32, #tpu.memory_space<vmem>>) dst(%dma_wait3A_1198 : memref<512xf32, #tpu.memory_space<hbm>>)
      tpu.yield
    }) : () -> ()
    %add3A_1171 = arith.constant 376832 : i32
    %add3A_1172 = arith.addi %add3A_1171, %mul3A_2 : i32
    "tpu.region"() ({
      %run_scoped3A = tpu.sem_alloc : memref<!tpu.dma_semaphore, #tpu.memory_space<semaphore_mem>>
      %dma_start3A_1189 = arith.constant 11776 : i32
      %dma_start3A_1190 = tpu.memref_slice %arg7[%dma_start3A_1189] : memref<16384xf32, #tpu.memory_space<vmem>> -> memref<512xf32, #tpu.memory_space<vmem>>
      %dma_start3A_1191 = tpu.memref_slice %arg4[%add3A_1172] : memref<524288xf32, #tpu.memory_space<hbm>> -> memref<512xf32, #tpu.memory_space<hbm>>
      %dma_start3A_1192 = tpu.memref_slice %arg4[%add3A_1172] : memref<524288xf32, #tpu.memory_space<hbm>> -> memref<512xf32, #tpu.memory_space<hbm>>
      %dma_start3A_1193 = arith.constant 11776 : i32
      %dma_start3A_1194 = tpu.memref_slice %arg7[%dma_start3A_1193] : memref<16384xf32, #tpu.memory_space<vmem>> -> memref<512xf32, #tpu.memory_space<vmem>>
      tpu.enqueue_dma source(%dma_start3A_1194 : memref<512xf32, #tpu.memory_space<vmem>>) target(%dma_start3A_1192 : memref<512xf32, #tpu.memory_space<hbm>>) target_semaphore(%run_scoped3A : memref<!tpu.dma_semaphore, #tpu.memory_space<semaphore_mem>>)
      %dma_wait3A_1195 = arith.constant 11776 : i32
      %dma_wait3A_1196 = tpu.memref_slice %arg7[%dma_wait3A_1195] : memref<16384xf32, #tpu.memory_space<vmem>> -> memref<512xf32, #tpu.memory_space<vmem>>
      %dma_wait3A_1197 = tpu.memref_slice %arg4[%add3A_1172] : memref<524288xf32, #tpu.memory_space<hbm>> -> memref<512xf32, #tpu.memory_space<hbm>>
      %dma_wait3A_1198 = tpu.memref_slice %arg4[%add3A_1172] : memref<524288xf32, #tpu.memory_space<hbm>> -> memref<512xf32, #tpu.memory_space<hbm>>
      %dma_wait3A_1199 = arith.constant 11776 : i32
      %dma_wait3A_1200 = tpu.memref_slice %arg7[%dma_wait3A_1199] : memref<16384xf32, #tpu.memory_space<vmem>> -> memref<512xf32, #tpu.memory_space<vmem>>
      tpu.wait_dma2 semaphore(%run_scoped3A : memref<!tpu.dma_semaphore, #tpu.memory_space<semaphore_mem>>) src(%dma_wait3A_1200 : memref<512xf32, #tpu.memory_space<vmem>>) dst(%dma_wait3A_1198 : memref<512xf32, #tpu.memory_space<hbm>>)
      tpu.yield
    }) : () -> ()
    %add3A_1173 = arith.constant 393216 : i32
    %add3A_1174 = arith.addi %add3A_1173, %mul3A_2 : i32
    "tpu.region"() ({
      %run_scoped3A = tpu.sem_alloc : memref<!tpu.dma_semaphore, #tpu.memory_space<semaphore_mem>>
      %dma_start3A_1189 = arith.constant 12288 : i32
      %dma_start3A_1190 = tpu.memref_slice %arg7[%dma_start3A_1189] : memref<16384xf32, #tpu.memory_space<vmem>> -> memref<512xf32, #tpu.memory_space<vmem>>
      %dma_start3A_1191 = tpu.memref_slice %arg4[%add3A_1174] : memref<524288xf32, #tpu.memory_space<hbm>> -> memref<512xf32, #tpu.memory_space<hbm>>
      %dma_start3A_1192 = tpu.memref_slice %arg4[%add3A_1174] : memref<524288xf32, #tpu.memory_space<hbm>> -> memref<512xf32, #tpu.memory_space<hbm>>
      %dma_start3A_1193 = arith.constant 12288 : i32
      %dma_start3A_1194 = tpu.memref_slice %arg7[%dma_start3A_1193] : memref<16384xf32, #tpu.memory_space<vmem>> -> memref<512xf32, #tpu.memory_space<vmem>>
      tpu.enqueue_dma source(%dma_start3A_1194 : memref<512xf32, #tpu.memory_space<vmem>>) target(%dma_start3A_1192 : memref<512xf32, #tpu.memory_space<hbm>>) target_semaphore(%run_scoped3A : memref<!tpu.dma_semaphore, #tpu.memory_space<semaphore_mem>>)
      %dma_wait3A_1195 = arith.constant 12288 : i32
      %dma_wait3A_1196 = tpu.memref_slice %arg7[%dma_wait3A_1195] : memref<16384xf32, #tpu.memory_space<vmem>> -> memref<512xf32, #tpu.memory_space<vmem>>
      %dma_wait3A_1197 = tpu.memref_slice %arg4[%add3A_1174] : memref<524288xf32, #tpu.memory_space<hbm>> -> memref<512xf32, #tpu.memory_space<hbm>>
      %dma_wait3A_1198 = tpu.memref_slice %arg4[%add3A_1174] : memref<524288xf32, #tpu.memory_space<hbm>> -> memref<512xf32, #tpu.memory_space<hbm>>
      %dma_wait3A_1199 = arith.constant 12288 : i32
      %dma_wait3A_1200 = tpu.memref_slice %arg7[%dma_wait3A_1199] : memref<16384xf32, #tpu.memory_space<vmem>> -> memref<512xf32, #tpu.memory_space<vmem>>
      tpu.wait_dma2 semaphore(%run_scoped3A : memref<!tpu.dma_semaphore, #tpu.memory_space<semaphore_mem>>) src(%dma_wait3A_1200 : memref<512xf32, #tpu.memory_space<vmem>>) dst(%dma_wait3A_1198 : memref<512xf32, #tpu.memory_space<hbm>>)
      tpu.yield
    }) : () -> ()
    %add3A_1175 = arith.constant 409600 : i32
    %add3A_1176 = arith.addi %add3A_1175, %mul3A_2 : i32
    "tpu.region"() ({
      %run_scoped3A = tpu.sem_alloc : memref<!tpu.dma_semaphore, #tpu.memory_space<semaphore_mem>>
      %dma_start3A_1189 = arith.constant 12800 : i32
      %dma_start3A_1190 = tpu.memref_slice %arg7[%dma_start3A_1189] : memref<16384xf32, #tpu.memory_space<vmem>> -> memref<512xf32, #tpu.memory_space<vmem>>
      %dma_start3A_1191 = tpu.memref_slice %arg4[%add3A_1176] : memref<524288xf32, #tpu.memory_space<hbm>> -> memref<512xf32, #tpu.memory_space<hbm>>
      %dma_start3A_1192 = tpu.memref_slice %arg4[%add3A_1176] : memref<524288xf32, #tpu.memory_space<hbm>> -> memref<512xf32, #tpu.memory_space<hbm>>
      %dma_start3A_1193 = arith.constant 12800 : i32
      %dma_start3A_1194 = tpu.memref_slice %arg7[%dma_start3A_1193] : memref<16384xf32, #tpu.memory_space<vmem>> -> memref<512xf32, #tpu.memory_space<vmem>>
      tpu.enqueue_dma source(%dma_start3A_1194 : memref<512xf32, #tpu.memory_space<vmem>>) target(%dma_start3A_1192 : memref<512xf32, #tpu.memory_space<hbm>>) target_semaphore(%run_scoped3A : memref<!tpu.dma_semaphore, #tpu.memory_space<semaphore_mem>>)
      %dma_wait3A_1195 = arith.constant 12800 : i32
      %dma_wait3A_1196 = tpu.memref_slice %arg7[%dma_wait3A_1195] : memref<16384xf32, #tpu.memory_space<vmem>> -> memref<512xf32, #tpu.memory_space<vmem>>
      %dma_wait3A_1197 = tpu.memref_slice %arg4[%add3A_1176] : memref<524288xf32, #tpu.memory_space<hbm>> -> memref<512xf32, #tpu.memory_space<hbm>>
      %dma_wait3A_1198 = tpu.memref_slice %arg4[%add3A_1176] : memref<524288xf32, #tpu.memory_space<hbm>> -> memref<512xf32, #tpu.memory_space<hbm>>
      %dma_wait3A_1199 = arith.constant 12800 : i32
      %dma_wait3A_1200 = tpu.memref_slice %arg7[%dma_wait3A_1199] : memref<16384xf32, #tpu.memory_space<vmem>> -> memref<512xf32, #tpu.memory_space<vmem>>
      tpu.wait_dma2 semaphore(%run_scoped3A : memref<!tpu.dma_semaphore, #tpu.memory_space<semaphore_mem>>) src(%dma_wait3A_1200 : memref<512xf32, #tpu.memory_space<vmem>>) dst(%dma_wait3A_1198 : memref<512xf32, #tpu.memory_space<hbm>>)
      tpu.yield
    }) : () -> ()
    %add3A_1177 = arith.constant 425984 : i32
    %add3A_1178 = arith.addi %add3A_1177, %mul3A_2 : i32
    "tpu.region"() ({
      %run_scoped3A = tpu.sem_alloc : memref<!tpu.dma_semaphore, #tpu.memory_space<semaphore_mem>>
      %dma_start3A_1189 = arith.constant 13312 : i32
      %dma_start3A_1190 = tpu.memref_slice %arg7[%dma_start3A_1189] : memref<16384xf32, #tpu.memory_space<vmem>> -> memref<512xf32, #tpu.memory_space<vmem>>
      %dma_start3A_1191 = tpu.memref_slice %arg4[%add3A_1178] : memref<524288xf32, #tpu.memory_space<hbm>> -> memref<512xf32, #tpu.memory_space<hbm>>
      %dma_start3A_1192 = tpu.memref_slice %arg4[%add3A_1178] : memref<524288xf32, #tpu.memory_space<hbm>> -> memref<512xf32, #tpu.memory_space<hbm>>
      %dma_start3A_1193 = arith.constant 13312 : i32
      %dma_start3A_1194 = tpu.memref_slice %arg7[%dma_start3A_1193] : memref<16384xf32, #tpu.memory_space<vmem>> -> memref<512xf32, #tpu.memory_space<vmem>>
      tpu.enqueue_dma source(%dma_start3A_1194 : memref<512xf32, #tpu.memory_space<vmem>>) target(%dma_start3A_1192 : memref<512xf32, #tpu.memory_space<hbm>>) target_semaphore(%run_scoped3A : memref<!tpu.dma_semaphore, #tpu.memory_space<semaphore_mem>>)
      %dma_wait3A_1195 = arith.constant 13312 : i32
      %dma_wait3A_1196 = tpu.memref_slice %arg7[%dma_wait3A_1195] : memref<16384xf32, #tpu.memory_space<vmem>> -> memref<512xf32, #tpu.memory_space<vmem>>
      %dma_wait3A_1197 = tpu.memref_slice %arg4[%add3A_1178] : memref<524288xf32, #tpu.memory_space<hbm>> -> memref<512xf32, #tpu.memory_space<hbm>>
      %dma_wait3A_1198 = tpu.memref_slice %arg4[%add3A_1178] : memref<524288xf32, #tpu.memory_space<hbm>> -> memref<512xf32, #tpu.memory_space<hbm>>
      %dma_wait3A_1199 = arith.constant 13312 : i32
      %dma_wait3A_1200 = tpu.memref_slice %arg7[%dma_wait3A_1199] : memref<16384xf32, #tpu.memory_space<vmem>> -> memref<512xf32, #tpu.memory_space<vmem>>
      tpu.wait_dma2 semaphore(%run_scoped3A : memref<!tpu.dma_semaphore, #tpu.memory_space<semaphore_mem>>) src(%dma_wait3A_1200 : memref<512xf32, #tpu.memory_space<vmem>>) dst(%dma_wait3A_1198 : memref<512xf32, #tpu.memory_space<hbm>>)
      tpu.yield
    }) : () -> ()
    %add3A_1179 = arith.constant 442368 : i32
    %add3A_1180 = arith.addi %add3A_1179, %mul3A_2 : i32
    "tpu.region"() ({
      %run_scoped3A = tpu.sem_alloc : memref<!tpu.dma_semaphore, #tpu.memory_space<semaphore_mem>>
      %dma_start3A_1189 = arith.constant 13824 : i32
      %dma_start3A_1190 = tpu.memref_slice %arg7[%dma_start3A_1189] : memref<16384xf32, #tpu.memory_space<vmem>> -> memref<512xf32, #tpu.memory_space<vmem>>
      %dma_start3A_1191 = tpu.memref_slice %arg4[%add3A_1180] : memref<524288xf32, #tpu.memory_space<hbm>> -> memref<512xf32, #tpu.memory_space<hbm>>
      %dma_start3A_1192 = tpu.memref_slice %arg4[%add3A_1180] : memref<524288xf32, #tpu.memory_space<hbm>> -> memref<512xf32, #tpu.memory_space<hbm>>
      %dma_start3A_1193 = arith.constant 13824 : i32
      %dma_start3A_1194 = tpu.memref_slice %arg7[%dma_start3A_1193] : memref<16384xf32, #tpu.memory_space<vmem>> -> memref<512xf32, #tpu.memory_space<vmem>>
      tpu.enqueue_dma source(%dma_start3A_1194 : memref<512xf32, #tpu.memory_space<vmem>>) target(%dma_start3A_1192 : memref<512xf32, #tpu.memory_space<hbm>>) target_semaphore(%run_scoped3A : memref<!tpu.dma_semaphore, #tpu.memory_space<semaphore_mem>>)
      %dma_wait3A_1195 = arith.constant 13824 : i32
      %dma_wait3A_1196 = tpu.memref_slice %arg7[%dma_wait3A_1195] : memref<16384xf32, #tpu.memory_space<vmem>> -> memref<512xf32, #tpu.memory_space<vmem>>
      %dma_wait3A_1197 = tpu.memref_slice %arg4[%add3A_1180] : memref<524288xf32, #tpu.memory_space<hbm>> -> memref<512xf32, #tpu.memory_space<hbm>>
      %dma_wait3A_1198 = tpu.memref_slice %arg4[%add3A_1180] : memref<524288xf32, #tpu.memory_space<hbm>> -> memref<512xf32, #tpu.memory_space<hbm>>
      %dma_wait3A_1199 = arith.constant 13824 : i32
      %dma_wait3A_1200 = tpu.memref_slice %arg7[%dma_wait3A_1199] : memref<16384xf32, #tpu.memory_space<vmem>> -> memref<512xf32, #tpu.memory_space<vmem>>
      tpu.wait_dma2 semaphore(%run_scoped3A : memref<!tpu.dma_semaphore, #tpu.memory_space<semaphore_mem>>) src(%dma_wait3A_1200 : memref<512xf32, #tpu.memory_space<vmem>>) dst(%dma_wait3A_1198 : memref<512xf32, #tpu.memory_space<hbm>>)
      tpu.yield
    }) : () -> ()
    %add3A_1181 = arith.constant 458752 : i32
    %add3A_1182 = arith.addi %add3A_1181, %mul3A_2 : i32
    "tpu.region"() ({
      %run_scoped3A = tpu.sem_alloc : memref<!tpu.dma_semaphore, #tpu.memory_space<semaphore_mem>>
      %dma_start3A_1189 = arith.constant 14336 : i32
      %dma_start3A_1190 = tpu.memref_slice %arg7[%dma_start3A_1189] : memref<16384xf32, #tpu.memory_space<vmem>> -> memref<512xf32, #tpu.memory_space<vmem>>
      %dma_start3A_1191 = tpu.memref_slice %arg4[%add3A_1182] : memref<524288xf32, #tpu.memory_space<hbm>> -> memref<512xf32, #tpu.memory_space<hbm>>
      %dma_start3A_1192 = tpu.memref_slice %arg4[%add3A_1182] : memref<524288xf32, #tpu.memory_space<hbm>> -> memref<512xf32, #tpu.memory_space<hbm>>
      %dma_start3A_1193 = arith.constant 14336 : i32
      %dma_start3A_1194 = tpu.memref_slice %arg7[%dma_start3A_1193] : memref<16384xf32, #tpu.memory_space<vmem>> -> memref<512xf32, #tpu.memory_space<vmem>>
      tpu.enqueue_dma source(%dma_start3A_1194 : memref<512xf32, #tpu.memory_space<vmem>>) target(%dma_start3A_1192 : memref<512xf32, #tpu.memory_space<hbm>>) target_semaphore(%run_scoped3A : memref<!tpu.dma_semaphore, #tpu.memory_space<semaphore_mem>>)
      %dma_wait3A_1195 = arith.constant 14336 : i32
      %dma_wait3A_1196 = tpu.memref_slice %arg7[%dma_wait3A_1195] : memref<16384xf32, #tpu.memory_space<vmem>> -> memref<512xf32, #tpu.memory_space<vmem>>
      %dma_wait3A_1197 = tpu.memref_slice %arg4[%add3A_1182] : memref<524288xf32, #tpu.memory_space<hbm>> -> memref<512xf32, #tpu.memory_space<hbm>>
      %dma_wait3A_1198 = tpu.memref_slice %arg4[%add3A_1182] : memref<524288xf32, #tpu.memory_space<hbm>> -> memref<512xf32, #tpu.memory_space<hbm>>
      %dma_wait3A_1199 = arith.constant 14336 : i32
      %dma_wait3A_1200 = tpu.memref_slice %arg7[%dma_wait3A_1199] : memref<16384xf32, #tpu.memory_space<vmem>> -> memref<512xf32, #tpu.memory_space<vmem>>
      tpu.wait_dma2 semaphore(%run_scoped3A : memref<!tpu.dma_semaphore, #tpu.memory_space<semaphore_mem>>) src(%dma_wait3A_1200 : memref<512xf32, #tpu.memory_space<vmem>>) dst(%dma_wait3A_1198 : memref<512xf32, #tpu.memory_space<hbm>>)
      tpu.yield
    }) : () -> ()
    %add3A_1183 = arith.constant 475136 : i32
    %add3A_1184 = arith.addi %add3A_1183, %mul3A_2 : i32
    "tpu.region"() ({
      %run_scoped3A = tpu.sem_alloc : memref<!tpu.dma_semaphore, #tpu.memory_space<semaphore_mem>>
      %dma_start3A_1189 = arith.constant 14848 : i32
      %dma_start3A_1190 = tpu.memref_slice %arg7[%dma_start3A_1189] : memref<16384xf32, #tpu.memory_space<vmem>> -> memref<512xf32, #tpu.memory_space<vmem>>
      %dma_start3A_1191 = tpu.memref_slice %arg4[%add3A_1184] : memref<524288xf32, #tpu.memory_space<hbm>> -> memref<512xf32, #tpu.memory_space<hbm>>
      %dma_start3A_1192 = tpu.memref_slice %arg4[%add3A_1184] : memref<524288xf32, #tpu.memory_space<hbm>> -> memref<512xf32, #tpu.memory_space<hbm>>
      %dma_start3A_1193 = arith.constant 14848 : i32
      %dma_start3A_1194 = tpu.memref_slice %arg7[%dma_start3A_1193] : memref<16384xf32, #tpu.memory_space<vmem>> -> memref<512xf32, #tpu.memory_space<vmem>>
      tpu.enqueue_dma source(%dma_start3A_1194 : memref<512xf32, #tpu.memory_space<vmem>>) target(%dma_start3A_1192 : memref<512xf32, #tpu.memory_space<hbm>>) target_semaphore(%run_scoped3A : memref<!tpu.dma_semaphore, #tpu.memory_space<semaphore_mem>>)
      %dma_wait3A_1195 = arith.constant 14848 : i32
      %dma_wait3A_1196 = tpu.memref_slice %arg7[%dma_wait3A_1195] : memref<16384xf32, #tpu.memory_space<vmem>> -> memref<512xf32, #tpu.memory_space<vmem>>
      %dma_wait3A_1197 = tpu.memref_slice %arg4[%add3A_1184] : memref<524288xf32, #tpu.memory_space<hbm>> -> memref<512xf32, #tpu.memory_space<hbm>>
      %dma_wait3A_1198 = tpu.memref_slice %arg4[%add3A_1184] : memref<524288xf32, #tpu.memory_space<hbm>> -> memref<512xf32, #tpu.memory_space<hbm>>
      %dma_wait3A_1199 = arith.constant 14848 : i32
      %dma_wait3A_1200 = tpu.memref_slice %arg7[%dma_wait3A_1199] : memref<16384xf32, #tpu.memory_space<vmem>> -> memref<512xf32, #tpu.memory_space<vmem>>
      tpu.wait_dma2 semaphore(%run_scoped3A : memref<!tpu.dma_semaphore, #tpu.memory_space<semaphore_mem>>) src(%dma_wait3A_1200 : memref<512xf32, #tpu.memory_space<vmem>>) dst(%dma_wait3A_1198 : memref<512xf32, #tpu.memory_space<hbm>>)
      tpu.yield
    }) : () -> ()
    %add3A_1185 = arith.constant 491520 : i32
    %add3A_1186 = arith.addi %add3A_1185, %mul3A_2 : i32
    "tpu.region"() ({
      %run_scoped3A = tpu.sem_alloc : memref<!tpu.dma_semaphore, #tpu.memory_space<semaphore_mem>>
      %dma_start3A_1189 = arith.constant 15360 : i32
      %dma_start3A_1190 = tpu.memref_slice %arg7[%dma_start3A_1189] : memref<16384xf32, #tpu.memory_space<vmem>> -> memref<512xf32, #tpu.memory_space<vmem>>
      %dma_start3A_1191 = tpu.memref_slice %arg4[%add3A_1186] : memref<524288xf32, #tpu.memory_space<hbm>> -> memref<512xf32, #tpu.memory_space<hbm>>
      %dma_start3A_1192 = tpu.memref_slice %arg4[%add3A_1186] : memref<524288xf32, #tpu.memory_space<hbm>> -> memref<512xf32, #tpu.memory_space<hbm>>
      %dma_start3A_1193 = arith.constant 15360 : i32
      %dma_start3A_1194 = tpu.memref_slice %arg7[%dma_start3A_1193] : memref<16384xf32, #tpu.memory_space<vmem>> -> memref<512xf32, #tpu.memory_space<vmem>>
      tpu.enqueue_dma source(%dma_start3A_1194 : memref<512xf32, #tpu.memory_space<vmem>>) target(%dma_start3A_1192 : memref<512xf32, #tpu.memory_space<hbm>>) target_semaphore(%run_scoped3A : memref<!tpu.dma_semaphore, #tpu.memory_space<semaphore_mem>>)
      %dma_wait3A_1195 = arith.constant 15360 : i32
      %dma_wait3A_1196 = tpu.memref_slice %arg7[%dma_wait3A_1195] : memref<16384xf32, #tpu.memory_space<vmem>> -> memref<512xf32, #tpu.memory_space<vmem>>
      %dma_wait3A_1197 = tpu.memref_slice %arg4[%add3A_1186] : memref<524288xf32, #tpu.memory_space<hbm>> -> memref<512xf32, #tpu.memory_space<hbm>>
      %dma_wait3A_1198 = tpu.memref_slice %arg4[%add3A_1186] : memref<524288xf32, #tpu.memory_space<hbm>> -> memref<512xf32, #tpu.memory_space<hbm>>
      %dma_wait3A_1199 = arith.constant 15360 : i32
      %dma_wait3A_1200 = tpu.memref_slice %arg7[%dma_wait3A_1199] : memref<16384xf32, #tpu.memory_space<vmem>> -> memref<512xf32, #tpu.memory_space<vmem>>
      tpu.wait_dma2 semaphore(%run_scoped3A : memref<!tpu.dma_semaphore, #tpu.memory_space<semaphore_mem>>) src(%dma_wait3A_1200 : memref<512xf32, #tpu.memory_space<vmem>>) dst(%dma_wait3A_1198 : memref<512xf32, #tpu.memory_space<hbm>>)
      tpu.yield
    }) : () -> ()
    %add3A_1187 = arith.constant 507904 : i32
    %add3A_1188 = arith.addi %add3A_1187, %mul3A_2 : i32
    "tpu.region"() ({
      %run_scoped3A = tpu.sem_alloc : memref<!tpu.dma_semaphore, #tpu.memory_space<semaphore_mem>>
      %dma_start3A_1189 = arith.constant 15872 : i32
      %dma_start3A_1190 = tpu.memref_slice %arg7[%dma_start3A_1189] : memref<16384xf32, #tpu.memory_space<vmem>> -> memref<512xf32, #tpu.memory_space<vmem>>
      %dma_start3A_1191 = tpu.memref_slice %arg4[%add3A_1188] : memref<524288xf32, #tpu.memory_space<hbm>> -> memref<512xf32, #tpu.memory_space<hbm>>
      %dma_start3A_1192 = tpu.memref_slice %arg4[%add3A_1188] : memref<524288xf32, #tpu.memory_space<hbm>> -> memref<512xf32, #tpu.memory_space<hbm>>
      %dma_start3A_1193 = arith.constant 15872 : i32
      %dma_start3A_1194 = tpu.memref_slice %arg7[%dma_start3A_1193] : memref<16384xf32, #tpu.memory_space<vmem>> -> memref<512xf32, #tpu.memory_space<vmem>>
      tpu.enqueue_dma source(%dma_start3A_1194 : memref<512xf32, #tpu.memory_space<vmem>>) target(%dma_start3A_1192 : memref<512xf32, #tpu.memory_space<hbm>>) target_semaphore(%run_scoped3A : memref<!tpu.dma_semaphore, #tpu.memory_space<semaphore_mem>>)
      %dma_wait3A_1195 = arith.constant 15872 : i32
      %dma_wait3A_1196 = tpu.memref_slice %arg7[%dma_wait3A_1195] : memref<16384xf32, #tpu.memory_space<vmem>> -> memref<512xf32, #tpu.memory_space<vmem>>
      %dma_wait3A_1197 = tpu.memref_slice %arg4[%add3A_1188] : memref<524288xf32, #tpu.memory_space<hbm>> -> memref<512xf32, #tpu.memory_space<hbm>>
      %dma_wait3A_1198 = tpu.memref_slice %arg4[%add3A_1188] : memref<524288xf32, #tpu.memory_space<hbm>> -> memref<512xf32, #tpu.memory_space<hbm>>
      %dma_wait3A_1199 = arith.constant 15872 : i32
      %dma_wait3A_1200 = tpu.memref_slice %arg7[%dma_wait3A_1199] : memref<16384xf32, #tpu.memory_space<vmem>> -> memref<512xf32, #tpu.memory_space<vmem>>
      tpu.wait_dma2 semaphore(%run_scoped3A : memref<!tpu.dma_semaphore, #tpu.memory_space<semaphore_mem>>) src(%dma_wait3A_1200 : memref<512xf32, #tpu.memory_space<vmem>>) dst(%dma_wait3A_1198 : memref<512xf32, #tpu.memory_space<hbm>>)
      tpu.yield
    }) : () -> ()
    return
  }
}

</mosaic_0001>

<sc_bundles>
// kernel: kernel.3.cloned.1.call-start
scs
__scs_entry_jumppad:
0x0: {  	(pc) =	sbr.rel $0x88, $3  }
0x1: {  	(tag) =	ssettag $0x0;
	lr =	simm.s32 $0x1  }
0x2: {  	[smem:$0x3F9F] =	sst lr;
	_ =	strace $0xD0000000  }
0x3: {  	_ = 	snop  }
0x4: {  	_ = 	snop  }
0x5: {  	_ = 	snop  }
0x6: {  	_ = 	snop  }
0x7: {  	_ = 	snop  }
__scs_overlays_trampoline_lowered:
0x8: {  	[smem:$0x3FAE] =	sst s0  }
0x9: {  	[smem:$0x3FAF] =	sst s1  }
0xa: {  	[smem:$0x3FB0] =	sst s2  }
0xb: {  	[smem:$0x3FB1] =	sst s3  }
0xc: {  	[smem:$0x3FB2] =	sst s4  }
0xd: {  	[smem:$0x3FB3] =	sst s5  }
0xe: {  	[smem:$0x3FB4] =	sst s6  }
0xf: {  	[smem:$0x3FB5] =	sst s7  }
0x10: {  	[smem:$0x3FB6] =	sst s8  }
0x11: {  	[smem:$0x3FB7] =	sst s9;
	s0 =	simm.s32 @!p0 $0x0  }
0x12: {  	s1 =	sld [smem:$0x3F9D];
	s0 =	simm.s32 @p0 $0x1  }
0x13: {  	[smem:$0x3FB8] =	sst s0;
	s0 =	simm.s32 @!p1 $0x0  }
0x14: {  	s2 =	sld [smem:$0x3F9C];
	s0 =	simm.s32 @p1 $0x1  }
0x15: {  	[smem:$0x3FB9] =	sst s0;
	s0 =	simm.s32 @!p2 $0x0  }
0x16: {  	s3 =	sld [smem:$0x3FDB];
	s0 =	simm.s32 @p2 $0x1  }
0x17: {  	s4 =	simm.s32 $0x1BF5;
	[smem:$0x3FBB] =	sst s0  }
0x18: {  	s0 =	sld [smem:$0x3F9E];
	_ =	swait.ge [sflag:s4], $0x0  }
0x19: {  	s7 =	sld [smem:$0x3F9F]  }
0x1a: {  	s8 =	sadd.s32 $0xFFFFE003, lr  }
0x1b: {  	s9 =	sadd.s32 $0xFFFFFEF7, lr;
	s5 =	simm.s32 $0xFFFFFFFF;
	p2 =	slt.u32 s8, $0xFFFFF086  }
0x1c: {  	p1 =	slt.u32 s9, $0xF7A;
	s5 =	simm.s32 @!p2 $0x0  }
0x1d: {  	s5 =	simm.s32 @p1 $0x1;
	p0 =	seq.s32 s7, s2  }
0x1e: {  	s7 =	smul.u32 @!p0 $0xF7A, s2;
	p2 =	seq.s32 @!p0 s5, $0x0  }
0x1f: {  	s9 =	smul.u32 $0xF7A, s1;
	s8 =	simm.s32 @!p0 $0x1BF5;
	p2 =	por !p2, p0  }
0x20: {  	[sflag:s8] =	ssyncset.s32 @!p0 $0xFFFFF086;
	s6 =	sadd.s32 @!p0 s3, s7;
	s7 =	simm.s32 @!p0 $0x108  }
0x21: {  	s3 =	sadd.s32 s3, s9;
	s6 =	sadd.s32 @!p0 $0x88, s6;
	s7 =	simm.s32 @p2 $0x1082  }
0x22: {  	[simem:s7], [sflag:s8] =	dma.local @!p0 [hbm:s6], $0xF7A  }
0x23: {  	s9 =	sor.u32 $0xD0000000, s2;
	s6 =	simm.s32 $0x108;
	_ =	swait.ge @!p0 [sflag:s8], $0x0  }
0x24: {  	s3 =	sadd.s32 $0x88, s3;
	s6 =	simm.s32 @!p1 $0x1082;
	[sflag:s4] =	ssyncset.s32 $0xFFFFF086  }
0x25: {  	[simem:s6], [sflag:s4] =	dma.local [hbm:s3], $0xF7A  }
0x26: {  	[smem:$0x3F9F] =	sst s1;
	(tag) =	ssettag s2;
	_ =	strace s9  }
0x27: {  	s1 =	sld [smem:$0x3FAF]  }
0x28: {  	s2 =	sld [smem:$0x3FB0]  }
0x29: {  	s4 =	sld [smem:$0x3FB2]  }
0x2a: {  	p0 =	seq.s32 s5, $0x0;
	s5 =	sld [smem:$0x3FB3]  }
0x2b: {  	s6 =	sld [smem:$0x3FB4]  }
0x2c: {  	s7 =	sld [smem:$0x3FB5]  }
0x2d: {  	s3 =	simm.s32 $0x108;
	s8 =	sld [smem:$0x3FB6]  }
0x2e: {  	s3 =	simm.s32 @!p0 $0x1082;
	s9 =	sld [smem:$0x3FB7]  }
0x2f: {  	lr =	sadd.s32 s0, s3;
	s0 =	sld [smem:$0x3FAE]  }
0x30: {  	s3 =	sld [smem:$0x3FB1]  }
0x31: {  	[smem:$0x3FBA] =	sst s10  }
0x32: {  	s10 =	sld [smem:$0x3FB8];
	_ =	sdelay $0x3  }
0x33: {  	p0 =	seq.s32 s10, $0x1;
	s10 =	sld [smem:$0x3FBA];
	_ =	sdelay $0x3  }
0x34: {  	[smem:$0x3FBA] =	sst s10  }
0x35: {  	s10 =	sld [smem:$0x3FB9];
	_ =	sdelay $0x3  }
0x36: {  	p1 =	seq.s32 s10, $0x1;
	s10 =	sld [smem:$0x3FBA];
	_ =	sdelay $0x3  }
0x37: {  	[smem:$0x3FBA] =	sst s10  }
0x38: {  	s10 =	sld [smem:$0x3FBB]  }
0x39: {  	_ = 	snop;
	(pc) =	sbr.ind lr, $3  }
0x3a: {  	_ = 	snop  }
0x3b: {  	_ = 	snop  }
0x3c: {  	p2 =	seq.s32 s10, $0x1;
	s10 =	sld [smem:$0x3FBA]  }
0x3d: {  	_ =	shalt  }
0x3e: {  	_ =	shalt  }
0x3f: {  	_ =	shalt  }
0x40: {  	_ =	shalt  }
0x41: {  	_ =	shalt  }
0x42: {  	_ =	shalt  }
0x43: {  	_ =	shalt  }
0x44: {  	_ =	shalt  }
0x45: {  	_ =	shalt  }
0x46: {  	_ =	shalt  }
0x47: {  	_ =	shalt  }
0x48: {  	_ =	shalt  }
0x49: {  	_ =	shalt  }
0x4a: {  	_ =	shalt  }
0x4b: {  	_ =	shalt  }
0x4c: {  	_ =	shalt  }
0x4d: {  	_ =	shalt  }
0x4e: {  	_ =	shalt  }
0x4f: {  	_ =	shalt  }
0x50: {  	_ =	shalt  }
0x51: {  	_ =	shalt  }
0x52: {  	_ =	shalt  }
0x53: {  	_ =	shalt  }
0x54: {  	_ =	shalt  }
0x55: {  	_ =	shalt  }
0x56: {  	_ =	shalt  }
0x57: {  	_ =	shalt  }
0x58: {  	_ =	shalt  }
0x59: {  	_ =	shalt  }
0x5a: {  	_ =	shalt  }
0x5b: {  	_ =	shalt  }
0x5c: {  	_ =	shalt  }
0x5d: {  	_ =	shalt  }
0x5e: {  	_ =	shalt  }
0x5f: {  	_ =	shalt  }
0x60: {  	_ =	shalt  }
0x61: {  	_ =	shalt  }
0x62: {  	_ =	shalt  }
0x63: {  	_ =	shalt  }
0x64: {  	_ =	shalt  }
0x65: {  	_ =	shalt  }
0x66: {  	_ =	shalt  }
0x67: {  	_ =	shalt  }
0x68: {  	_ =	shalt  }
0x69: {  	_ =	shalt  }
0x6a: {  	_ =	shalt  }
0x6b: {  	_ =	shalt  }
0x6c: {  	_ =	shalt  }
0x6d: {  	_ =	shalt  }
0x6e: {  	_ =	shalt  }
0x6f: {  	_ =	shalt  }
0x70: {  	_ =	shalt  }
0x71: {  	_ =	shalt  }
0x72: {  	_ =	shalt  }
0x73: {  	_ =	shalt  }
0x74: {  	_ =	shalt  }
0x75: {  	_ =	shalt  }
0x76: {  	_ =	shalt  }
0x77: {  	_ =	shalt  }
0x78: {  	_ =	shalt  }
0x79: {  	_ =	shalt  }
0x7a: {  	_ =	shalt  }
0x7b: {  	_ =	shalt  }
0x7c: {  	_ =	shalt  }
0x7d: {  	_ =	shalt  }
0x7e: {  	_ =	shalt  }
0x7f: {  	_ =	shalt  }
0x80: {  	_ =	shalt  }
0x81: {  	_ =	shalt  }
0x82: {  	_ =	shalt  }
0x83: {  	_ =	shalt  }
0x84: {  	_ =	shalt  }
0x85: {  	_ =	shalt  }
0x86: {  	_ =	shalt  }
0x87: {  	_ =	shalt  }
.Lfunc_end0:
.L_simem_size_0:
called_computation_lowered:
.L_overlay_start_0:
0x88: {  	s2 =	sld [smem:$0x3FD9]  }
0x89: {  	s3 =	sld [smem:$0x3FFE];
	_ =	sdelay $0x1  }
0x8a: {  	s1 =	srdreg.scid  }
0x8b: {  	s0 =	sand.u32 $0x1, s1  }
0x8c: {  	s18 =	sshll.u32 s0, $0xA;
	s2 =	sadd.s32 s3, s2  }
0x8d: {  	s2 =	sadd.s32 s2, s18  }
0x8e: {  	[smem:$0x3FC6] =	sst s2  }
0x8f: {  	_ = 	snop  }
0x90: {  	s2 =	sld [smem:$0x3FC9]  }
0x91: {  	s19 =	sld [smem:$0x3FC8]  }
0x92: {  	s4 =	sld [smem:$0x3FD0];
	(tm) =	ssettm $0x1  }
0x93: {  	s5 =	sld [smem:$0x3FFB];
	_ =	sdelay $0x3  }
0x94: {  	_ =	strace s5  }
0x95: {  	s5 =	sld [smem:$0x3FFC];
	_ =	sdelay $0x3  }
0x96: {  	_ =	strace s5  }
0x97: {  	s5 =	sld [smem:$0x3FFD];
	_ =	sdelay $0x3  }
0x98: {  	_ =	strace s5  }
0x99: {  	_ =	strace $0x8FFFFFFF  }
0x9a: {  	s20 =	sld [smem:$0x3FDB];
	_ =	sdelay $0x1  }
0x9b: {  	s6 =	simm.s32 $_scs_section_size  }
0x9c: {  	s7 =	simm.s32 $_size__tile_overlayer_lowered;
	s8 =	simm.s32 $_tile_overlayer_lowered  }
0x9d: {  	s23 =	simm.s32 $0x1BFF;
	s22 =	sshll.u32 s8, $0x1;
	s5 =	sadd.s32 s6, s20  }
0x9e: {  	s9 =	simm.s32 $0x0;
	s21 =	sshll.u32 s7, $0x1;
	s7 =	sadd.s32 s22, s5  }
0x9f: {  	[timem:s9], [sflag:s23] =	dma.local [hbm:s7], s21  }
0xa0: {  	_ =	swait.ge [sflag:s23], s21  }
0xa1: {  	s6 =	ssub.s32 $0x0, s21;
	[sflag:s23] =	ssyncset.done $0x0  }
0xa2: {  	[sflag:s23] =	ssyncadd.s32 s6;
	_ =	sdelay $0x1  }
0xa3: {  	s24 =	simm.s32 $0x1B8B  }
0xa4: {  	_ =	swait.ge [sflag:s24], $0x1  }
0xa5: {  	[sflag:s24] =	ssyncset.done $0x0  }
0xa6: {  	s25 =	simm.s32 $0x1B8E;
	[sflag:s24] =	ssyncadd.s32 $0xFFFFFFFF  }
0xa7: {  	s26 =	simm.s32 $execute0_lowered;
	[smem:$0x3FD2] =	sst s25  }
0xa8: {  	s6 =	sshll.u32 s26, $0x1;
	_ =	strace $0x80000046;
	[dreg:$0x1] =	wrdreg $0xFFFFFFFF  }
0xa9: {  	s28 =	simm.s32 $_size_execute0_lowered;
	s5 =	sadd.s32 s5, s6;
	[dreg:$0x0] =	wrdreg $0x0  }
0xaa: {  	s6 =	sshll.u32 s28, $0x1;
	[dreg:$0x2] =	wrdreg s5  }
0xab: {  	[dreg:$0x3] =	wrdreg s6  }
0xac: {  	[dreg:$0x4] =	wrdreg $0xC0  }
0xad: {  	_ =	task [dreg:s9], $0x5FFFF  }
0xae: {  	[dreg:$0x1] =	wrdreg $0xFFFFFFFF  }
0xaf: {  	[dreg:$0x0] =	wrdreg $0x60  }
0xb0: {  	[dreg:$0x2] =	wrdreg s2  }
0xb1: {  	[dreg:$0x3] =	wrdreg s19  }
0xb2: {  	[dreg:$0x4] =	wrdreg s4  }
0xb3: {  	[dreg:$0x5] =	wrdreg $0x9  }
0xb4: {  	_ =	task.clear_ibuf [dreg:s9], $0x6FFFF;
	_ =	strace $0x90000046  }
0xb5: {  	s29 =	simm.s32 $0x9;
	_ =	strace $0x80000048  }
0xb6: {  	_ =	swait.ge [sflag:s29], $0x1  }
0xb7: {  	[sflag:s29] =	ssyncadd.s32 $0xFFFFFFFF  }
0xb8: {  	_ =	strace $0x90000048  }
0xb9: {  	_ =	sfence  }
0xba: {  	s30 =	sld [smem:$0x0];
	_ =	sdelay $0x2  }
0xbb: {  	s31 =	sshll.u32 s1, $0xD;
	s1 =	sshrl.u32 s1, $0x2  }
0xbc: {  	s3 =	sand.u32 $0x4000, s31;
	s1 =	sadd.s32 s1, s30  }
0xbd: {  	s0 =	sor.u32 s3, s0;
	s1 =	sshll.u32 s1, $0x11  }
0xbe: {  	s0 =	sor.u32 s1, s0  }
0xbf: {  	s0 =	sadd.s32 $0x8F2B, s0  }
0xc0: {  	[sflag:s0] =	ssyncadd.remote.s32 $0x1  }
0xc1: {  	_ =	sfence.sel $0xFFFF  }
0xc2: {  	[dreg:$0x0] =	wrdreg $0xFFFFFFFF;
	(pc) =	sbr.abs _section_cstart, $3  }
0xc3: {  	[dreg:$0x1] =	wrdreg $0xFFFFFFFF  }
0xc4: {  	_ =	task.clear_ibuf [dreg:s9], $0x2FFFF;
	_ =	strace $0x9FFFFFFF  }
0xc5: {  	(tm) =	ssettm $0x7FFFFFFF  }
tec
execute0_lowered:
.L_overlay_start_1:
0x0: {  	(tag) =	ssettag $0x1  }
0x1: {  	s0 =	rddreg [dreg:$0x0]  }
0x2: {  	s2 =	rddreg [dreg:$0x1];
	s3 =	srdreg.scid  }
0x3: {  	s1 =	rddreg [dreg:$0x2];
	s5 =	stileid.u32;
	s4 =	sand.u32 $0x1, s3  }
0x4: {  	s3 =	simm.s32 $0x0;
	s5 =	sshll.u32 s5, $0x7;
	s6 =	sshll.u32 s4, $0x6  }
0x5: {  	[smem:$0x7FF] =	sst s3;
	s7 =	ssub.s32 $0x2, s4;
	s5 =	sor.u32 s6, s5  }
0x6: {  	_ =	strace $0x80000047;
	s4 =	sadd.s32 s1, s5;
	s0 =	sadd.s32 s0, s5  }
0x7: {  	s30 =	sshrl.u32 s7, $0x1;
	[dreg:$0x4] =	wrdreg s0;
	s6 =	sadd.s32 $0x800, s4  }
0x8: {  	s31 =	ssub.s32 s7, s30;
	s7 =	sadd.s32 $0x1000, s4;
	[dreg:$0x5] =	wrdreg s6  }
0x9: {  	s8 =	sadd.s32 $0x1800, s4;
	[dreg:$0x6] =	wrdreg s7  }
0xa: {  	s9 =	sadd.s32 $0x2000, s4;
	[dreg:$0x7] =	wrdreg s8  }
0xb: {  	s10 =	sadd.s32 $0x2800, s4;
	[dreg:$0x8] =	wrdreg s9  }
0xc: {  	s11 =	sadd.s32 $0x3000, s4;
	[dreg:$0x9] =	wrdreg s10  }
0xd: {  	s12 =	sadd.s32 $0x3800, s4;
	[dreg:$0xa] =	wrdreg s11  }
0xe: {  	s13 =	sadd.s32 $0x4000, s4;
	[dreg:$0xb] =	wrdreg s12  }
0xf: {  	s14 =	sadd.s32 $0x4800, s4;
	[dreg:$0xc] =	wrdreg s13  }
0x10: {  	v1 =	vlaneseq.u32;
	s15 =	sadd.s32 $0x5000, s4;
	[dreg:$0xd] =	wrdreg s14  }
0x11: {  	v0 =	vmul.u32 $0x80, v1;
	s16 =	sadd.s32 $0x5800, s4;
	[dreg:$0xe] =	wrdreg s15  }
0x12: {  	v1 =	vmul.u32 $0x200, v1;
	s17 =	sadd.s32 $0x6000, s4;
	[dreg:$0xf] =	wrdreg s16  }
0x13: {  	v2 =	vor.u32 $0x800, v0;
	s18 =	sadd.s32 $0x6800, s4;
	[dreg:$0x10] =	wrdreg s17  }
0x14: {  	v3 =	vor.u32 $0x2000, v1;
	v4 =	vor.u32 $0x10000, v0;
	v5 =	vor.u32 $0x1F0, v1;
	s19 =	sadd.s32 $0x7000, s4;
	[dreg:$0x11] =	wrdreg s18  }
0x15: {  	v6 =	vor.u32 $0x10800, v0;
	v7 =	vor.u32 $0x21F0, v1;
	v8 =	vor.u32 $0x11000, v0;
	s20 =	sadd.s32 $0x7800, s4;
	[dreg:$0x12] =	wrdreg s19  }
0x16: {  	v9 =	vor.u32 $0x1F1, v1;
	v10 =	vor.u32 $0x11800, v0;
	v11 =	vor.u32 $0x21F1, v1;
	s21 =	sadd.s32 $0x8000, s4;
	[dreg:$0x13] =	wrdreg s20  }
0x17: {  	v12 =	vor.u32 $0x12000, v0;
	v13 =	vor.u32 $0x1F2, v1;
	v14 =	vor.u32 $0x12800, v0;
	s22 =	sadd.s32 $0x8800, s4;
	[dreg:$0x14] =	wrdreg s21  }
0x18: {  	v15 =	vor.u32 $0x21F2, v1;
	v16 =	vor.u32 $0x13000, v0;
	v17 =	vor.u32 $0x1F3, v1;
	s23 =	sadd.s32 $0x9000, s4;
	[dreg:$0x15] =	wrdreg s22  }
0x19: {  	v18 =	vor.u32 $0x13800, v0;
	v19 =	vor.u32 $0x21F3, v1;
	v20 =	vor.u32 $0x14000, v0;
	s24 =	sadd.s32 $0x9800, s4;
	[dreg:$0x16] =	wrdreg s23  }
0x1a: {  	v21 =	vor.u32 $0x1F4, v1;
	v22 =	vor.u32 $0x14800, v0;
	v23 =	vor.u32 $0x21F4, v1;
	s25 =	smax.u32 s31, $0x1;
	[dreg:$0x17] =	wrdreg s24  }
0x1b: {  	v24 =	vor.u32 $0x15000, v0;
	v25 =	vor.u32 $0x1F5, v1;
	v26 =	vor.u32 $0x15800, v0;
	s26 =	sadd.s32 $0xA000, s4;
	[dreg:$0x18] =	wrdreg s25  }
0x1c: {  	v27 =	vor.u32 $0x21F5, v1;
	v28 =	vor.u32 $0x16000, v0;
	v29 =	vor.u32 $0x1F6, v1;
	s28 =	sadd.s32 $0xA800, s4;
	[dreg:$0x19] =	wrdreg s26  }
0x1d: {  	v30 =	vor.u32 $0x16800, v0;
	v31 =	vor.u32 $0x21F6, v1;
	v32 =	vor.u32 $0x17000, v0;
	s29 =	sadd.s32 $0xB000, s4;
	s30 =	sadd.s32 $0xB800, s4;
	[dreg:$0x1a] =	wrdreg s28  }
0x1e: {  	v33 =	vor.u32 $0x1F7, v1;
	v34 =	vor.u32 $0x17800, v0;
	v35 =	vor.u32 $0x21F7, v1;
	s31 =	sadd.s32 $0xC000, s4;
	s0 =	sadd.s32 $0xC800, s4;
	[dreg:$0x1b] =	wrdreg s29  }
0x1f: {  	v36 =	vor.u32 $0x1F8, v1;
	v37 =	vor.u32 $0x21F8, v1;
	v38 =	vor.u32 $0x1000, v0;
	s1 =	sadd.s32 $0xD000, s4;
	s5 =	sadd.s32 $0xD800, s4;
	[dreg:$0x1c] =	wrdreg s30  }
0x20: {  	v39 =	vor.u32 $0x1F9, v1;
	v40 =	vor.u32 $0x1800, v0;
	v41 =	vor.u32 $0x21F9, v1;
	[dreg:$0x1d] =	wrdreg s31;
	s6 =	sadd.s32 $0xE000, s4;
	s7 =	sadd.s32 $0xE800, s4  }
0x21: {  	v42 =	vor.u32 $0x2000, v0;
	v43 =	vor.u32 $0x1FA, v1;
	v44 =	vor.u32 $0x2800, v0;
	s8 =	sadd.s32 $0xF000, s4;
	s9 =	sadd.s32 $0xF800, s4;
	s10 =	simm.s32 $0x400  }
0x22: {  	v45 =	vor.u32 $0x21FA, v1;
	v46 =	vor.u32 $0x3000, v0;
	v47 =	vor.u32 $0x1FB, v1;
	s11 =	simm.s32 $0x7A1400;
	s12 =	simm.s32 $0x280;
	s13 =	simm.s32 $0x1  }
0x23: {  	v48 =	vor.u32 $0x3800, v0;
	v49 =	vor.u32 $0x21FB, v1;
	v50 =	vor.u32 $0x4000, v0;
	[tilespmem:$0x1FFF0] =	vst v4;
	s14 =	simm.s32 $0x18280;
	s15 =	simm.s32 $0x2;
	s16 =	simm.s32 $0x0  }
.LBB2_1:
0x24: {  	s17 =	rddreg [dreg:$0x4]  }
0x25: {  	[tilespmem:s3], [sflag:$0x2] =	stream.linear.gather [hbm4b:s17+s3], $0x200, $0x38;
	[tilespmem:$0x1C280] =	vst v63  }
0x26: {  	_ =	swait.ge [sflag:s15], $0x200  }
0x27: {  	[sflag:s15] =	ssyncset.done $0x0  }
0x28: {  	[sflag:s15] =	ssyncadd.s32 $0xFFFFFE00  }
0x29: {  	v51 =	vld [tilespmem:$0x0];
	_ =	sdelay $0x4  }
0x2a: {  	(v2sf) =	vpush v51, $0x0;
	_ =	sdelay $0x3  }
0x2b: {  	(v2sf) =	vpush v51, $0x1;
	_ =	sdelay $0x2  }
0x2c: {  	(v2sf) =	vpush v51, $0x2;
	_ =	sdelay $0x2  }
0x2d: {  	(v2sf) =	vpush v51, $0x3;
	_ =	sdelay $0x4  }
0x2e: {  	s23 =	spop (v2sf);
	(v2sf) =	vpush v51, $0x4;
	_ =	sdelay $0x1  }
0x2f: {  	(v2sf) =	vpush v51, $0x5  }
0x30: {  	s17 =	sand.u32 $0xFFFFF80, s23  }
0x31: {  	s24 =	spop (v2sf);
	s17 =	sadd.s32 s2, s17  }
0x32: {  	(v2sf) =	vpush v51, $0x6;
	[tilespmem:s12], [sflag:$0x1] =	stream.strided.gather [hbm4b:s17+s10], $0x1000, s11, s10, $0x38;
	[tilespmem:$0x1C280] =	vst v63  }
0x33: {  	s17 =	sand.u32 $0xFFFFF80, s24  }
0x34: {  	s18 =	simm.s32 $0x1280;
	s25 =	spop (v2sf);
	s17 =	sadd.s32 s2, s17  }
0x35: {  	(v2sf) =	vpush v51, $0x7;
	[tilespmem:s18], [sflag:$0x1] =	stream.strided.gather [hbm4b:s17+s10], $0x1000, s11, s10, $0x38;
	[tilespmem:$0x1C280] =	vst v63  }
0x36: {  	s17 =	sand.u32 $0xFFFFF80, s25  }
0x37: {  	s26 =	simm.s32 $0x2280;
	s28 =	spop (v2sf);
	s17 =	sadd.s32 s2, s17  }
0x38: {  	[tilespmem:s26], [sflag:$0x1] =	stream.strided.gather [hbm4b:s17+s10], $0x1000, s11, s10, $0x38;
	[tilespmem:$0x1C280] =	vst v63  }
0x39: {  	s17 =	sand.u32 $0xFFFFF80, s28  }
0x3a: {  	s29 =	simm.s32 $0x3280;
	s17 =	sadd.s32 s2, s17  }
0x3b: {  	[tilespmem:s29], [sflag:$0x1] =	stream.strided.gather [hbm4b:s17+s10], $0x1000, s11, s10, $0x38;
	[tilespmem:$0x1C280] =	vst v63  }
0x3c: {  	s30 =	spop (v2sf)  }
0x3d: {  	s17 =	sand.u32 $0xFFFFF80, s30  }
0x3e: {  	s31 =	simm.s32 $0x4280;
	s19 =	spop (v2sf);
	s17 =	sadd.s32 s2, s17  }
0x3f: {  	[tilespmem:s31], [sflag:$0x1] =	stream.strided.gather [hbm4b:s17+s10], $0x1000, s11, s10, $0x38;
	[tilespmem:$0x1C280] =	vst v63  }
0x40: {  	s17 =	sand.u32 $0xFFFFF80, s19  }
0x41: {  	s20 =	simm.s32 $0x5280;
	s21 =	spop (v2sf);
	s17 =	sadd.s32 s2, s17  }
0x42: {  	[tilespmem:s20], [sflag:$0x1] =	stream.strided.gather [hbm4b:s17+s10], $0x1000, s11, s10, $0x38;
	[tilespmem:$0x1C280] =	vst v63  }
0x43: {  	s17 =	sand.u32 $0xFFFFF80, s21  }
0x44: {  	s22 =	simm.s32 $0x6280;
	s23 =	spop (v2sf);
	s17 =	sadd.s32 s2, s17  }
0x45: {  	[tilespmem:s22], [sflag:$0x1] =	stream.strided.gather [hbm4b:s17+s10], $0x1000, s11, s10, $0x38;
	[tilespmem:$0x1C280] =	vst v63  }
0x46: {  	s17 =	sand.u32 $0xFFFFF80, s23  }
0x47: {  	s24 =	simm.s32 $0x7280;
	s17 =	sadd.s32 s2, s17  }
0x48: {  	[tilespmem:s24], [sflag:$0x1] =	stream.strided.gather [hbm4b:s17+s10], $0x1000, s11, s10, $0x38;
	[tilespmem:$0x1C280] =	vst v63  }
0x49: {  	v58 =	vld [tilespmem:$0x8];
	_ =	sdelay $0x4  }
0x4a: {  	(v2sf) =	vpush v58, $0x0  }
0x4b: {  	(v2sf) =	vpush v58, $0x1  }
0x4c: {  	(v2sf) =	vpush v58, $0x2;
	_ =	sdelay $0x2  }
0x4d: {  	(v2sf) =	vpush v58, $0x3;
	_ =	sdelay $0x5  }
0x4e: {  	(v2sf) =	vpush v58, $0x4;
	_ =	sdelay $0x3  }
0x4f: {  	s25 =	spop (v2sf)  }
0x50: {  	s17 =	sand.u32 $0xFFFFF80, s25;
	s28 =	spop (v2sf);
	(v2sf) =	vpush v58, $0x5  }
0x51: {  	s26 =	simm.s32 $0x8280;
	s17 =	sadd.s32 s2, s17;
	s30 =	spop (v2sf)  }
0x52: {  	(v2sf) =	vpush v58, $0x6;
	[tilespmem:s26], [sflag:$0x1] =	stream.strided.gather [hbm4b:s17+s10], $0x1000, s11, s10, $0x38;
	[tilespmem:$0x1C280] =	vst v63  }
0x53: {  	s17 =	sand.u32 $0xFFFFF80, s28  }
0x54: {  	s29 =	simm.s32 $0x9280;
	s19 =	spop (v2sf);
	s17 =	sadd.s32 s2, s17  }
0x55: {  	(v2sf) =	vpush v58, $0x7;
	[tilespmem:s29], [sflag:$0x1] =	stream.strided.gather [hbm4b:s17+s10], $0x1000, s11, s10, $0x38;
	[tilespmem:$0x1C280] =	vst v63  }
0x56: {  	s17 =	sand.u32 $0xFFFFF80, s30  }
0x57: {  	s31 =	simm.s32 $0xA280;
	s17 =	sadd.s32 s2, s17  }
0x58: {  	[tilespmem:s31], [sflag:$0x1] =	stream.strided.gather [hbm4b:s17+s10], $0x1000, s11, s10, $0x38;
	[tilespmem:$0x1C280] =	vst v63  }
0x59: {  	s17 =	sand.u32 $0xFFFFF80, s19  }
0x5a: {  	s20 =	simm.s32 $0xB280;
	s21 =	spop (v2sf);
	s17 =	sadd.s32 s2, s17  }
0x5b: {  	[tilespmem:s20], [sflag:$0x1] =	stream.strided.gather [hbm4b:s17+s10], $0x1000, s11, s10, $0x38;
	[tilespmem:$0x1C280] =	vst v63  }
0x5c: {  	s17 =	sand.u32 $0xFFFFF80, s21  }
0x5d: {  	s22 =	simm.s32 $0xC280;
	s17 =	sadd.s32 s2, s17  }
0x5e: {  	[tilespmem:s22], [sflag:$0x1] =	stream.strided.gather [hbm4b:s17+s10], $0x1000, s11, s10, $0x38;
	[tilespmem:$0x1C280] =	vst v63  }
0x5f: {  	s23 =	spop (v2sf)  }
0x60: {  	s17 =	sand.u32 $0xFFFFF80, s23  }
0x61: {  	s24 =	simm.s32 $0xD280;
	s25 =	spop (v2sf);
	s17 =	sadd.s32 s2, s17  }
0x62: {  	[tilespmem:s24], [sflag:$0x1] =	stream.strided.gather [hbm4b:s17+s10], $0x1000, s11, s10, $0x38;
	[tilespmem:$0x1C280] =	vst v63  }
0x63: {  	s17 =	sand.u32 $0xFFFFF80, s25  }
0x64: {  	s26 =	simm.s32 $0xE280;
	s28 =	spop (v2sf);
	s17 =	sadd.s32 s2, s17  }
0x65: {  	[tilespmem:s26], [sflag:$0x1] =	stream.strided.gather [hbm4b:s17+s10], $0x1000, s11, s10, $0x38;
	[tilespmem:$0x1C280] =	vst v63  }
0x66: {  	s17 =	sand.u32 $0xFFFFF80, s28  }
0x67: {  	s29 =	simm.s32 $0xF280;
	s17 =	sadd.s32 s2, s17  }
0x68: {  	[tilespmem:s29], [sflag:$0x1] =	stream.strided.gather [hbm4b:s17+s10], $0x1000, s11, s10, $0x38;
	[tilespmem:$0x1C280] =	vst v63  }
0x69: {  	_ =	swait.ge [sflag:s13], $0x1000  }
0x6a: {  	[sflag:s13] =	ssyncset.done $0x0  }
0x6b: {  	[sflag:s13] =	ssyncadd.s32 $0xFFFFF000  }
0x6c: {  	_ =	swait.ge [sflag:s13], $0x1000  }
0x6d: {  	[sflag:s13] =	ssyncset.done $0x0  }
0x6e: {  	[sflag:s13] =	ssyncadd.s32 $0xFFFFF000  }
0x6f: {  	_ =	swait.ge [sflag:s13], $0x1000  }
0x70: {  	[sflag:s13] =	ssyncset.done $0x0  }
0x71: {  	[sflag:s13] =	ssyncadd.s32 $0xFFFFF000  }
0x72: {  	_ =	swait.ge [sflag:s13], $0x1000  }
0x73: {  	[sflag:s13] =	ssyncset.done $0x0  }
0x74: {  	[sflag:s13] =	ssyncadd.s32 $0xFFFFF000  }
0x75: {  	_ =	swait.ge [sflag:s13], $0x1000  }
0x76: {  	[sflag:s13] =	ssyncset.done $0x0  }
0x77: {  	[sflag:s13] =	ssyncadd.s32 $0xFFFFF000  }
0x78: {  	_ =	swait.ge [sflag:s13], $0x1000  }
0x79: {  	[sflag:s13] =	ssyncset.done $0x0  }
0x7a: {  	[sflag:s13] =	ssyncadd.s32 $0xFFFFF000  }
0x7b: {  	_ =	swait.ge [sflag:s13], $0x1000  }
0x7c: {  	[sflag:s13] =	ssyncset.done $0x0  }
0x7d: {  	[sflag:s13] =	ssyncadd.s32 $0xFFFFF000  }
0x7e: {  	_ =	swait.ge [sflag:s13], $0x1000  }
0x7f: {  	[sflag:s13] =	ssyncset.done $0x0  }
0x80: {  	s18 =	simm.s32 $0x10;
	[sflag:s13] =	ssyncadd.s32 $0xFFFFF000  }
0x81: {  	v51 =	vld [tilespmem:s18+$0xFFFFFFF0];
	_ =	sdelay $0x4  }
0x82: {  	(v2sf) =	vpush v51, $0x0;
	_ =	sdelay $0x2  }
0x83: {  	s17 =	smul.u32 $0xAB, s15;
	_ =	sdelay $0x1  }
0x84: {  	s19 =	sadd.s32 $0xFFFFFEAA, s17  }
0x85: {  	s19 =	sshrl.u32 s19, $0x9  }
0x86: {  	s19 =	sand.u32 $0x7F, s19  }
0x87: {  	s19 =	smul.u32 $0x3, s19;
	_ =	sdelay $0x1  }
0x88: {  	s19 =	ssub.s32 $0x2, s19  }
0x89: {  	s19 =	sadd.s32 $0xFFFFFFFE, s19  }
0x8a: {  	s19 =	sand.u32 $0xFF, s19;
	(v2sf) =	vpush v51, $0x1  }
0x8b: {  	s19 =	sshll.u32 s19, $0x8  }
0x8c: {  	v52 =	vmov s19  }
0x8d: {  	v52 =	vshll.u32 v52, $0x7;
	s20 =	spop (v2sf)  }
0x8e: {  	v53 =	vor.u32 v0, v52;
	s20 =	sand.u32 $0x7F, s20  }
0x8f: {  	v53 =	vor.u32 s20, v53;
	_ =	sdelay $0x3  }
0x90: {  	s21 =	simm.s32 $0x0  }
0x91: {  	v54 =	vor.u32 s21, v1;
	v52 =	vor.u32 v2, v52;
	v53 =	vld.idx.msk [tilespmem:v53+s12+$0x0], $0xffff  }
0x92: {  	v52 =	vor.u32 s20, v52  }
0x93: {  	(v2sf) =	vpush v51, $0x2  }
0x94: {  	s30 =	sor.u32 $0x20, s19  }
0x95: {  	v55 =	vmov s30  }
0x96: {  	v55 =	vshll.u32 v55, $0x7;
	s31 =	spop (v2sf);
	[tilespmem:v54+s14+$0x0] =	vst.idx.msk $0xffff, v53  }
0x97: {  	v59 =	vor.u32 s21, v3;
	v60 =	vor.u32 v0, v55;
	s20 =	sand.u32 $0x7F, s31;
	v52 =	vld.idx.msk [tilespmem:v52+s12+$0x0], $0xffff  }
0x98: {  	v54 =	vor.u32 s20, v60;
	_ =	sdelay $0x3  }
0x99: {  	s22 =	simm.s32 $0x1;
	[tilespmem:v59+s14+$0x0] =	vst.idx.msk $0xffff, v52  }
0x9a: {  	v61 =	vor.u32 s22, v1;
	v62 =	vor.u32 v2, v55;
	v52 =	vld.idx.msk [tilespmem:v54+s12+$0x0], $0xffff  }
0x9b: {  	v54 =	vor.u32 s20, v62  }
0x9c: {  	(v2sf) =	vpush v51, $0x3  }
0x9d: {  	s23 =	sor.u32 $0x40, s19  }
0x9e: {  	v63 =	vmov s23  }
0x9f: {  	v57 =	vshll.u32 v63, $0x7;
	s24 =	spop (v2sf);
	[tilespmem:v61+s14+$0x0] =	vst.idx.msk $0xffff, v52  }
0xa0: {  	v58 =	vor.u32 s22, v3;
	v55 =	vor.u32 v0, v57;
	s20 =	sand.u32 $0x7F, s24;
	v53 =	vld.idx.msk [tilespmem:v54+s12+$0x0], $0xffff  }
0xa1: {  	v55 =	vor.u32 s20, v55;
	_ =	sdelay $0x3  }
0xa2: {  	s25 =	simm.s32 $0x2;
	[tilespmem:v58+s14+$0x0] =	vst.idx.msk $0xffff, v53  }
0xa3: {  	v59 =	vor.u32 s25, v1;
	v52 =	vor.u32 v2, v57;
	v53 =	vld.idx.msk [tilespmem:v55+s12+$0x0], $0xffff  }
0xa4: {  	v52 =	vor.u32 s20, v52  }
0xa5: {  	(v2sf) =	vpush v51, $0x4  }
0xa6: {  	s26 =	sor.u32 $0x60, s19  }
0xa7: {  	v60 =	vmov s26  }
0xa8: {  	s28 =	spop (v2sf);
	v55 =	vshll.u32 v60, $0x7;
	[tilespmem:v59+s14+$0x0] =	vst.idx.msk $0xffff, v53  }
0xa9: {  	v61 =	vor.u32 s25, v3;
	s20 =	sand.u32 $0x7F, s28;
	v62 =	vor.u32 v0, v55;
	v52 =	vld.idx.msk [tilespmem:v52+s12+$0x0], $0xffff  }
0xaa: {  	v54 =	vor.u32 s20, v62;
	_ =	sdelay $0x3  }
0xab: {  	s29 =	simm.s32 $0x3;
	[tilespmem:v61+s14+$0x0] =	vst.idx.msk $0xffff, v52  }
0xac: {  	v63 =	vor.u32 s29, v1;
	v57 =	vor.u32 v2, v55;
	v52 =	vld.idx.msk [tilespmem:v54+s12+$0x0], $0xffff  }
0xad: {  	v54 =	vor.u32 s20, v57  }
0xae: {  	(v2sf) =	vpush v51, $0x5  }
0xaf: {  	s30 =	sor.u32 $0x80, s19  }
0xb0: {  	v58 =	vmov s30  }
0xb1: {  	s31 =	spop (v2sf);
	v55 =	vshll.u32 v58, $0x7;
	[tilespmem:v63+s14+$0x0] =	vst.idx.msk $0xffff, v52  }
0xb2: {  	v60 =	vor.u32 s29, v3;
	v59 =	vor.u32 v0, v55;
	s20 =	sand.u32 $0x7F, s31;
	v53 =	vld.idx.msk [tilespmem:v54+s12+$0x0], $0xffff  }
0xb3: {  	v52 =	vor.u32 s20, v59;
	_ =	sdelay $0x3  }
0xb4: {  	s22 =	simm.s32 $0x4;
	[tilespmem:v60+s14+$0x0] =	vst.idx.msk $0xffff, v53  }
0xb5: {  	v62 =	vor.u32 s22, v1;
	v61 =	vor.u32 v2, v55;
	v52 =	vld.idx.msk [tilespmem:v52+s12+$0x0], $0xffff  }
0xb6: {  	v53 =	vor.u32 s20, v61  }
0xb7: {  	(v2sf) =	vpush v51, $0x6  }
0xb8: {  	s23 =	sor.u32 $0xA0, s19  }
0xb9: {  	v63 =	vmov s23  }
0xba: {  	s24 =	spop (v2sf);
	v55 =	vshll.u32 v63, $0x7;
	[tilespmem:v62+s14+$0x0] =	vst.idx.msk $0xffff, v52  }
0xbb: {  	v58 =	vor.u32 s22, v3;
	v57 =	vor.u32 v0, v55;
	s20 =	sand.u32 $0x7F, s24;
	v53 =	vld.idx.msk [tilespmem:v53+s12+$0x0], $0xffff  }
0xbc: {  	v52 =	vor.u32 s20, v57;
	_ =	sdelay $0x3  }
0xbd: {  	s25 =	simm.s32 $0x5;
	[tilespmem:v58+s14+$0x0] =	vst.idx.msk $0xffff, v53  }
0xbe: {  	v59 =	vor.u32 v2, v55;
	v60 =	vor.u32 s25, v1;
	v52 =	vld.idx.msk [tilespmem:v52+s12+$0x0], $0xffff  }
0xbf: {  	v53 =	vor.u32 s20, v59  }
0xc0: {  	(v2sf) =	vpush v51, $0x7  }
0xc1: {  	s26 =	sor.u32 $0xC0, s19  }
0xc2: {  	v61 =	vmov s26  }
0xc3: {  	s28 =	spop (v2sf);
	v51 =	vshll.u32 v61, $0x7;
	[tilespmem:v60+s14+$0x0] =	vst.idx.msk $0xffff, v52  }
0xc4: {  	v63 =	vor.u32 s25, v3;
	v62 =	vor.u32 v0, v51;
	s20 =	sand.u32 $0x7F, s28;
	v53 =	vld.idx.msk [tilespmem:v53+s12+$0x0], $0xffff  }
0xc5: {  	v52 =	vor.u32 s20, v62;
	_ =	sdelay $0x3  }
0xc6: {  	s29 =	simm.s32 $0x6;
	[tilespmem:v63+s14+$0x0] =	vst.idx.msk $0xffff, v53  }
0xc7: {  	v51 =	vor.u32 v2, v51;
	v57 =	vor.u32 s29, v1;
	v52 =	vld.idx.msk [tilespmem:v52+s12+$0x0], $0xffff  }
0xc8: {  	v51 =	vor.u32 s20, v51;
	_ =	sdelay $0x1  }
0xc9: {  	s19 =	sor.u32 $0xE0, s19  }
0xca: {  	v58 =	vmov s19  }
0xcb: {  	s30 =	spop (v2sf);
	v54 =	vshll.u32 v58, $0x7;
	[tilespmem:v57+s14+$0x0] =	vst.idx.msk $0xffff, v52  }
0xcc: {  	s19 =	sand.u32 $0x7F, s30;
	v59 =	vor.u32 v0, v54;
	v60 =	vor.u32 s29, v3;
	v51 =	vld.idx.msk [tilespmem:v51+s12+$0x0], $0xffff  }
0xcd: {  	v52 =	vor.u32 s19, v59;
	_ =	sdelay $0x3  }
0xce: {  	s31 =	simm.s32 $0x7;
	[tilespmem:v60+s14+$0x0] =	vst.idx.msk $0xffff, v51  }
0xcf: {  	v61 =	vor.u32 s31, v1;
	v62 =	vor.u32 v2, v54;
	v51 =	vld.idx.msk [tilespmem:v52+s12+$0x0], $0xffff  }
0xd0: {  	v53 =	vor.u32 s19, v62;
	_ =	sdelay $0x3  }
0xd1: {  	[tilespmem:v61+s14+$0x0] =	vst.idx.msk $0xffff, v51  }
0xd2: {  	v63 =	vor.u32 s31, v3;
	v51 =	vld.idx.msk [tilespmem:v53+s12+$0x0], $0xffff;
	_ =	sdelay $0x4  }
0xd3: {  	[tilespmem:v63+s14+$0x0] =	vst.idx.msk $0xffff, v51  }
0xd4: {  	v51 =	vld [tilespmem:s18+$0x0];
	_ =	sdelay $0x4  }
0xd5: {  	(v2sf) =	vpush v51, $0x0  }
0xd6: {  	(v2sf) =	vpush v51, $0x1  }
0xd7: {  	(v2sf) =	vpush v51, $0x2;
	_ =	sdelay $0x1  }
0xd8: {  	(v2sf) =	vpush v51, $0x3;
	_ =	sdelay $0x3  }
0xd9: {  	s17 =	sshrl.u32 s17, $0x9;
	(v2sf) =	vpush v51, $0x4  }
0xda: {  	s17 =	sand.u32 $0x7F, s17  }
0xdb: {  	s17 =	smul.u32 $0x3, s17;
	(v2sf) =	vpush v51, $0x5  }
0xdc: {  	(v2sf) =	vpush v51, $0x6  }
0xdd: {  	s17 =	ssub.s32 $0x2, s17  }
0xde: {  	s17 =	sand.u32 $0xFF, s17  }
0xdf: {  	s19 =	sshll.u32 s17, $0xF  }
0xe0: {  	s22 =	sor.u32 $0x280, s19;
	s20 =	spop (v2sf);
	(v2sf) =	vpush v51, $0x7  }
0xe1: {  	s24 =	sor.u32 $0x1280, s19;
	s21 =	sand.u32 $0xFFFFF80, s20;
	s23 =	spop (v2sf)  }
0xe2: {  	s17 =	sadd.s32 s2, s21;
	s25 =	sand.u32 $0xFFFFF80, s23;
	s26 =	spop (v2sf)  }
0xe3: {  	[tilespmem:s22], [sflag:$0x1] =	stream.strided.gather [hbm4b:s17+s10], $0x1000, s11, s10, $0x38;
	[tilespmem:$0x1C280] =	vst v63  }
0xe4: {  	s18 =	sadd.s32 s2, s25;
	s20 =	sand.u32 $0xFFFFF80, s26;
	s28 =	spop (v2sf)  }
0xe5: {  	[tilespmem:s24], [sflag:$0x1] =	stream.strided.gather [hbm4b:s18+s10], $0x1000, s11, s10, $0x38;
	[tilespmem:$0x1C280] =	vst v63  }
0xe6: {  	s29 =	sor.u32 $0x2280, s19;
	s30 =	sadd.s32 s2, s20;
	s31 =	sand.u32 $0xFFFFF80, s28  }
0xe7: {  	[tilespmem:s29], [sflag:$0x1] =	stream.strided.gather [hbm4b:s30+s10], $0x1000, s11, s10, $0x38;
	[tilespmem:$0x1C280] =	vst v63  }
0xe8: {  	s21 =	spop (v2sf);
	s18 =	sor.u32 $0x3280, s19;
	s20 =	sadd.s32 s2, s31  }
0xe9: {  	[tilespmem:s18], [sflag:$0x1] =	stream.strided.gather [hbm4b:s20+s10], $0x1000, s11, s10, $0x38;
	[tilespmem:$0x1C280] =	vst v63  }
0xea: {  	s22 =	sor.u32 $0x4280, s19;
	s23 =	spop (v2sf);
	s18 =	sand.u32 $0xFFFFF80, s21  }
0xeb: {  	s24 =	spop (v2sf);
	s20 =	sand.u32 $0xFFFFF80, s23;
	s18 =	sadd.s32 s2, s18  }
0xec: {  	[tilespmem:s22], [sflag:$0x1] =	stream.strided.gather [hbm4b:s18+s10], $0x1000, s11, s10, $0x38;
	[tilespmem:$0x1C280] =	vst v63  }
0xed: {  	s25 =	sor.u32 $0x5280, s19;
	s28 =	sand.u32 $0xFFFFF80, s24;
	s26 =	sadd.s32 s2, s20  }
0xee: {  	[tilespmem:s25], [sflag:$0x1] =	stream.strided.gather [hbm4b:s26+s10], $0x1000, s11, s10, $0x38;
	[tilespmem:$0x1C280] =	vst v63  }
0xef: {  	s30 =	sor.u32 $0x6280, s19;
	s31 =	sadd.s32 s2, s28;
	s29 =	spop (v2sf)  }
0xf0: {  	[tilespmem:s30], [sflag:$0x1] =	stream.strided.gather [hbm4b:s31+s10], $0x1000, s11, s10, $0x38;
	[tilespmem:$0x1C280] =	vst v63  }
0xf1: {  	s17 =	simm.s32 $0xF;
	s20 =	sor.u32 $0x7280, s19;
	s21 =	sand.u32 $0xFFFFF80, s29  }
0xf2: {  	s19 =	simm.s32 $0x3;
	s18 =	simm.s32 $0x18;
	s21 =	sadd.s32 s2, s21  }
.LBB2_2:
0xf3: {  	[tilespmem:s20], [sflag:$0x1] =	stream.strided.gather [hbm4b:s21+s10], $0x1000, s11, s10, $0x38;
	[tilespmem:$0x1C280] =	vst v63  }
0xf4: {  	p0 =	sne.s32 s17, $0x1EF;
	s21 =	smov.u32 s17;
	s17 =	sadd.s32 $0x8, s17  }
0xf5: {  	_ =	swait.ge [sflag:s13], $0x1000  }
0xf6: {  	[sflag:s13] =	ssyncset.done $0x0  }
0xf7: {  	[sflag:s13] =	ssyncadd.s32 $0xFFFFF000  }
0xf8: {  	_ =	swait.ge [sflag:s13], $0x1000  }
0xf9: {  	[sflag:s13] =	ssyncset.done $0x0  }
0xfa: {  	[sflag:s13] =	ssyncadd.s32 $0xFFFFF000  }
0xfb: {  	_ =	swait.ge [sflag:s13], $0x1000  }
0xfc: {  	[sflag:s13] =	ssyncset.done $0x0  }
0xfd: {  	[sflag:s13] =	ssyncadd.s32 $0xFFFFF000  }
0xfe: {  	_ =	swait.ge [sflag:s13], $0x1000  }
0xff: {  	[sflag:s13] =	ssyncset.done $0x0  }
0x100: {  	[sflag:s13] =	ssyncadd.s32 $0xFFFFF000  }
0x101: {  	_ =	swait.ge [sflag:s13], $0x1000  }
0x102: {  	[sflag:s13] =	ssyncset.done $0x0  }
0x103: {  	[sflag:s13] =	ssyncadd.s32 $0xFFFFF000  }
0x104: {  	_ =	swait.ge [sflag:s13], $0x1000  }
0x105: {  	[sflag:s13] =	ssyncset.done $0x0  }
0x106: {  	[sflag:s13] =	ssyncadd.s32 $0xFFFFF000  }
0x107: {  	_ =	swait.ge [sflag:s13], $0x1000  }
0x108: {  	[sflag:s13] =	ssyncset.done $0x0  }
0x109: {  	[sflag:s13] =	ssyncadd.s32 $0xFFFFF000  }
0x10a: {  	_ =	swait.ge [sflag:s13], $0x1000  }
0x10b: {  	[sflag:s13] =	ssyncset.done $0x0  }
0x10c: {  	[sflag:s13] =	ssyncadd.s32 $0xFFFFF000  }
0x10d: {  	v51 =	vld [tilespmem:s18+$0xFFFFFFF0];
	_ =	sdelay $0x4  }
0x10e: {  	(v2sf) =	vpush v51, $0x0  }
0x10f: {  	(v2sf) =	vpush v51, $0x1  }
0x110: {  	(v2sf) =	vpush v51, $0x2  }
0x111: {  	s20 =	smul.u32 $0xAB, s19;
	(v2sf) =	vpush v51, $0x3  }
0x112: {  	(v2sf) =	vpush v51, $0x4  }
0x113: {  	s22 =	sadd.s32 $0xFFFFFEAA, s20;
	s20 =	sshrl.u32 s20, $0x9;
	(v2sf) =	vpush v51, $0x5  }
0x114: {  	s22 =	sshrl.u32 s22, $0x9;
	s20 =	sand.u32 $0x7F, s20;
	(v2sf) =	vpush v51, $0x6  }
0x115: {  	s22 =	sand.u32 $0x7F, s22;
	s20 =	smul.u32 $0x3, s20;
	(v2sf) =	vpush v51, $0x7  }
0x116: {  	s22 =	smul.u32 $0x3, s22  }
0x117: {  	s20 =	ssub.s32 s19, s20  }
0x118: {  	s22 =	ssub.s32 s19, s22;
	s20 =	sand.u32 $0xFF, s20  }
0x119: {  	s22 =	sadd.s32 $0xFFFFFFFE, s22;
	s20 =	sshll.u32 s20, $0xF  }
0x11a: {  	s22 =	sand.u32 $0xFF, s22  }
0x11b: {  	s22 =	sshll.u32 s22, $0x8  }
0x11c: {  	s23 =	sor.u32 $0x20, s22;
	s24 =	sor.u32 $0x40, s22;
	s25 =	sor.u32 $0x60, s22;
	v51 =	vmov s22  }
0x11d: {  	s26 =	sor.u32 $0x80, s22;
	s29 =	sor.u32 $0xA0, s22;
	v57 =	vmov s24;
	v52 =	vshll.u32 v51, $0x7;
	v51 =	vmov s23;
	s23 =	spop (v2sf)  }
0x11e: {  	s24 =	sor.u32 $0xC0, s22;
	v53 =	vor.u32 v0, v52;
	v58 =	vshll.u32 v51, $0x7;
	v51 =	vmov s25;
	s30 =	sand.u32 $0x7F, s23;
	s23 =	spop (v2sf)  }
0x11f: {  	s22 =	sor.u32 $0xE0, s22;
	v60 =	vshll.u32 v51, $0x7;
	v51 =	vmov s26;
	v59 =	vor.u32 s30, v53;
	s31 =	sand.u32 $0x7F, s23;
	s23 =	spop (v2sf)  }
0x120: {  	v54 =	vmov s24;
	v51 =	vshll.u32 v51, $0x7;
	v53 =	vmov s29;
	s28 =	sand.u32 $0x7F, s23;
	s26 =	spop (v2sf)  }
0x121: {  	v61 =	vor.u32 v0, v51;
	v62 =	vor.u32 v2, v51;
	v51 =	vshll.u32 v53, $0x7;
	s25 =	spop (v2sf)  }
0x122: {  	v55 =	vor.u32 v0, v51;
	v56 =	vor.u32 v2, v51;
	v51 =	vshll.u32 v54, $0x7;
	s24 =	spop (v2sf)  }
0x123: {  	v53 =	vor.u32 v0, v51;
	v54 =	vor.u32 v2, v51;
	v51 =	vmov s22;
	s23 =	spop (v2sf)  }
0x124: {  	s29 =	sadd.s32 $0xFFFFFFF9, s21;
	v51 =	vshll.u32 v51, $0x7;
	v59 =	vld.idx.msk [tilespmem:v59+s12+$0x0], $0xffff;
	s22 =	spop (v2sf)  }
0x125: {  	v4 =	vor.u32 v2, v52;
	v63 =	vor.u32 s29, v1;
	v52 =	vor.u32 v0, v51  }
0x126: {  	v4 =	vor.u32 s30, v4;
	_ =	sdelay $0x3  }
0x127: {  	[tilespmem:v63+s14+$0x0] =	vst.idx.msk $0xffff, v59  }
0x128: {  	v4 =	vld.idx.msk [tilespmem:v4+s12+$0x0], $0xffff  }
0x129: {  	v59 =	vor.u32 s29, v3;
	v63 =	vor.u32 v0, v58  }
0x12a: {  	v63 =	vor.u32 s31, v63;
	_ =	sdelay $0x3  }
0x12b: {  	[tilespmem:v59+s14+$0x0] =	vst.idx.msk $0xffff, v4  }
0x12c: {  	s29 =	sadd.s32 $0xFFFFFFFA, s21;
	v4 =	vld.idx.msk [tilespmem:v63+s12+$0x0], $0xffff  }
0x12d: {  	v58 =	vor.u32 v2, v58;
	v59 =	vor.u32 s29, v1  }
0x12e: {  	v58 =	vor.u32 s31, v58;
	_ =	sdelay $0x3  }
0x12f: {  	[tilespmem:v59+s14+$0x0] =	vst.idx.msk $0xffff, v4  }
0x130: {  	v57 =	vshll.u32 v57, $0x7;
	v4 =	vld.idx.msk [tilespmem:v58+s12+$0x0], $0xffff  }
0x131: {  	v59 =	vor.u32 v0, v57;
	v58 =	vor.u32 s29, v3  }
0x132: {  	v59 =	vor.u32 s28, v59;
	_ =	sdelay $0x3  }
0x133: {  	[tilespmem:v58+s14+$0x0] =	vst.idx.msk $0xffff, v4  }
0x134: {  	s29 =	sadd.s32 $0xFFFFFFFB, s21;
	v4 =	vld.idx.msk [tilespmem:v59+s12+$0x0], $0xffff  }
0x135: {  	v57 =	vor.u32 v2, v57;
	v58 =	vor.u32 s29, v1  }
0x136: {  	v57 =	vor.u32 s28, v57;
	_ =	sdelay $0x3  }
0x137: {  	[tilespmem:v58+s14+$0x0] =	vst.idx.msk $0xffff, v4  }
0x138: {  	v4 =	vld.idx.msk [tilespmem:v57+s12+$0x0], $0xffff  }
0x139: {  	s26 =	sand.u32 $0x7F, s26;
	v58 =	vor.u32 v0, v60;
	v57 =	vor.u32 s29, v3  }
0x13a: {  	v58 =	vor.u32 s26, v58;
	_ =	sdelay $0x3  }
0x13b: {  	[tilespmem:v57+s14+$0x0] =	vst.idx.msk $0xffff, v4  }
0x13c: {  	s28 =	sadd.s32 $0xFFFFFFFC, s21;
	v4 =	vld.idx.msk [tilespmem:v58+s12+$0x0], $0xffff  }
0x13d: {  	v57 =	vor.u32 s28, v1;
	v58 =	vor.u32 v2, v60  }
0x13e: {  	v58 =	vor.u32 s26, v58;
	_ =	sdelay $0x3  }
0x13f: {  	[tilespmem:v57+s14+$0x0] =	vst.idx.msk $0xffff, v4  }
0x140: {  	v4 =	vld.idx.msk [tilespmem:v58+s12+$0x0], $0xffff  }
0x141: {  	s25 =	sand.u32 $0x7F, s25;
	v57 =	vor.u32 s28, v3  }
0x142: {  	v59 =	vor.u32 s25, v62;
	v58 =	vor.u32 s25, v61;
	_ =	sdelay $0x3  }
0x143: {  	[tilespmem:v57+s14+$0x0] =	vst.idx.msk $0xffff, v4  }
0x144: {  	s25 =	sadd.s32 $0xFFFFFFFD, s21;
	v4 =	vld.idx.msk [tilespmem:v58+s12+$0x0], $0xffff  }
0x145: {  	v57 =	vor.u32 s25, v1;
	_ =	sdelay $0x4  }
0x146: {  	[tilespmem:v57+s14+$0x0] =	vst.idx.msk $0xffff, v4  }
0x147: {  	v4 =	vld.idx.msk [tilespmem:v59+s12+$0x0], $0xffff  }
0x148: {  	s24 =	sand.u32 $0x7F, s24;
	v57 =	vor.u32 s25, v3  }
0x149: {  	v55 =	vor.u32 s24, v55;
	v56 =	vor.u32 s24, v56;
	_ =	sdelay $0x3  }
0x14a: {  	[tilespmem:v57+s14+$0x0] =	vst.idx.msk $0xffff, v4  }
0x14b: {  	s24 =	sadd.s32 $0xFFFFFFFE, s21;
	v4 =	vld.idx.msk [tilespmem:v55+s12+$0x0], $0xffff  }
0x14c: {  	v55 =	vor.u32 s24, v1;
	_ =	sdelay $0x4  }
0x14d: {  	[tilespmem:v55+s14+$0x0] =	vst.idx.msk $0xffff, v4  }
0x14e: {  	v4 =	vld.idx.msk [tilespmem:v56+s12+$0x0], $0xffff  }
0x14f: {  	s23 =	sand.u32 $0x7F, s23;
	v55 =	vor.u32 s24, v3  }
0x150: {  	v53 =	vor.u32 s23, v53;
	v54 =	vor.u32 s23, v54;
	_ =	sdelay $0x3  }
0x151: {  	[tilespmem:v55+s14+$0x0] =	vst.idx.msk $0xffff, v4  }
0x152: {  	s23 =	sadd.s32 $0xFFFFFFFF, s21;
	v4 =	vld.idx.msk [tilespmem:v53+s12+$0x0], $0xffff  }
0x153: {  	v53 =	vor.u32 s23, v1;
	_ =	sdelay $0x4  }
0x154: {  	[tilespmem:v53+s14+$0x0] =	vst.idx.msk $0xffff, v4  }
0x155: {  	v4 =	vld.idx.msk [tilespmem:v54+s12+$0x0], $0xffff  }
0x156: {  	s22 =	sand.u32 $0x7F, s22;
	v53 =	vor.u32 s23, v3  }
0x157: {  	v52 =	vor.u32 s22, v52;
	_ =	sdelay $0x3  }
0x158: {  	[tilespmem:v53+s14+$0x0] =	vst.idx.msk $0xffff, v4  }
0x159: {  	v4 =	vld.idx.msk [tilespmem:v52+s12+$0x0], $0xffff  }
0x15a: {  	v51 =	vor.u32 v2, v51;
	v52 =	vor.u32 s21, v1  }
0x15b: {  	v51 =	vor.u32 s22, v51;
	_ =	sdelay $0x3  }
0x15c: {  	[tilespmem:v52+s14+$0x0] =	vst.idx.msk $0xffff, v4  }
0x15d: {  	v4 =	vld.idx.msk [tilespmem:v51+s12+$0x0], $0xffff  }
0x15e: {  	v51 =	vor.u32 s21, v3;
	_ =	sdelay $0x4  }
0x15f: {  	[tilespmem:v51+s14+$0x0] =	vst.idx.msk $0xffff, v4  }
0x160: {  	v4 =	vld [tilespmem:s18+$0x0];
	_ =	sdelay $0x4  }
0x161: {  	(v2sf) =	vpush v4, $0x0  }
0x162: {  	(v2sf) =	vpush v4, $0x1  }
0x163: {  	(v2sf) =	vpush v4, $0x2;
	_ =	sdelay $0x1  }
0x164: {  	(v2sf) =	vpush v4, $0x3;
	_ =	sdelay $0x1  }
0x165: {  	(v2sf) =	vpush v4, $0x4;
	_ =	sdelay $0x1  }
0x166: {  	(v2sf) =	vpush v4, $0x5;
	_ =	sdelay $0x1  }
0x167: {  	(v2sf) =	vpush v4, $0x6;
	_ =	sdelay $0x1  }
0x168: {  	(v2sf) =	vpush v4, $0x7  }
0x169: {  	s18 =	sadd.s32 $0x8, s18  }
0x16a: {  	s22 =	sor.u32 $0x4280, s20;
	s23 =	sor.u32 $0x5280, s20;
	s21 =	sor.u32 $0x3280, s20  }
0x16b: {  	s25 =	sor.u32 $0x2280, s20;
	s24 =	sor.u32 $0x1280, s20;
	s26 =	spop (v2sf)  }
0x16c: {  	s28 =	sor.u32 $0x280, s20;
	s26 =	sand.u32 $0xFFFFF80, s26;
	s29 =	spop (v2sf)  }
0x16d: {  	s26 =	sadd.s32 s2, s26;
	s29 =	sand.u32 $0xFFFFF80, s29;
	s30 =	spop (v2sf)  }
0x16e: {  	[tilespmem:s28], [sflag:$0x1] =	stream.strided.gather [hbm4b:s26+s10], $0x1000, s11, s10, $0x38;
	[tilespmem:$0x1C280] =	vst v63  }
0x16f: {  	s26 =	sadd.s32 s2, s29;
	s28 =	sand.u32 $0xFFFFF80, s30;
	s29 =	spop (v2sf)  }
0x170: {  	[tilespmem:s24], [sflag:$0x1] =	stream.strided.gather [hbm4b:s26+s10], $0x1000, s11, s10, $0x38;
	[tilespmem:$0x1C280] =	vst v63  }
0x171: {  	s24 =	sadd.s32 s2, s28;
	s26 =	sand.u32 $0xFFFFF80, s29;
	s28 =	spop (v2sf)  }
0x172: {  	[tilespmem:s25], [sflag:$0x1] =	stream.strided.gather [hbm4b:s24+s10], $0x1000, s11, s10, $0x38;
	[tilespmem:$0x1C280] =	vst v63  }
0x173: {  	s24 =	sadd.s32 s2, s26;
	s25 =	sand.u32 $0xFFFFF80, s28;
	s26 =	spop (v2sf)  }
0x174: {  	[tilespmem:s21], [sflag:$0x1] =	stream.strided.gather [hbm4b:s24+s10], $0x1000, s11, s10, $0x38;
	[tilespmem:$0x1C280] =	vst v63  }
0x175: {  	s21 =	sadd.s32 s2, s25;
	s24 =	sand.u32 $0xFFFFF80, s26;
	s25 =	spop (v2sf)  }
0x176: {  	[tilespmem:s22], [sflag:$0x1] =	stream.strided.gather [hbm4b:s21+s10], $0x1000, s11, s10, $0x38;
	[tilespmem:$0x1C280] =	vst v63  }
0x177: {  	s21 =	sadd.s32 s2, s24  }
.Ltmp0:
0x178: {  	s22 =	sand.u32 $0xFFFFF80, s25;
	s24 =	spop (v2sf);
	(pc) =	sbr.rel @p0 .LBB2_2-.Ltmp0, $4  }
0x179: {  	[tilespmem:s23], [sflag:$0x1] =	stream.strided.gather [hbm4b:s21+s10], $0x1000, s11, s10, $0x38;
	[tilespmem:$0x1C280] =	vst v63  }
0x17a: {  	s22 =	sadd.s32 s2, s22;
	s21 =	sor.u32 $0x6280, s20;
	s23 =	sand.u32 $0xFFFFF80, s24  }
0x17b: {  	[tilespmem:s21], [sflag:$0x1] =	stream.strided.gather [hbm4b:s22+s10], $0x1000, s11, s10, $0x38;
	[tilespmem:$0x1C280] =	vst v63  }
0x17c: {  	s19 =	sadd.s32 $0x1, s19;
	s20 =	sor.u32 $0x7280, s20;
	s21 =	sadd.s32 s2, s23  }
0x17d: {  	[tilespmem:s20], [sflag:$0x1] =	stream.strided.gather [hbm4b:s21+s10], $0x1000, s11, s10, $0x38;
	[tilespmem:$0x1C280] =	vst v63  }
0x17e: {  	_ =	swait.ge [sflag:s13], $0x1000  }
0x17f: {  	[sflag:s13] =	ssyncset.done $0x0  }
0x180: {  	[sflag:s13] =	ssyncadd.s32 $0xFFFFF000  }
0x181: {  	_ =	swait.ge [sflag:s13], $0x1000  }
0x182: {  	[sflag:s13] =	ssyncset.done $0x0  }
0x183: {  	[sflag:s13] =	ssyncadd.s32 $0xFFFFF000  }
0x184: {  	_ =	swait.ge [sflag:s13], $0x1000  }
0x185: {  	[sflag:s13] =	ssyncset.done $0x0  }
0x186: {  	[sflag:s13] =	ssyncadd.s32 $0xFFFFF000  }
0x187: {  	_ =	swait.ge [sflag:s13], $0x1000  }
0x188: {  	[sflag:s13] =	ssyncset.done $0x0  }
0x189: {  	[sflag:s13] =	ssyncadd.s32 $0xFFFFF000  }
0x18a: {  	_ =	swait.ge [sflag:s13], $0x1000  }
0x18b: {  	[sflag:s13] =	ssyncset.done $0x0  }
0x18c: {  	[sflag:s13] =	ssyncadd.s32 $0xFFFFF000  }
0x18d: {  	_ =	swait.ge [sflag:s13], $0x1000  }
0x18e: {  	[sflag:s13] =	ssyncset.done $0x0  }
0x18f: {  	[sflag:s13] =	ssyncadd.s32 $0xFFFFF000  }
0x190: {  	_ =	swait.ge [sflag:s13], $0x1000  }
0x191: {  	[sflag:s13] =	ssyncset.done $0x0  }
0x192: {  	[sflag:s13] =	ssyncadd.s32 $0xFFFFF000  }
0x193: {  	_ =	swait.ge [sflag:s13], $0x1000  }
0x194: {  	[sflag:s13] =	ssyncset.done $0x0  }
0x195: {  	[sflag:s13] =	ssyncadd.s32 $0xFFFFF000  }
0x196: {  	v4 =	vld [tilespmem:$0x1F0];
	_ =	sdelay $0x4  }
0x197: {  	(v2sf) =	vpush v4, $0x0;
	_ =	sdelay $0xb  }
0x198: {  	v51 =	vld [tilespmem:$0x1FFF0];
	(v2sf) =	vpush v4, $0x1;
	_ =	sdelay $0x2  }
0x199: {  	s17 =	spop (v2sf)  }
0x19a: {  	s17 =	sand.u32 $0x7F, s17  }
0x19b: {  	v51 =	vor.u32 s17, v51;
	_ =	sdelay $0x4  }
0x19c: {  	v51 =	vld.idx.msk [tilespmem:v51+s12+$0x0], $0xffff  }
0x19d: {  	v52 =	vor.u32 s17, v6  }
0x19e: {  	(v2sf) =	vpush v4, $0x2;
	_ =	sdelay $0x2  }
0x19f: {  	s22 =	spop (v2sf);
	[tilespmem:v5+s14+$0x0] =	vst.idx.msk $0xffff, v51  }
0x1a0: {  	s17 =	sand.u32 $0x7F, s22;
	v51 =	vld.idx.msk [tilespmem:v52+s12+$0x0], $0xffff  }
0x1a1: {  	v61 =	vor.u32 s17, v8;
	_ =	sdelay $0x3  }
0x1a2: {  	[tilespmem:v7+s14+$0x0] =	vst.idx.msk $0xffff, v51  }
0x1a3: {  	v51 =	vld.idx.msk [tilespmem:v61+s12+$0x0], $0xffff  }
0x1a4: {  	v62 =	vor.u32 s17, v10  }
0x1a5: {  	(v2sf) =	vpush v4, $0x3;
	_ =	sdelay $0x2  }
0x1a6: {  	s23 =	spop (v2sf);
	[tilespmem:v9+s14+$0x0] =	vst.idx.msk $0xffff, v51  }
0x1a7: {  	s17 =	sand.u32 $0x7F, s23;
	v51 =	vld.idx.msk [tilespmem:v62+s12+$0x0], $0xffff  }
0x1a8: {  	v63 =	vor.u32 s17, v12;
	_ =	sdelay $0x3  }
0x1a9: {  	[tilespmem:v11+s14+$0x0] =	vst.idx.msk $0xffff, v51  }
0x1aa: {  	v51 =	vld.idx.msk [tilespmem:v63+s12+$0x0], $0xffff  }
0x1ab: {  	v56 =	vor.u32 s17, v14  }
0x1ac: {  	(v2sf) =	vpush v4, $0x4;
	_ =	sdelay $0x2  }
0x1ad: {  	s24 =	spop (v2sf);
	[tilespmem:v13+s14+$0x0] =	vst.idx.msk $0xffff, v51  }
0x1ae: {  	s17 =	sand.u32 $0x7F, s24;
	v51 =	vld.idx.msk [tilespmem:v56+s12+$0x0], $0xffff  }
0x1af: {  	v57 =	vor.u32 s17, v16;
	_ =	sdelay $0x3  }
0x1b0: {  	[tilespmem:v15+s14+$0x0] =	vst.idx.msk $0xffff, v51  }
0x1b1: {  	v51 =	vld.idx.msk [tilespmem:v57+s12+$0x0], $0xffff  }
0x1b2: {  	v58 =	vor.u32 s17, v18  }
0x1b3: {  	(v2sf) =	vpush v4, $0x5;
	_ =	sdelay $0x2  }
0x1b4: {  	s25 =	spop (v2sf);
	[tilespmem:v17+s14+$0x0] =	vst.idx.msk $0xffff, v51  }
0x1b5: {  	s17 =	sand.u32 $0x7F, s25;
	v51 =	vld.idx.msk [tilespmem:v58+s12+$0x0], $0xffff  }
0x1b6: {  	v59 =	vor.u32 s17, v20;
	_ =	sdelay $0x3  }
0x1b7: {  	[tilespmem:v19+s14+$0x0] =	vst.idx.msk $0xffff, v51  }
0x1b8: {  	v51 =	vld.idx.msk [tilespmem:v59+s12+$0x0], $0xffff  }
0x1b9: {  	v60 =	vor.u32 s17, v22  }
0x1ba: {  	(v2sf) =	vpush v4, $0x6;
	_ =	sdelay $0x2  }
0x1bb: {  	s26 =	spop (v2sf);
	[tilespmem:v21+s14+$0x0] =	vst.idx.msk $0xffff, v51  }
0x1bc: {  	s17 =	sand.u32 $0x7F, s26;
	v51 =	vld.idx.msk [tilespmem:v60+s12+$0x0], $0xffff  }
0x1bd: {  	v61 =	vor.u32 s17, v24;
	_ =	sdelay $0x3  }
0x1be: {  	[tilespmem:v23+s14+$0x0] =	vst.idx.msk $0xffff, v51  }
0x1bf: {  	v51 =	vld.idx.msk [tilespmem:v61+s12+$0x0], $0xffff  }
0x1c0: {  	v62 =	vor.u32 s17, v26  }
0x1c1: {  	(v2sf) =	vpush v4, $0x7;
	_ =	sdelay $0x2  }
0x1c2: {  	s28 =	spop (v2sf);
	[tilespmem:v25+s14+$0x0] =	vst.idx.msk $0xffff, v51  }
0x1c3: {  	s17 =	sand.u32 $0x7F, s28;
	v4 =	vld.idx.msk [tilespmem:v62+s12+$0x0], $0xffff  }
0x1c4: {  	v63 =	vor.u32 s17, v28;
	_ =	sdelay $0x3  }
0x1c5: {  	[tilespmem:v27+s14+$0x0] =	vst.idx.msk $0xffff, v4  }
0x1c6: {  	v4 =	vld.idx.msk [tilespmem:v63+s12+$0x0], $0xffff  }
0x1c7: {  	v54 =	vor.u32 s17, v30;
	_ =	sdelay $0x3  }
0x1c8: {  	s29 =	spop (v2sf);
	[tilespmem:v29+s14+$0x0] =	vst.idx.msk $0xffff, v4  }
0x1c9: {  	s17 =	sand.u32 $0x7F, s29;
	v4 =	vld.idx.msk [tilespmem:v54+s12+$0x0], $0xffff  }
0x1ca: {  	v55 =	vor.u32 s17, v32;
	_ =	sdelay $0x3  }
0x1cb: {  	[tilespmem:v31+s14+$0x0] =	vst.idx.msk $0xffff, v4  }
0x1cc: {  	v4 =	vld.idx.msk [tilespmem:v55+s12+$0x0], $0xffff  }
0x1cd: {  	v56 =	vor.u32 s17, v34;
	_ =	sdelay $0x3  }
0x1ce: {  	[tilespmem:v33+s14+$0x0] =	vst.idx.msk $0xffff, v4  }
0x1cf: {  	v4 =	vld.idx.msk [tilespmem:v56+s12+$0x0], $0xffff;
	_ =	sdelay $0x4  }
0x1d0: {  	[tilespmem:v35+s14+$0x0] =	vst.idx.msk $0xffff, v4  }
0x1d1: {  	_ =	swait.ge [sflag:s13], $0x1000  }
0x1d2: {  	[sflag:s13] =	ssyncset.done $0x0  }
0x1d3: {  	[sflag:s13] =	ssyncadd.s32 $0xFFFFF000  }
0x1d4: {  	_ =	swait.ge [sflag:s13], $0x1000  }
0x1d5: {  	[sflag:s13] =	ssyncset.done $0x0  }
0x1d6: {  	[sflag:s13] =	ssyncadd.s32 $0xFFFFF000  }
0x1d7: {  	_ =	swait.ge [sflag:s13], $0x1000  }
0x1d8: {  	[sflag:s13] =	ssyncset.done $0x0  }
0x1d9: {  	[sflag:s13] =	ssyncadd.s32 $0xFFFFF000  }
0x1da: {  	_ =	swait.ge [sflag:s13], $0x1000  }
0x1db: {  	[sflag:s13] =	ssyncset.done $0x0  }
0x1dc: {  	[sflag:s13] =	ssyncadd.s32 $0xFFFFF000  }
0x1dd: {  	_ =	swait.ge [sflag:s13], $0x1000  }
0x1de: {  	[sflag:s13] =	ssyncset.done $0x0  }
0x1df: {  	[sflag:s13] =	ssyncadd.s32 $0xFFFFF000  }
0x1e0: {  	_ =	swait.ge [sflag:s13], $0x1000  }
0x1e1: {  	[sflag:s13] =	ssyncset.done $0x0  }
0x1e2: {  	[sflag:s13] =	ssyncadd.s32 $0xFFFFF000  }
0x1e3: {  	_ =	swait.ge [sflag:s13], $0x1000  }
0x1e4: {  	[sflag:s13] =	ssyncset.done $0x0  }
0x1e5: {  	[sflag:s13] =	ssyncadd.s32 $0xFFFFF000  }
0x1e6: {  	_ =	swait.ge [sflag:s13], $0x1000  }
0x1e7: {  	[sflag:s13] =	ssyncset.done $0x0  }
0x1e8: {  	[sflag:s13] =	ssyncadd.s32 $0xFFFFF000  }
0x1e9: {  	v4 =	vld [tilespmem:$0x1F8];
	_ =	sdelay $0x4  }
0x1ea: {  	(v2sf) =	vpush v4, $0x0;
	_ =	sdelay $0xb  }
0x1eb: {  	(v2sf) =	vpush v4, $0x1;
	_ =	sdelay $0x2  }
0x1ec: {  	s30 =	spop (v2sf)  }
0x1ed: {  	s17 =	sand.u32 $0x7F, s30  }
0x1ee: {  	v57 =	vor.u32 s17, v0;
	_ =	sdelay $0x4  }
0x1ef: {  	v51 =	vld.idx.msk [tilespmem:v57+s12+$0x0], $0xffff  }
0x1f0: {  	v58 =	vor.u32 s17, v2  }
0x1f1: {  	(v2sf) =	vpush v4, $0x2;
	_ =	sdelay $0x2  }
0x1f2: {  	s31 =	spop (v2sf);
	[tilespmem:v36+s14+$0x0] =	vst.idx.msk $0xffff, v51  }
0x1f3: {  	s17 =	sand.u32 $0x7F, s31;
	v51 =	vld.idx.msk [tilespmem:v58+s12+$0x0], $0xffff  }
0x1f4: {  	v59 =	vor.u32 s17, v38;
	_ =	sdelay $0x3  }
0x1f5: {  	[tilespmem:v37+s14+$0x0] =	vst.idx.msk $0xffff, v51  }
0x1f6: {  	v51 =	vld.idx.msk [tilespmem:v59+s12+$0x0], $0xffff  }
0x1f7: {  	v60 =	vor.u32 s17, v40  }
0x1f8: {  	(v2sf) =	vpush v4, $0x3;
	_ =	sdelay $0x2  }
0x1f9: {  	s18 =	spop (v2sf);
	[tilespmem:v39+s14+$0x0] =	vst.idx.msk $0xffff, v51  }
0x1fa: {  	s17 =	sand.u32 $0x7F, s18;
	v51 =	vld.idx.msk [tilespmem:v60+s12+$0x0], $0xffff  }
0x1fb: {  	v61 =	vor.u32 s17, v42;
	_ =	sdelay $0x3  }
0x1fc: {  	[tilespmem:v41+s14+$0x0] =	vst.idx.msk $0xffff, v51  }
0x1fd: {  	v51 =	vld.idx.msk [tilespmem:v61+s12+$0x0], $0xffff  }
0x1fe: {  	v62 =	vor.u32 s17, v44  }
0x1ff: {  	(v2sf) =	vpush v4, $0x4;
	_ =	sdelay $0x2  }
0x200: {  	s19 =	spop (v2sf);
	[tilespmem:v43+s14+$0x0] =	vst.idx.msk $0xffff, v51  }
0x201: {  	s17 =	sand.u32 $0x7F, s19;
	v51 =	vld.idx.msk [tilespmem:v62+s12+$0x0], $0xffff  }
0x202: {  	v63 =	vor.u32 s17, v46;
	_ =	sdelay $0x3  }
0x203: {  	[tilespmem:v45+s14+$0x0] =	vst.idx.msk $0xffff, v51  }
0x204: {  	v51 =	vld.idx.msk [tilespmem:v63+s12+$0x0], $0xffff  }
0x205: {  	v56 =	vor.u32 s17, v48  }
0x206: {  	(v2sf) =	vpush v4, $0x5;
	_ =	sdelay $0x2  }
0x207: {  	s20 =	spop (v2sf);
	[tilespmem:v47+s14+$0x0] =	vst.idx.msk $0xffff, v51  }
0x208: {  	s17 =	sand.u32 $0x7F, s20;
	v51 =	vld.idx.msk [tilespmem:v56+s12+$0x0], $0xffff  }
0x209: {  	v57 =	vor.u32 s17, v50;
	_ =	sdelay $0x3  }
0x20a: {  	[tilespmem:v49+s14+$0x0] =	vst.idx.msk $0xffff, v51  }
0x20b: {  	v53 =	vor.u32 $0x4800, v0;
	v58 =	vor.u32 $0x1FC, v1;
	v51 =	vld.idx.msk [tilespmem:v57+s12+$0x0], $0xffff  }
0x20c: {  	v53 =	vor.u32 s17, v53  }
0x20d: {  	(v2sf) =	vpush v4, $0x6;
	_ =	sdelay $0x2  }
0x20e: {  	s21 =	spop (v2sf);
	[tilespmem:v58+s14+$0x0] =	vst.idx.msk $0xffff, v51  }
0x20f: {  	v59 =	vor.u32 $0x21FC, v1;
	v60 =	vor.u32 $0x5000, v0;
	s17 =	sand.u32 $0x7F, s21;
	v51 =	vld.idx.msk [tilespmem:v53+s12+$0x0], $0xffff  }
0x210: {  	v53 =	vor.u32 s17, v60;
	_ =	sdelay $0x3  }
0x211: {  	[tilespmem:v59+s14+$0x0] =	vst.idx.msk $0xffff, v51  }
0x212: {  	v61 =	vor.u32 $0x1FD, v1;
	v62 =	vor.u32 $0x5800, v0;
	v51 =	vld.idx.msk [tilespmem:v53+s12+$0x0], $0xffff  }
0x213: {  	v53 =	vor.u32 s17, v62  }
0x214: {  	(v2sf) =	vpush v4, $0x7;
	_ =	sdelay $0x2  }
0x215: {  	s22 =	spop (v2sf);
	[tilespmem:v61+s14+$0x0] =	vst.idx.msk $0xffff, v51  }
0x216: {  	v63 =	vor.u32 $0x21FD, v1;
	v56 =	vor.u32 $0x6000, v0;
	s17 =	sand.u32 $0x7F, s22;
	v4 =	vld.idx.msk [tilespmem:v53+s12+$0x0], $0xffff  }
0x217: {  	v52 =	vor.u32 s17, v56;
	_ =	sdelay $0x3  }
0x218: {  	[tilespmem:v63+s14+$0x0] =	vst.idx.msk $0xffff, v4  }
0x219: {  	v57 =	vor.u32 $0x1FE, v1;
	v58 =	vor.u32 $0x6800, v0;
	v4 =	vld.idx.msk [tilespmem:v52+s12+$0x0], $0xffff  }
0x21a: {  	v52 =	vor.u32 s17, v58;
	_ =	sdelay $0x3  }
0x21b: {  	s23 =	spop (v2sf);
	[tilespmem:v57+s14+$0x0] =	vst.idx.msk $0xffff, v4  }
0x21c: {  	v60 =	vor.u32 $0x7000, v0;
	v59 =	vor.u32 $0x21FE, v1;
	s17 =	sand.u32 $0x7F, s23;
	v4 =	vld.idx.msk [tilespmem:v52+s12+$0x0], $0xffff  }
0x21d: {  	v52 =	vor.u32 s17, v60;
	_ =	sdelay $0x3  }
0x21e: {  	[tilespmem:v59+s14+$0x0] =	vst.idx.msk $0xffff, v4  }
0x21f: {  	v62 =	vor.u32 $0x7800, v0;
	v61 =	vor.u32 $0x1FF, v1;
	v4 =	vld.idx.msk [tilespmem:v52+s12+$0x0], $0xffff  }
0x220: {  	v52 =	vor.u32 s17, v62;
	_ =	sdelay $0x3  }
0x221: {  	[tilespmem:v61+s14+$0x0] =	vst.idx.msk $0xffff, v4  }
0x222: {  	v63 =	vor.u32 $0x21FF, v1;
	v4 =	vld.idx.msk [tilespmem:v52+s12+$0x0], $0xffff;
	_ =	sdelay $0x4  }
0x223: {  	[tilespmem:v63+s14+$0x0] =	vst.idx.msk $0xffff, v4  }
0x224: {  	[hbm4b:s4+s3] =	stream.linear.scatter [tilespmem:s14], [sflag:$0x2], $0x200, $0x38;
	[tilespmem:$0x1C280] =	vst v63  }
0x225: {  	_ =	swait.ge [sflag:s15], $0x200  }
0x226: {  	[sflag:s15] =	ssyncset.done $0x0  }
0x227: {  	s18 =	simm.s32 $0x18480;
	s24 =	rddreg [dreg:$0x5];
	[sflag:s15] =	ssyncadd.s32 $0xFFFFFE00  }
0x228: {  	[hbm4b:s24+s3] =	stream.linear.scatter [tilespmem:s18], [sflag:$0x2], $0x200, $0x38;
	[tilespmem:$0x1C280] =	vst v63  }
0x229: {  	_ =	swait.ge [sflag:s15], $0x200  }
0x22a: {  	[sflag:s15] =	ssyncset.done $0x0  }
0x22b: {  	s26 =	simm.s32 $0x18680;
	s25 =	rddreg [dreg:$0x6];
	[sflag:s15] =	ssyncadd.s32 $0xFFFFFE00  }
0x22c: {  	[hbm4b:s25+s3] =	stream.linear.scatter [tilespmem:s26], [sflag:$0x2], $0x200, $0x38;
	[tilespmem:$0x1C280] =	vst v63  }
0x22d: {  	_ =	swait.ge [sflag:s15], $0x200  }
0x22e: {  	[sflag:s15] =	ssyncset.done $0x0  }
0x22f: {  	s29 =	simm.s32 $0x18880;
	s28 =	rddreg [dreg:$0x7];
	[sflag:s15] =	ssyncadd.s32 $0xFFFFFE00  }
0x230: {  	[hbm4b:s28+s3] =	stream.linear.scatter [tilespmem:s29], [sflag:$0x2], $0x200, $0x38;
	[tilespmem:$0x1C280] =	vst v63  }
0x231: {  	_ =	swait.ge [sflag:s15], $0x200  }
0x232: {  	[sflag:s15] =	ssyncset.done $0x0  }
0x233: {  	s31 =	simm.s32 $0x18A80;
	s30 =	rddreg [dreg:$0x8];
	[sflag:s15] =	ssyncadd.s32 $0xFFFFFE00  }
0x234: {  	[hbm4b:s30+s3] =	stream.linear.scatter [tilespmem:s31], [sflag:$0x2], $0x200, $0x38;
	[tilespmem:$0x1C280] =	vst v63  }
0x235: {  	_ =	swait.ge [sflag:s15], $0x200  }
0x236: {  	[sflag:s15] =	ssyncset.done $0x0  }
0x237: {  	s20 =	simm.s32 $0x18C80;
	s19 =	rddreg [dreg:$0x9];
	[sflag:s15] =	ssyncadd.s32 $0xFFFFFE00  }
0x238: {  	[hbm4b:s19+s3] =	stream.linear.scatter [tilespmem:s20], [sflag:$0x2], $0x200, $0x38;
	[tilespmem:$0x1C280] =	vst v63  }
0x239: {  	_ =	swait.ge [sflag:s15], $0x200  }
0x23a: {  	[sflag:s15] =	ssyncset.done $0x0  }
0x23b: {  	s22 =	simm.s32 $0x18E80;
	s21 =	rddreg [dreg:$0xa];
	[sflag:s15] =	ssyncadd.s32 $0xFFFFFE00  }
0x23c: {  	[hbm4b:s21+s3] =	stream.linear.scatter [tilespmem:s22], [sflag:$0x2], $0x200, $0x38;
	[tilespmem:$0x1C280] =	vst v63  }
0x23d: {  	_ =	swait.ge [sflag:s15], $0x200  }
0x23e: {  	[sflag:s15] =	ssyncset.done $0x0  }
0x23f: {  	s24 =	simm.s32 $0x19080;
	s23 =	rddreg [dreg:$0xb];
	[sflag:s15] =	ssyncadd.s32 $0xFFFFFE00  }
0x240: {  	[hbm4b:s23+s3] =	stream.linear.scatter [tilespmem:s24], [sflag:$0x2], $0x200, $0x38;
	[tilespmem:$0x1C280] =	vst v63  }
0x241: {  	_ =	swait.ge [sflag:s15], $0x200  }
0x242: {  	[sflag:s15] =	ssyncset.done $0x0  }
0x243: {  	s26 =	simm.s32 $0x19280;
	s25 =	rddreg [dreg:$0xc];
	[sflag:s15] =	ssyncadd.s32 $0xFFFFFE00  }
0x244: {  	[hbm4b:s25+s3] =	stream.linear.scatter [tilespmem:s26], [sflag:$0x2], $0x200, $0x38;
	[tilespmem:$0x1C280] =	vst v63  }
0x245: {  	_ =	swait.ge [sflag:s15], $0x200  }
0x246: {  	[sflag:s15] =	ssyncset.done $0x0  }
0x247: {  	s29 =	simm.s32 $0x19480;
	s28 =	rddreg [dreg:$0xd];
	[sflag:s15] =	ssyncadd.s32 $0xFFFFFE00  }
0x248: {  	[hbm4b:s28+s3] =	stream.linear.scatter [tilespmem:s29], [sflag:$0x2], $0x200, $0x38;
	[tilespmem:$0x1C280] =	vst v63  }
0x249: {  	_ =	swait.ge [sflag:s15], $0x200  }
0x24a: {  	[sflag:s15] =	ssyncset.done $0x0  }
0x24b: {  	s31 =	simm.s32 $0x19680;
	s30 =	rddreg [dreg:$0xe];
	[sflag:s15] =	ssyncadd.s32 $0xFFFFFE00  }
0x24c: {  	[hbm4b:s30+s3] =	stream.linear.scatter [tilespmem:s31], [sflag:$0x2], $0x200, $0x38;
	[tilespmem:$0x1C280] =	vst v63  }
0x24d: {  	_ =	swait.ge [sflag:s15], $0x200  }
0x24e: {  	[sflag:s15] =	ssyncset.done $0x0  }
0x24f: {  	s20 =	simm.s32 $0x19880;
	s19 =	rddreg [dreg:$0xf];
	[sflag:s15] =	ssyncadd.s32 $0xFFFFFE00  }
0x250: {  	[hbm4b:s19+s3] =	stream.linear.scatter [tilespmem:s20], [sflag:$0x2], $0x200, $0x38;
	[tilespmem:$0x1C280] =	vst v63  }
0x251: {  	_ =	swait.ge [sflag:s15], $0x200  }
0x252: {  	[sflag:s15] =	ssyncset.done $0x0  }
0x253: {  	s22 =	simm.s32 $0x19A80;
	s21 =	rddreg [dreg:$0x10];
	[sflag:s15] =	ssyncadd.s32 $0xFFFFFE00  }
0x254: {  	[hbm4b:s21+s3] =	stream.linear.scatter [tilespmem:s22], [sflag:$0x2], $0x200, $0x38;
	[tilespmem:$0x1C280] =	vst v63  }
0x255: {  	_ =	swait.ge [sflag:s15], $0x200  }
0x256: {  	[sflag:s15] =	ssyncset.done $0x0  }
0x257: {  	s24 =	simm.s32 $0x19C80;
	s23 =	rddreg [dreg:$0x11];
	[sflag:s15] =	ssyncadd.s32 $0xFFFFFE00  }
0x258: {  	[hbm4b:s23+s3] =	stream.linear.scatter [tilespmem:s24], [sflag:$0x2], $0x200, $0x38;
	[tilespmem:$0x1C280] =	vst v63  }
0x259: {  	_ =	swait.ge [sflag:s15], $0x200  }
0x25a: {  	[sflag:s15] =	ssyncset.done $0x0  }
0x25b: {  	s26 =	simm.s32 $0x19E80;
	s25 =	rddreg [dreg:$0x12];
	[sflag:s15] =	ssyncadd.s32 $0xFFFFFE00  }
0x25c: {  	[hbm4b:s25+s3] =	stream.linear.scatter [tilespmem:s26], [sflag:$0x2], $0x200, $0x38;
	[tilespmem:$0x1C280] =	vst v63  }
0x25d: {  	_ =	swait.ge [sflag:s15], $0x200  }
0x25e: {  	[sflag:s15] =	ssyncset.done $0x0  }
0x25f: {  	s29 =	simm.s32 $0x1A080;
	s28 =	rddreg [dreg:$0x13];
	[sflag:s15] =	ssyncadd.s32 $0xFFFFFE00  }
0x260: {  	[hbm4b:s28+s3] =	stream.linear.scatter [tilespmem:s29], [sflag:$0x2], $0x200, $0x38;
	[tilespmem:$0x1C280] =	vst v63  }
0x261: {  	_ =	swait.ge [sflag:s15], $0x200  }
0x262: {  	[sflag:s15] =	ssyncset.done $0x0  }
0x263: {  	s31 =	simm.s32 $0x1A280;
	s30 =	rddreg [dreg:$0x14];
	[sflag:s15] =	ssyncadd.s32 $0xFFFFFE00  }
0x264: {  	[hbm4b:s30+s3] =	stream.linear.scatter [tilespmem:s31], [sflag:$0x2], $0x200, $0x38;
	[tilespmem:$0x1C280] =	vst v63  }
0x265: {  	_ =	swait.ge [sflag:s15], $0x200  }
0x266: {  	[sflag:s15] =	ssyncset.done $0x0  }
0x267: {  	s20 =	simm.s32 $0x1A480;
	s19 =	rddreg [dreg:$0x15];
	[sflag:s15] =	ssyncadd.s32 $0xFFFFFE00  }
0x268: {  	[hbm4b:s19+s3] =	stream.linear.scatter [tilespmem:s20], [sflag:$0x2], $0x200, $0x38;
	[tilespmem:$0x1C280] =	vst v63  }
0x269: {  	_ =	swait.ge [sflag:s15], $0x200  }
0x26a: {  	[sflag:s15] =	ssyncset.done $0x0  }
0x26b: {  	s22 =	simm.s32 $0x1A680;
	s21 =	rddreg [dreg:$0x16];
	[sflag:s15] =	ssyncadd.s32 $0xFFFFFE00  }
0x26c: {  	[hbm4b:s21+s3] =	stream.linear.scatter [tilespmem:s22], [sflag:$0x2], $0x200, $0x38;
	[tilespmem:$0x1C280] =	vst v63  }
0x26d: {  	_ =	swait.ge [sflag:s15], $0x200  }
0x26e: {  	[sflag:s15] =	ssyncset.done $0x0  }
0x26f: {  	s24 =	simm.s32 $0x1A880;
	s23 =	rddreg [dreg:$0x17];
	[sflag:s15] =	ssyncadd.s32 $0xFFFFFE00  }
0x270: {  	[hbm4b:s23+s3] =	stream.linear.scatter [tilespmem:s24], [sflag:$0x2], $0x200, $0x38;
	[tilespmem:$0x1C280] =	vst v63  }
0x271: {  	_ =	swait.ge [sflag:s15], $0x200  }
0x272: {  	[sflag:s15] =	ssyncset.done $0x0  }
0x273: {  	s26 =	simm.s32 $0x1AA80;
	s25 =	rddreg [dreg:$0x19];
	[sflag:s15] =	ssyncadd.s32 $0xFFFFFE00  }
0x274: {  	[hbm4b:s25+s3] =	stream.linear.scatter [tilespmem:s26], [sflag:$0x2], $0x200, $0x38;
	[tilespmem:$0x1C280] =	vst v63  }
0x275: {  	_ =	swait.ge [sflag:s15], $0x200  }
0x276: {  	[sflag:s15] =	ssyncset.done $0x0  }
0x277: {  	s29 =	simm.s32 $0x1AC80;
	s28 =	rddreg [dreg:$0x1a];
	[sflag:s15] =	ssyncadd.s32 $0xFFFFFE00  }
0x278: {  	[hbm4b:s28+s3] =	stream.linear.scatter [tilespmem:s29], [sflag:$0x2], $0x200, $0x38;
	[tilespmem:$0x1C280] =	vst v63  }
0x279: {  	_ =	swait.ge [sflag:s15], $0x200  }
0x27a: {  	[sflag:s15] =	ssyncset.done $0x0  }
0x27b: {  	s31 =	simm.s32 $0x1AE80;
	s30 =	rddreg [dreg:$0x1b];
	[sflag:s15] =	ssyncadd.s32 $0xFFFFFE00  }
0x27c: {  	[hbm4b:s30+s3] =	stream.linear.scatter [tilespmem:s31], [sflag:$0x2], $0x200, $0x38;
	[tilespmem:$0x1C280] =	vst v63  }
0x27d: {  	_ =	swait.ge [sflag:s15], $0x200  }
0x27e: {  	[sflag:s15] =	ssyncset.done $0x0  }
0x27f: {  	s20 =	simm.s32 $0x1B080;
	s19 =	rddreg [dreg:$0x1c];
	[sflag:s15] =	ssyncadd.s32 $0xFFFFFE00  }
0x280: {  	[hbm4b:s19+s3] =	stream.linear.scatter [tilespmem:s20], [sflag:$0x2], $0x200, $0x38;
	[tilespmem:$0x1C280] =	vst v63  }
0x281: {  	_ =	swait.ge [sflag:s15], $0x200  }
0x282: {  	[sflag:s15] =	ssyncset.done $0x0  }
0x283: {  	s22 =	simm.s32 $0x1B280;
	s21 =	rddreg [dreg:$0x1d];
	[sflag:s15] =	ssyncadd.s32 $0xFFFFFE00  }
0x284: {  	[hbm4b:s21+s3] =	stream.linear.scatter [tilespmem:s22], [sflag:$0x2], $0x200, $0x38;
	[tilespmem:$0x1C280] =	vst v63  }
0x285: {  	_ =	swait.ge [sflag:s15], $0x200  }
0x286: {  	[sflag:s15] =	ssyncset.done $0x0  }
0x287: {  	s23 =	simm.s32 $0x1B480;
	[sflag:s15] =	ssyncadd.s32 $0xFFFFFE00  }
0x288: {  	[hbm4b:s0+s3] =	stream.linear.scatter [tilespmem:s23], [sflag:$0x2], $0x200, $0x38;
	[tilespmem:$0x1C280] =	vst v63  }
0x289: {  	_ =	swait.ge [sflag:s15], $0x200  }
0x28a: {  	[sflag:s15] =	ssyncset.done $0x0  }
0x28b: {  	s24 =	simm.s32 $0x1B680;
	[sflag:s15] =	ssyncadd.s32 $0xFFFFFE00  }
0x28c: {  	[hbm4b:s1+s3] =	stream.linear.scatter [tilespmem:s24], [sflag:$0x2], $0x200, $0x38;
	[tilespmem:$0x1C280] =	vst v63  }
0x28d: {  	_ =	swait.ge [sflag:s15], $0x200  }
0x28e: {  	[sflag:s15] =	ssyncset.done $0x0  }
0x28f: {  	s25 =	simm.s32 $0x1B880;
	[sflag:s15] =	ssyncadd.s32 $0xFFFFFE00  }
0x290: {  	[hbm4b:s5+s3] =	stream.linear.scatter [tilespmem:s25], [sflag:$0x2], $0x200, $0x38;
	[tilespmem:$0x1C280] =	vst v63  }
0x291: {  	_ =	swait.ge [sflag:s15], $0x200  }
0x292: {  	[sflag:s15] =	ssyncset.done $0x0  }
0x293: {  	s26 =	simm.s32 $0x1BA80;
	[sflag:s15] =	ssyncadd.s32 $0xFFFFFE00  }
0x294: {  	[hbm4b:s6+s3] =	stream.linear.scatter [tilespmem:s26], [sflag:$0x2], $0x200, $0x38;
	[tilespmem:$0x1C280] =	vst v63  }
0x295: {  	_ =	swait.ge [sflag:s15], $0x200  }
0x296: {  	[sflag:s15] =	ssyncset.done $0x0  }
0x297: {  	s28 =	simm.s32 $0x1BC80;
	[sflag:s15] =	ssyncadd.s32 $0xFFFFFE00  }
0x298: {  	[hbm4b:s7+s3] =	stream.linear.scatter [tilespmem:s28], [sflag:$0x2], $0x200, $0x38;
	[tilespmem:$0x1C280] =	vst v63  }
0x299: {  	_ =	swait.ge [sflag:s15], $0x200  }
0x29a: {  	[sflag:s15] =	ssyncset.done $0x0  }
0x29b: {  	s29 =	simm.s32 $0x1BE80;
	[sflag:s15] =	ssyncadd.s32 $0xFFFFFE00  }
0x29c: {  	[hbm4b:s8+s3] =	stream.linear.scatter [tilespmem:s29], [sflag:$0x2], $0x200, $0x38;
	[tilespmem:$0x1C280] =	vst v63  }
0x29d: {  	_ =	swait.ge [sflag:s15], $0x200  }
0x29e: {  	[sflag:s15] =	ssyncset.done $0x0  }
0x29f: {  	s30 =	simm.s32 $0x1C080;
	[sflag:s15] =	ssyncadd.s32 $0xFFFFFE00  }
0x2a0: {  	[hbm4b:s9+s3] =	stream.linear.scatter [tilespmem:s30], [sflag:$0x2], $0x200, $0x38;
	[tilespmem:$0x1C280] =	vst v63  }
0x2a1: {  	_ =	swait.ge [sflag:s15], $0x200  }
0x2a2: {  	s16 =	sadd.s32 $0x1, s16;
	s31 =	rddreg [dreg:$0x18]  }
0x2a3: {  	p0 =	sne.s32 s16, s31  }
.Ltmp1:
0x2a4: {  	_ = 	snop;
	(pc) =	sbr.rel @p0 .LBB2_1-.Ltmp1, $3  }
0x2a5: {  	_ =	sdelay $0x1  }
0x2a6: {  	[sflag:s15] =	ssyncset.done $0x0  }
0x2a7: {  	[sflag:s15] =	ssyncadd.s32 $0xFFFFFE00  }
0x2a8: {  	_ =	sfence.sel $0x180000  }
0x2a9: {  	[bflag:$0x0] =	sbarrier.arrive $0xFFFF  }
0x2aa: {  	_ =	strace $0x90000047  }
0x2ab: {  	s0 =	stileid.u32;
	[bflag:$0x2] =	sbarrier.arrive $0xFFFF  }
0x2ac: {  	p0 =	sne.s32 s0, $0x0;
	s0 =	rddreg [dreg:$0x3]  }
0x2ad: {  	s0 =	sadd.s32 @!p0 $0x100000, s0  }
0x2ae: {  	[sflag:s0] =	ssyncadd.tile.s32 @!p0 $0x1;
	_ =	shalt  }
.Lfunc_end2:
_tile_overlayer_lowered:
.L_overlay_start_2:
0x2af: {  	(tag) =	ssettag $0x2  }
0x2b0: {  	s0 =	rddreg [dreg:$0x0];
	s2 =	stileid.u32  }
0x2b1: {  	s1 =	rddreg [dreg:$0x1];
	p0 =	sne.s32 s2, $0x0  }
0x2b2: {  	s3 =	rddreg [dreg:$0x2];
	[bflag:$0x3] =	sbarrier.arrive $0xFFFF;
	s2 =	simm.s32 @!p0 $0x1C02  }
0x2b3: {  	[timem:s3], [sflag:s2] =	dma.local @!p0 [hbm:s0], s1  }
0x2b4: {  	s0 =	simm.s32 @!p0 $0x2  }
0x2b5: {  	_ =	swait.ge @!p0 [sflag:s0], s1  }
0x2b6: {  	s1 =	ssub.s32 @!p0 $0x0, s1;
	[sflag:s0] =	ssyncset.done @!p0 $0x0  }
0x2b7: {  	[sflag:s0] =	ssyncadd.s32 @!p0 s1  }
0x2b8: {  	[bflag:$0x3] =	sbarrier.arrive $0xFFFF  }
0x2b9: {  	_ =	shalt  }

</sc_bundles>
